<compile_context>
chip_gen: v7x
topology: tpu7x:2x2x1
jax: 0.10.2.dev20260603
libtpu: 0.0.44.dev20260713+nightly
codegen_flags: <defaults>
</compile_context>

<pallas_src>
import functools

import jax
import jax.numpy as jnp
from jax import lax
from jax.experimental import pallas as pl
from jax.experimental.pallas import tpu as pltpu
from jax.experimental.pallas import tpu_sc as plsc

N_NODES = 10000
N_EDGES = 320000
D = 128

NC = 2
NS = 16
NW = NC * NS
CH = 128
NFULL = 79
EPW = NFULL * CH
E_PAD = NW * EPW
N_PAD = 10112
ROWS_PT = 632
ROWS_LAST = N_PAD - (NS - 1) * ROWS_PT
CNT_PT = 632
NB = 2
NIB = 4


@functools.cache
def _make_seg_sum(with_cnt: bool):
  mesh = plsc.VectorSubcoreMesh(
      core_axis_name="c", subcore_axis_name="s", num_cores=NC,
      num_subcores=NS)

  out_type = [jax.ShapeDtypeStruct((NC, N_PAD, D), jnp.float32)]
  if with_cnt:
    out_type.append(jax.ShapeDtypeStruct((NC * N_PAD,), jnp.float32))

  scratch = dict(
      sbuf=[pltpu.VMEM((CH,), jnp.int32) for _ in range(NIB)],
      dbuf=[pltpu.VMEM((CH,), jnp.int32) for _ in range(NIB)],
      rows=[pltpu.VMEM((CH, D), jnp.float32) for _ in range(NB)],
      ones_v=pltpu.VMEM((CH,), jnp.float32),
      cbuf=pltpu.VMEM((640,), jnp.float32),
      acc_sp=pltpu.VMEM_SHARED((N_PAD, D), jnp.float32),
      cnt_sp=pltpu.VMEM_SHARED((N_PAD,), jnp.float32),
      sem_i=[pltpu.SemaphoreType.DMA for _ in range(NIB)],
      sem_g=[pltpu.SemaphoreType.DMA for _ in range(NB)],
      sem_s=[pltpu.SemaphoreType.DMA for _ in range(NB)],
      sem_c=[pltpu.SemaphoreType.DMA for _ in range(NB)],
  )

  def body(src_hbm, dst_hbm, feat_hbm, z2d_hbm, *outs, sbuf, dbuf, rows,
           ones_v, cbuf, acc_sp, cnt_sp, sem_i, sem_g, sem_s, sem_c):
    if with_cnt:
      acc_out, cnt_out = outs
    else:
      (acc_out,) = outs

    cid = lax.axis_index("c")
    sid = lax.axis_index("s")
    wid = cid * NS + sid

    @pl.when(sid < NS - 1)
    def _():
      pltpu.sync_copy(z2d_hbm.at[pl.ds(sid * ROWS_PT, ROWS_PT)],
                      acc_sp.at[pl.ds(sid * ROWS_PT, ROWS_PT)])

    @pl.when(sid == NS - 1)
    def _():
      pltpu.sync_copy(z2d_hbm.at[pl.ds((NS - 1) * ROWS_PT, ROWS_LAST)],
                      acc_sp.at[pl.ds((NS - 1) * ROWS_PT, ROWS_LAST)])

    if with_cnt:
      for j in range(CH // 16):
        ones_v[pl.ds(j * 16, 16)] = jnp.ones((16,), jnp.float32)
      for j in range(640 // 16):
        cbuf[pl.ds(j * 16, 16)] = jnp.zeros((16,), jnp.float32)

      @pl.when(sid < NS - 1)
      def _():
        pltpu.sync_copy(cbuf.at[pl.ds(0, CNT_PT)],
                        cnt_sp.at[pl.ds(sid * CNT_PT, CNT_PT)])

      @pl.when(sid == NS - 1)
      def _():
        nlast = N_PAD - (NS - 1) * CNT_PT
        pltpu.sync_copy(cbuf.at[pl.ds(0, nlast)],
                        cnt_sp.at[pl.ds((NS - 1) * CNT_PT, nlast)])

    plsc.subcore_barrier()

    ebase = wid * EPW

    def cbase(i):
      return jnp.minimum(ebase + i * CH, E_PAD - CH)

    def idx_start(i, ib):
      base = cbase(i)
      pltpu.async_copy(src_hbm.at[pl.ds(base, CH)], sbuf[ib], sem_i[ib])
      pltpu.async_copy(dst_hbm.at[pl.ds(base, CH)], dbuf[ib], sem_i[ib])

    def idx_wait(ib):
      pltpu.make_async_copy(src_hbm.at[pl.ds(0, CH)], sbuf[ib],
                            sem_i[ib]).wait()
      pltpu.make_async_copy(dst_hbm.at[pl.ds(0, CH)], dbuf[ib],
                            sem_i[ib]).wait()

    def gather_start(b, ib):
      pltpu.async_copy(feat_hbm.at[sbuf[ib]], rows[b], sem_g[b])

    def gather_wait(b, ib):
      pltpu.make_async_copy(feat_hbm.at[sbuf[ib]], rows[b],
                            sem_g[b]).wait()

    def scatter_start(b, ib):
      pltpu.async_copy(rows[b], acc_sp.at[dbuf[ib]], sem_s[b], add=True)
      if with_cnt:
        pltpu.async_copy(ones_v, cnt_sp.at[dbuf[ib]], sem_c[b], add=True)

    def scatter_wait(b, ib):
      pltpu.make_async_copy(rows[b], acc_sp.at[dbuf[ib]], sem_s[b]).wait()
      if with_cnt:
        pltpu.make_async_copy(ones_v, cnt_sp.at[dbuf[ib]],
                              sem_c[b]).wait()

    def step(i, b, ib, first=False):
      nb = (b + 1) % NB
      nib = (ib + 1) % NIB
      idx_start(i + 2, (ib + 2) % NIB)
      idx_wait(nib)
      if not first:
        scatter_wait(nb, (ib + NIB - 1) % NIB)
      gather_start(nb, nib)
      gather_wait(b, ib)
      scatter_start(b, ib)

    idx_start(0, 0)
    idx_wait(0)
    gather_start(0, 0)
    idx_start(1, 1)

    step(0, 0, 0, first=True)

    def group(j, _):
      i0 = 4 * j + 1
      for k in range(4):
        i = i0 + k
        step(i, (1 + k) % NB, (1 + k) % NIB)
      return 0

    n_grp = (NFULL - 1) // 4
    lax.fori_loop(0, n_grp, group, 0)

    for i in range(1 + 4 * n_grp, NFULL):
      step(i, i % NB, i % NIB)

    scatter_wait((NFULL - 1) % NB, (NFULL - 1) % NIB)
    gather_wait(NFULL % NB, NFULL % NIB)
    idx_wait((NFULL + 1) % NIB)

    plsc.subcore_barrier()

    @pl.when(sid < NS - 1)
    def _():
      pltpu.sync_copy(acc_sp.at[pl.ds(sid * ROWS_PT, ROWS_PT)],
                      acc_out.at[cid, pl.ds(sid * ROWS_PT, ROWS_PT)])

    @pl.when(sid == NS - 1)
    def _():
      pltpu.sync_copy(acc_sp.at[pl.ds((NS - 1) * ROWS_PT, ROWS_LAST)],
                      acc_out.at[cid, pl.ds((NS - 1) * ROWS_PT, ROWS_LAST)])

    if with_cnt:
      @pl.when(sid < NS - 1)
      def _():
        pltpu.sync_copy(cnt_sp.at[pl.ds(sid * CNT_PT, CNT_PT)],
                        cbuf.at[pl.ds(0, CNT_PT)])
        pltpu.sync_copy(
            cbuf.at[pl.ds(0, CNT_PT)],
            cnt_out.at[pl.ds(cid * N_PAD + sid * CNT_PT, CNT_PT)])

      @pl.when(sid == NS - 1)
      def _():
        nlast = N_PAD - (NS - 1) * CNT_PT
        pltpu.sync_copy(cnt_sp.at[pl.ds((NS - 1) * CNT_PT, nlast)],
                        cbuf.at[pl.ds(0, nlast)])
        pltpu.sync_copy(
            cbuf.at[pl.ds(0, nlast)],
            cnt_out.at[pl.ds(cid * N_PAD + (NS - 1) * CNT_PT, nlast)])

  return pl.kernel(body, out_type=out_type, mesh=mesh,
                   scratch_types=scratch,
                   name="seg_sum_cnt" if with_cnt else "seg_sum")



RB = 1264
GRID = N_PAD // RB


def _mm_bias_body(x_ref, w_ref, b_ref, o_ref):
  o_ref[...] = (jnp.dot(x_ref[...], w_ref[...],
                        preferred_element_type=jnp.float32) + b_ref[...])


def _mm_bias(x, w, b):
  return pl.pallas_call(
      _mm_bias_body,
      grid=(GRID,),
      in_specs=[
          pl.BlockSpec((RB, D), lambda i: (i, 0)),
          pl.BlockSpec((D, D), lambda i: (0, 0)),
          pl.BlockSpec((D,), lambda i: (0,)),
      ],
      out_specs=pl.BlockSpec((RB, D), lambda i: (i, 0)),
      out_shape=jax.ShapeDtypeStruct((N_PAD, D), jnp.float32),
  )(x, w, b)


def _combine_body(acc_ref, cnt_ref, xr_ref, wl_ref, o_ref, *, final: bool):
  s = acc_ref[0] + acc_ref[1]
  c = cnt_ref[0] + cnt_ref[1]
  mean = s / jnp.maximum(c, 1.0)
  z = (jnp.dot(mean, wl_ref[...], preferred_element_type=jnp.float32)
       + xr_ref[...])
  if final:
    m = jnp.max(z, axis=1, keepdims=True)
    e = jnp.exp(z - m)
    lse = jnp.log(jnp.sum(e, axis=1, keepdims=True)) + m
    o_ref[...] = z - lse
  else:
    o_ref[...] = jnp.maximum(z, 0.0)


def _combine(acc, cnt, xr, w_l, final: bool):
  return pl.pallas_call(
      functools.partial(_combine_body, final=final),
      grid=(GRID,),
      in_specs=[
          pl.BlockSpec((NC, RB, D), lambda i: (0, i, 0)),
          pl.BlockSpec((NC, RB, 1), lambda i: (0, i, 0)),
          pl.BlockSpec((RB, D), lambda i: (i, 0)),
          pl.BlockSpec((D, D), lambda i: (0, 0)),
      ],
      out_specs=pl.BlockSpec((RB, D), lambda i: (i, 0)),
      out_shape=jax.ShapeDtypeStruct((N_PAD, D), jnp.float32),
  )(acc, cnt, xr, w_l)


def kernel(x, edge_index, W1_l, W1_r, b1, W2_l, W2_r, b2):
  ei = edge_index.astype(jnp.int32)
  ppw = EPW - N_EDGES // NW
  pad = jnp.broadcast_to(N_NODES + jnp.arange(ppw, dtype=jnp.int32),
                         (NW, ppw))
  src = jnp.concatenate([ei[0].reshape(NW, -1), pad], axis=1).reshape(-1)
  dst = jnp.concatenate([ei[1].reshape(NW, -1), pad], axis=1).reshape(-1)
  xp = jnp.concatenate([x, jnp.zeros((N_PAD - N_NODES, D), jnp.float32)])
  z2d = jnp.zeros((N_PAD, D), jnp.float32)

  xr = _mm_bias(xp, W1_r, b1)
  acc1, cnt = _make_seg_sum(True)(src, dst, xp, z2d)
  cnt3 = cnt.reshape(NC, N_PAD, 1)
  h = _combine(acc1, cnt3, xr, W1_l, final=False)
  hr = _mm_bias(h, W2_r, b2)
  (acc2,) = _make_seg_sum(False)(src, dst, h, z2d)
  out = _combine(acc2, cnt3, hr, W2_l, final=True)
  return out[:N_NODES]

# --- scband reference (transcript-rebuilt; emitter-appended) ---
"""Pipeline reference for scband-graph-sage-81870666596807 (READ-ONLY COPY).

The authoritative reference and input builder live on the scoring server;
editing this copy changes nothing except your own understanding.
"""

import jax, jax.numpy as jnp
import numpy as np

N_NODES = 10000
N_EDGES = 320000
D = 128


def setup_inputs(seed: int = 0) -> dict:
    key = jax.random.key(seed)
    ks = jax.random.split(key, 10)
    x = jax.random.normal(ks[0], (N_NODES, D), dtype=jnp.float32)
    edge_index = jax.random.randint(ks[1], (2, N_EDGES), 0, N_NODES, dtype=jnp.int64)
    s = 1.0 / np.sqrt(D)
    W1_l = jax.random.uniform(ks[2], (D, D), jnp.float32, -s, s)
    W1_r = jax.random.uniform(ks[3], (D, D), jnp.float32, -s, s)
    b1 = jnp.zeros((D,), jnp.float32)
    W2_l = jax.random.uniform(ks[4], (D, D), jnp.float32, -s, s)
    W2_r = jax.random.uniform(ks[5], (D, D), jnp.float32, -s, s)
    b2 = jnp.zeros((D,), jnp.float32)
    return {"x": x, "edge_index": edge_index, "W1_l": W1_l, "W1_r": W1_r, "b1": b1, "W2_l": W2_l, "W2_r": W2_r, "b2": b2}


def _sage_conv(x, src, dst, W_l, W_r, b, n_nodes):
    # mean aggregation of source-node features into destination nodes
    msgs = jnp.take(x, src, axis=0)                      # gather [E, d]
    summed = jax.ops.segment_sum(msgs, dst, num_segments=n_nodes)
    cnt = jax.ops.segment_sum(jnp.ones((src.shape[0], 1), jnp.float32), dst, num_segments=n_nodes)
    mean = summed / jnp.maximum(cnt, 1.0)
    return mean @ W_l + x @ W_r + b


def reference(x, edge_index, W1_l, W1_r, b1, W2_l, W2_r, b2):
    src = edge_index[0]
    dst = edge_index[1]
    h = _sage_conv(x, src, dst, W1_l, W1_r, b1, N_NODES)
    h = jax.nn.relu(h)
    # dropout p=0.0 in eval -> identity
    out = _sage_conv(h, src, dst, W2_l, W2_r, b2, N_NODES)
    out = jax.nn.log_softmax(out, axis=1)
    return out

if __name__ == "__main__":
    import jax
    _d = setup_inputs()
    print(jax.jit(kernel)(*tuple(_d.values())))

</pallas_src>

<mosaic_0001>
#map = affine_map<(d0, d1) -> (0)>
#map1 = affine_map<(d0, d1) -> (0, 0)>
#map2 = affine_map<(d0, d1) -> (0, 0, 0)>
module attributes {stable_mosaic.version = 14 : i64} {
  func.func @seg_sum_cnt(%arg0: i32, %arg1: i32, %arg2: memref<323584xi32, #tpu.memory_space<hbm>>, %arg3: memref<323584xi32, #tpu.memory_space<hbm>>, %arg4: memref<10112x128xf32, #tpu.memory_space<hbm>>, %arg5: memref<10112x128xf32, #tpu.memory_space<hbm>>, %arg6: memref<2x10112x128xf32, #tpu.memory_space<hbm>>, %arg7: memref<20224xf32, #tpu.memory_space<hbm>>, %arg8: memref<10112x128xf32, #tpu.memory_space<vmem_shared>>, %arg9: memref<640xf32, #tpu.memory_space<vmem>>, %arg10: memref<10112xf32, #tpu.memory_space<vmem_shared>>, %arg11: memref<128xi32, #tpu.memory_space<vmem>>, %arg12: memref<128xi32, #tpu.memory_space<vmem>>, %arg13: memref<128xi32, #tpu.memory_space<vmem>>, %arg14: memref<128xi32, #tpu.memory_space<vmem>>, %arg15: memref<128xf32, #tpu.memory_space<vmem>>, %arg16: memref<128x128xf32, #tpu.memory_space<vmem>>, %arg17: memref<128x128xf32, #tpu.memory_space<vmem>>, %arg18: memref<128xi32, #tpu.memory_space<vmem>>, %arg19: memref<128xi32, #tpu.memory_space<vmem>>, %arg20: memref<128xi32, #tpu.memory_space<vmem>>, %arg21: memref<128xi32, #tpu.memory_space<vmem>>, %arg22: memref<!tpu.dma_semaphore, #tpu.memory_space<semaphore_mem>>, %arg23: memref<!tpu.dma_semaphore, #tpu.memory_space<semaphore_mem>>, %arg24: memref<!tpu.dma_semaphore, #tpu.memory_space<semaphore_mem>>, %arg25: memref<!tpu.dma_semaphore, #tpu.memory_space<semaphore_mem>>, %arg26: memref<!tpu.dma_semaphore, #tpu.memory_space<semaphore_mem>>, %arg27: memref<!tpu.dma_semaphore, #tpu.memory_space<semaphore_mem>>, %arg28: memref<!tpu.dma_semaphore, #tpu.memory_space<semaphore_mem>>, %arg29: memref<!tpu.dma_semaphore, #tpu.memory_space<semaphore_mem>>, %arg30: memref<!tpu.dma_semaphore, #tpu.memory_space<semaphore_mem>>, %arg31: memref<!tpu.dma_semaphore, #tpu.memory_space<semaphore_mem>>) attributes {dimension_semantics = [#tpu.dimension_semantics<core_parallel>, #tpu.dimension_semantics<subcore_parallel>], iteration_bounds = array<i64: 2, 16>, scalar_prefetch = 0 : i64, scratch_operands = 24 : i64, tpu.core_type = #tpu.core_type<sc_vector_subcore>, window_params = [{transform_indices = #map}, {transform_indices = #map}, {transform_indices = #map1}, {transform_indices = #map1}, {transform_indices = #map2}, {transform_indices = #map}]} {
    %mul3A = arith.constant 16 : i32
    %mul3A_0 = arith.muli %arg0, %mul3A : i32
    %add3A = arith.addi %mul3A_0, %arg1 : i32
    %lt3A = arith.constant 15 : i32
    %lt3A_1 = arith.cmpi slt, %arg1, %lt3A : i32
    %convert_element_type3A = arith.extui %lt3A_1 : i1 to i32
    %cond3A = arith.constant 0 : i32
    %cond3A_2 = arith.cmpi ne, %convert_element_type3A, %cond3A : i32
    scf.if %cond3A_2 {
      %mul3A_463 = arith.constant 632 : i32
      %mul3A_464 = arith.muli %arg1, %mul3A_463 : i32
      %mul3A_465 = arith.constant 632 : i32
      %mul3A_466 = arith.muli %arg1, %mul3A_465 : i32
      "tpu.region"() ({
        %run_scoped3A = tpu.sem_alloc : memref<!tpu.dma_semaphore, #tpu.memory_space<semaphore_mem>>
        %dma_start3A_467 = arith.constant 0 : i32
        %dma_start3A_468 = tpu.memref_slice %arg8[%mul3A_466, %dma_start3A_467] : memref<10112x128xf32, #tpu.memory_space<vmem_shared>> -> memref<632x128xf32, #tpu.memory_space<vmem_shared>>
        %dma_start3A_469 = arith.constant 0 : i32
        %dma_start3A_470 = tpu.memref_slice %arg5[%mul3A_464, %dma_start3A_469] : memref<10112x128xf32, #tpu.memory_space<hbm>> -> memref<632x128xf32, #tpu.memory_space<hbm>>
        tpu.enqueue_dma source(%dma_start3A_470 : memref<632x128xf32, #tpu.memory_space<hbm>>) target(%dma_start3A_468 : memref<632x128xf32, #tpu.memory_space<vmem_shared>>) target_semaphore(%run_scoped3A : memref<!tpu.dma_semaphore, #tpu.memory_space<semaphore_mem>>)
        %dma_wait3A_471 = arith.constant 0 : i32
        %dma_wait3A_472 = tpu.memref_slice %arg8[%mul3A_466, %dma_wait3A_471] : memref<10112x128xf32, #tpu.memory_space<vmem_shared>> -> memref<632x128xf32, #tpu.memory_space<vmem_shared>>
        %dma_wait3A_473 = arith.constant 0 : i32
        %dma_wait3A_474 = tpu.memref_slice %arg5[%mul3A_464, %dma_wait3A_473] : memref<10112x128xf32, #tpu.memory_space<hbm>> -> memref<632x128xf32, #tpu.memory_space<hbm>>
        tpu.wait_dma2 semaphore(%run_scoped3A : memref<!tpu.dma_semaphore, #tpu.memory_space<semaphore_mem>>) src(%dma_wait3A_474 : memref<632x128xf32, #tpu.memory_space<hbm>>) dst(%dma_wait3A_472 : memref<632x128xf32, #tpu.memory_space<vmem_shared>>)
        tpu.yield
      }) : () -> ()
    } else {
    }
    %eq3A = arith.constant 15 : i32
    %eq3A_3 = arith.cmpi eq, %arg1, %eq3A : i32
    %convert_element_type3A_4 = arith.extui %eq3A_3 : i1 to i32
    %cond3A_5 = arith.constant 0 : i32
    %cond3A_6 = arith.cmpi ne, %convert_element_type3A_4, %cond3A_5 : i32
    scf.if %cond3A_6 {
      "tpu.region"() ({
        %run_scoped3A = tpu.sem_alloc : memref<!tpu.dma_semaphore, #tpu.memory_space<semaphore_mem>>
        %dma_start3A_463 = arith.constant 9480 : i32
        %dma_start3A_464 = arith.constant 0 : i32
        %dma_start3A_465 = tpu.memref_slice %arg8[%dma_start3A_463, %dma_start3A_464] : memref<10112x128xf32, #tpu.memory_space<vmem_shared>> -> memref<632x128xf32, #tpu.memory_space<vmem_shared>>
        %dma_start3A_466 = arith.constant 9480 : i32
        %dma_start3A_467 = arith.constant 0 : i32
        %dma_start3A_468 = tpu.memref_slice %arg5[%dma_start3A_466, %dma_start3A_467] : memref<10112x128xf32, #tpu.memory_space<hbm>> -> memref<632x128xf32, #tpu.memory_space<hbm>>
        tpu.enqueue_dma source(%dma_start3A_468 : memref<632x128xf32, #tpu.memory_space<hbm>>) target(%dma_start3A_465 : memref<632x128xf32, #tpu.memory_space<vmem_shared>>) target_semaphore(%run_scoped3A : memref<!tpu.dma_semaphore, #tpu.memory_space<semaphore_mem>>)
        %dma_wait3A_469 = arith.constant 9480 : i32
        %dma_wait3A_470 = arith.constant 0 : i32
        %dma_wait3A_471 = tpu.memref_slice %arg8[%dma_wait3A_469, %dma_wait3A_470] : memref<10112x128xf32, #tpu.memory_space<vmem_shared>> -> memref<632x128xf32, #tpu.memory_space<vmem_shared>>
        %dma_wait3A_472 = arith.constant 9480 : i32
        %dma_wait3A_473 = arith.constant 0 : i32
        %dma_wait3A_474 = tpu.memref_slice %arg5[%dma_wait3A_472, %dma_wait3A_473] : memref<10112x128xf32, #tpu.memory_space<hbm>> -> memref<632x128xf32, #tpu.memory_space<hbm>>
        tpu.wait_dma2 semaphore(%run_scoped3A : memref<!tpu.dma_semaphore, #tpu.memory_space<semaphore_mem>>) src(%dma_wait3A_474 : memref<632x128xf32, #tpu.memory_space<hbm>>) dst(%dma_wait3A_471 : memref<632x128xf32, #tpu.memory_space<vmem_shared>>)
        tpu.yield
      }) : () -> ()
    } else {
    }
    %broadcast_in_dim3A = arith.constant 1.000000e+00 : f32
    %broadcast_in_dim3A_7 = vector.broadcast %broadcast_in_dim3A : f32 to vector<16xf32>
    %swap3A = arith.constant 0 : index
    %swap3A_8 = tpu.vector_load %arg15[%swap3A] {strides = array<i32>} : memref<128xf32, #tpu.memory_space<vmem>>, vector<16xf32>,
    %swap3A_9 = vector.shape_cast %swap3A_8 : vector<16xf32> to vector<16xf32>
    %swap3A_10 = vector.shape_cast %broadcast_in_dim3A_7 : vector<16xf32> to vector<16xf32>
    tpu.vector_store %arg15[%swap3A], %swap3A_10 {strides = array<i32>} : memref<128xf32, #tpu.memory_space<vmem>>, vector<16xf32>,
    %broadcast_in_dim3A_11 = arith.constant 1.000000e+00 : f32
    %broadcast_in_dim3A_12 = vector.broadcast %broadcast_in_dim3A_11 : f32 to vector<16xf32>
    %swap3A_13 = arith.constant 16 : index
    %swap3A_14 = tpu.vector_load %arg15[%swap3A_13] {strides = array<i32>} : memref<128xf32, #tpu.memory_space<vmem>>, vector<16xf32>,
    %swap3A_15 = vector.shape_cast %swap3A_14 : vector<16xf32> to vector<16xf32>
    %swap3A_16 = vector.shape_cast %broadcast_in_dim3A_12 : vector<16xf32> to vector<16xf32>
    tpu.vector_store %arg15[%swap3A_13], %swap3A_16 {strides = array<i32>} : memref<128xf32, #tpu.memory_space<vmem>>, vector<16xf32>,
    %broadcast_in_dim3A_17 = arith.constant 1.000000e+00 : f32
    %broadcast_in_dim3A_18 = vector.broadcast %broadcast_in_dim3A_17 : f32 to vector<16xf32>
    %swap3A_19 = arith.constant 32 : index
    %swap3A_20 = tpu.vector_load %arg15[%swap3A_19] {strides = array<i32>} : memref<128xf32, #tpu.memory_space<vmem>>, vector<16xf32>,
    %swap3A_21 = vector.shape_cast %swap3A_20 : vector<16xf32> to vector<16xf32>
    %swap3A_22 = vector.shape_cast %broadcast_in_dim3A_18 : vector<16xf32> to vector<16xf32>
    tpu.vector_store %arg15[%swap3A_19], %swap3A_22 {strides = array<i32>} : memref<128xf32, #tpu.memory_space<vmem>>, vector<16xf32>,
    %broadcast_in_dim3A_23 = arith.constant 1.000000e+00 : f32
    %broadcast_in_dim3A_24 = vector.broadcast %broadcast_in_dim3A_23 : f32 to vector<16xf32>
    %swap3A_25 = arith.constant 48 : index
    %swap3A_26 = tpu.vector_load %arg15[%swap3A_25] {strides = array<i32>} : memref<128xf32, #tpu.memory_space<vmem>>, vector<16xf32>,
    %swap3A_27 = vector.shape_cast %swap3A_26 : vector<16xf32> to vector<16xf32>
    %swap3A_28 = vector.shape_cast %broadcast_in_dim3A_24 : vector<16xf32> to vector<16xf32>
    tpu.vector_store %arg15[%swap3A_25], %swap3A_28 {strides = array<i32>} : memref<128xf32, #tpu.memory_space<vmem>>, vector<16xf32>,
    %broadcast_in_dim3A_29 = arith.constant 1.000000e+00 : f32
    %broadcast_in_dim3A_30 = vector.broadcast %broadcast_in_dim3A_29 : f32 to vector<16xf32>
    %swap3A_31 = arith.constant 64 : index
    %swap3A_32 = tpu.vector_load %arg15[%swap3A_31] {strides = array<i32>} : memref<128xf32, #tpu.memory_space<vmem>>, vector<16xf32>,
    %swap3A_33 = vector.shape_cast %swap3A_32 : vector<16xf32> to vector<16xf32>
    %swap3A_34 = vector.shape_cast %broadcast_in_dim3A_30 : vector<16xf32> to vector<16xf32>
    tpu.vector_store %arg15[%swap3A_31], %swap3A_34 {strides = array<i32>} : memref<128xf32, #tpu.memory_space<vmem>>, vector<16xf32>,
    %broadcast_in_dim3A_35 = arith.constant 1.000000e+00 : f32
    %broadcast_in_dim3A_36 = vector.broadcast %broadcast_in_dim3A_35 : f32 to vector<16xf32>
    %swap3A_37 = arith.constant 80 : index
    %swap3A_38 = tpu.vector_load %arg15[%swap3A_37] {strides = array<i32>} : memref<128xf32, #tpu.memory_space<vmem>>, vector<16xf32>,
    %swap3A_39 = vector.shape_cast %swap3A_38 : vector<16xf32> to vector<16xf32>
    %swap3A_40 = vector.shape_cast %broadcast_in_dim3A_36 : vector<16xf32> to vector<16xf32>
    tpu.vector_store %arg15[%swap3A_37], %swap3A_40 {strides = array<i32>} : memref<128xf32, #tpu.memory_space<vmem>>, vector<16xf32>,
    %broadcast_in_dim3A_41 = arith.constant 1.000000e+00 : f32
    %broadcast_in_dim3A_42 = vector.broadcast %broadcast_in_dim3A_41 : f32 to vector<16xf32>
    %swap3A_43 = arith.constant 96 : index
    %swap3A_44 = tpu.vector_load %arg15[%swap3A_43] {strides = array<i32>} : memref<128xf32, #tpu.memory_space<vmem>>, vector<16xf32>,
    %swap3A_45 = vector.shape_cast %swap3A_44 : vector<16xf32> to vector<16xf32>
    %swap3A_46 = vector.shape_cast %broadcast_in_dim3A_42 : vector<16xf32> to vector<16xf32>
    tpu.vector_store %arg15[%swap3A_43], %swap3A_46 {strides = array<i32>} : memref<128xf32, #tpu.memory_space<vmem>>, vector<16xf32>,
    %broadcast_in_dim3A_47 = arith.constant 1.000000e+00 : f32
    %broadcast_in_dim3A_48 = vector.broadcast %broadcast_in_dim3A_47 : f32 to vector<16xf32>
    %swap3A_49 = arith.constant 112 : index
    %swap3A_50 = tpu.vector_load %arg15[%swap3A_49] {strides = array<i32>} : memref<128xf32, #tpu.memory_space<vmem>>, vector<16xf32>,
    %swap3A_51 = vector.shape_cast %swap3A_50 : vector<16xf32> to vector<16xf32>
    %swap3A_52 = vector.shape_cast %broadcast_in_dim3A_48 : vector<16xf32> to vector<16xf32>
    tpu.vector_store %arg15[%swap3A_49], %swap3A_52 {strides = array<i32>} : memref<128xf32, #tpu.memory_space<vmem>>, vector<16xf32>,
    %broadcast_in_dim3A_53 = arith.constant 0.000000e+00 : f32
    %broadcast_in_dim3A_54 = vector.broadcast %broadcast_in_dim3A_53 : f32 to vector<16xf32>
    %swap3A_55 = arith.constant 0 : index
    %swap3A_56 = tpu.vector_load %arg9[%swap3A_55] {strides = array<i32>} : memref<640xf32, #tpu.memory_space<vmem>>, vector<16xf32>,
    %swap3A_57 = vector.shape_cast %swap3A_56 : vector<16xf32> to vector<16xf32>
    %swap3A_58 = vector.shape_cast %broadcast_in_dim3A_54 : vector<16xf32> to vector<16xf32>
    tpu.vector_store %arg9[%swap3A_55], %swap3A_58 {strides = array<i32>} : memref<640xf32, #tpu.memory_space<vmem>>, vector<16xf32>,
    %broadcast_in_dim3A_59 = arith.constant 0.000000e+00 : f32
    %broadcast_in_dim3A_60 = vector.broadcast %broadcast_in_dim3A_59 : f32 to vector<16xf32>
    %swap3A_61 = arith.constant 16 : index
    %swap3A_62 = tpu.vector_load %arg9[%swap3A_61] {strides = array<i32>} : memref<640xf32, #tpu.memory_space<vmem>>, vector<16xf32>,
    %swap3A_63 = vector.shape_cast %swap3A_62 : vector<16xf32> to vector<16xf32>
    %swap3A_64 = vector.shape_cast %broadcast_in_dim3A_60 : vector<16xf32> to vector<16xf32>
    tpu.vector_store %arg9[%swap3A_61], %swap3A_64 {strides = array<i32>} : memref<640xf32, #tpu.memory_space<vmem>>, vector<16xf32>,
    %broadcast_in_dim3A_65 = arith.constant 0.000000e+00 : f32
    %broadcast_in_dim3A_66 = vector.broadcast %broadcast_in_dim3A_65 : f32 to vector<16xf32>
    %swap3A_67 = arith.constant 32 : index
    %swap3A_68 = tpu.vector_load %arg9[%swap3A_67] {strides = array<i32>} : memref<640xf32, #tpu.memory_space<vmem>>, vector<16xf32>,
    %swap3A_69 = vector.shape_cast %swap3A_68 : vector<16xf32> to vector<16xf32>
    %swap3A_70 = vector.shape_cast %broadcast_in_dim3A_66 : vector<16xf32> to vector<16xf32>
    tpu.vector_store %arg9[%swap3A_67], %swap3A_70 {strides = array<i32>} : memref<640xf32, #tpu.memory_space<vmem>>, vector<16xf32>,
    %broadcast_in_dim3A_71 = arith.constant 0.000000e+00 : f32
    %broadcast_in_dim3A_72 = vector.broadcast %broadcast_in_dim3A_71 : f32 to vector<16xf32>
    %swap3A_73 = arith.constant 48 : index
    %swap3A_74 = tpu.vector_load %arg9[%swap3A_73] {strides = array<i32>} : memref<640xf32, #tpu.memory_space<vmem>>, vector<16xf32>,
    %swap3A_75 = vector.shape_cast %swap3A_74 : vector<16xf32> to vector<16xf32>
    %swap3A_76 = vector.shape_cast %broadcast_in_dim3A_72 : vector<16xf32> to vector<16xf32>
    tpu.vector_store %arg9[%swap3A_73], %swap3A_76 {strides = array<i32>} : memref<640xf32, #tpu.memory_space<vmem>>, vector<16xf32>,
    %broadcast_in_dim3A_77 = arith.constant 0.000000e+00 : f32
    %broadcast_in_dim3A_78 = vector.broadcast %broadcast_in_dim3A_77 : f32 to vector<16xf32>
    %swap3A_79 = arith.constant 64 : index
    %swap3A_80 = tpu.vector_load %arg9[%swap3A_79] {strides = array<i32>} : memref<640xf32, #tpu.memory_space<vmem>>, vector<16xf32>,
    %swap3A_81 = vector.shape_cast %swap3A_80 : vector<16xf32> to vector<16xf32>
    %swap3A_82 = vector.shape_cast %broadcast_in_dim3A_78 : vector<16xf32> to vector<16xf32>
    tpu.vector_store %arg9[%swap3A_79], %swap3A_82 {strides = array<i32>} : memref<640xf32, #tpu.memory_space<vmem>>, vector<16xf32>,
    %broadcast_in_dim3A_83 = arith.constant 0.000000e+00 : f32
    %broadcast_in_dim3A_84 = vector.broadcast %broadcast_in_dim3A_83 : f32 to vector<16xf32>
    %swap3A_85 = arith.constant 80 : index
    %swap3A_86 = tpu.vector_load %arg9[%swap3A_85] {strides = array<i32>} : memref<640xf32, #tpu.memory_space<vmem>>, vector<16xf32>,
    %swap3A_87 = vector.shape_cast %swap3A_86 : vector<16xf32> to vector<16xf32>
    %swap3A_88 = vector.shape_cast %broadcast_in_dim3A_84 : vector<16xf32> to vector<16xf32>
    tpu.vector_store %arg9[%swap3A_85], %swap3A_88 {strides = array<i32>} : memref<640xf32, #tpu.memory_space<vmem>>, vector<16xf32>,
    %broadcast_in_dim3A_89 = arith.constant 0.000000e+00 : f32
    %broadcast_in_dim3A_90 = vector.broadcast %broadcast_in_dim3A_89 : f32 to vector<16xf32>
    %swap3A_91 = arith.constant 96 : index
    %swap3A_92 = tpu.vector_load %arg9[%swap3A_91] {strides = array<i32>} : memref<640xf32, #tpu.memory_space<vmem>>, vector<16xf32>,
    %swap3A_93 = vector.shape_cast %swap3A_92 : vector<16xf32> to vector<16xf32>
    %swap3A_94 = vector.shape_cast %broadcast_in_dim3A_90 : vector<16xf32> to vector<16xf32>
    tpu.vector_store %arg9[%swap3A_91], %swap3A_94 {strides = array<i32>} : memref<640xf32, #tpu.memory_space<vmem>>, vector<16xf32>,
    %broadcast_in_dim3A_95 = arith.constant 0.000000e+00 : f32
    %broadcast_in_dim3A_96 = vector.broadcast %broadcast_in_dim3A_95 : f32 to vector<16xf32>
    %swap3A_97 = arith.constant 112 : index
    %swap3A_98 = tpu.vector_load %arg9[%swap3A_97] {strides = array<i32>} : memref<640xf32, #tpu.memory_space<vmem>>, vector<16xf32>,
    %swap3A_99 = vector.shape_cast %swap3A_98 : vector<16xf32> to vector<16xf32>
    %swap3A_100 = vector.shape_cast %broadcast_in_dim3A_96 : vector<16xf32> to vector<16xf32>
    tpu.vector_store %arg9[%swap3A_97], %swap3A_100 {strides = array<i32>} : memref<640xf32, #tpu.memory_space<vmem>>, vector<16xf32>,
    %broadcast_in_dim3A_101 = arith.constant 0.000000e+00 : f32
    %broadcast_in_dim3A_102 = vector.broadcast %broadcast_in_dim3A_101 : f32 to vector<16xf32>
    %swap3A_103 = arith.constant 128 : index
    %swap3A_104 = tpu.vector_load %arg9[%swap3A_103] {strides = array<i32>} : memref<640xf32, #tpu.memory_space<vmem>>, vector<16xf32>,
    %swap3A_105 = vector.shape_cast %swap3A_104 : vector<16xf32> to vector<16xf32>
    %swap3A_106 = vector.shape_cast %broadcast_in_dim3A_102 : vector<16xf32> to vector<16xf32>
    tpu.vector_store %arg9[%swap3A_103], %swap3A_106 {strides = array<i32>} : memref<640xf32, #tpu.memory_space<vmem>>, vector<16xf32>,
    %broadcast_in_dim3A_107 = arith.constant 0.000000e+00 : f32
    %broadcast_in_dim3A_108 = vector.broadcast %broadcast_in_dim3A_107 : f32 to vector<16xf32>
    %swap3A_109 = arith.constant 144 : index
    %swap3A_110 = tpu.vector_load %arg9[%swap3A_109] {strides = array<i32>} : memref<640xf32, #tpu.memory_space<vmem>>, vector<16xf32>,
    %swap3A_111 = vector.shape_cast %swap3A_110 : vector<16xf32> to vector<16xf32>
    %swap3A_112 = vector.shape_cast %broadcast_in_dim3A_108 : vector<16xf32> to vector<16xf32>
    tpu.vector_store %arg9[%swap3A_109], %swap3A_112 {strides = array<i32>} : memref<640xf32, #tpu.memory_space<vmem>>, vector<16xf32>,
    %broadcast_in_dim3A_113 = arith.constant 0.000000e+00 : f32
    %broadcast_in_dim3A_114 = vector.broadcast %broadcast_in_dim3A_113 : f32 to vector<16xf32>
    %swap3A_115 = arith.constant 160 : index
    %swap3A_116 = tpu.vector_load %arg9[%swap3A_115] {strides = array<i32>} : memref<640xf32, #tpu.memory_space<vmem>>, vector<16xf32>,
    %swap3A_117 = vector.shape_cast %swap3A_116 : vector<16xf32> to vector<16xf32>
    %swap3A_118 = vector.shape_cast %broadcast_in_dim3A_114 : vector<16xf32> to vector<16xf32>
    tpu.vector_store %arg9[%swap3A_115], %swap3A_118 {strides = array<i32>} : memref<640xf32, #tpu.memory_space<vmem>>, vector<16xf32>,
    %broadcast_in_dim3A_119 = arith.constant 0.000000e+00 : f32
    %broadcast_in_dim3A_120 = vector.broadcast %broadcast_in_dim3A_119 : f32 to vector<16xf32>
    %swap3A_121 = arith.constant 176 : index
    %swap3A_122 = tpu.vector_load %arg9[%swap3A_121] {strides = array<i32>} : memref<640xf32, #tpu.memory_space<vmem>>, vector<16xf32>,
    %swap3A_123 = vector.shape_cast %swap3A_122 : vector<16xf32> to vector<16xf32>
    %swap3A_124 = vector.shape_cast %broadcast_in_dim3A_120 : vector<16xf32> to vector<16xf32>
    tpu.vector_store %arg9[%swap3A_121], %swap3A_124 {strides = array<i32>} : memref<640xf32, #tpu.memory_space<vmem>>, vector<16xf32>,
    %broadcast_in_dim3A_125 = arith.constant 0.000000e+00 : f32
    %broadcast_in_dim3A_126 = vector.broadcast %broadcast_in_dim3A_125 : f32 to vector<16xf32>
    %swap3A_127 = arith.constant 192 : index
    %swap3A_128 = tpu.vector_load %arg9[%swap3A_127] {strides = array<i32>} : memref<640xf32, #tpu.memory_space<vmem>>, vector<16xf32>,
    %swap3A_129 = vector.shape_cast %swap3A_128 : vector<16xf32> to vector<16xf32>
    %swap3A_130 = vector.shape_cast %broadcast_in_dim3A_126 : vector<16xf32> to vector<16xf32>
    tpu.vector_store %arg9[%swap3A_127], %swap3A_130 {strides = array<i32>} : memref<640xf32, #tpu.memory_space<vmem>>, vector<16xf32>,
    %broadcast_in_dim3A_131 = arith.constant 0.000000e+00 : f32
    %broadcast_in_dim3A_132 = vector.broadcast %broadcast_in_dim3A_131 : f32 to vector<16xf32>
    %swap3A_133 = arith.constant 208 : index
    %swap3A_134 = tpu.vector_load %arg9[%swap3A_133] {strides = array<i32>} : memref<640xf32, #tpu.memory_space<vmem>>, vector<16xf32>,
    %swap3A_135 = vector.shape_cast %swap3A_134 : vector<16xf32> to vector<16xf32>
    %swap3A_136 = vector.shape_cast %broadcast_in_dim3A_132 : vector<16xf32> to vector<16xf32>
    tpu.vector_store %arg9[%swap3A_133], %swap3A_136 {strides = array<i32>} : memref<640xf32, #tpu.memory_space<vmem>>, vector<16xf32>,
    %broadcast_in_dim3A_137 = arith.constant 0.000000e+00 : f32
    %broadcast_in_dim3A_138 = vector.broadcast %broadcast_in_dim3A_137 : f32 to vector<16xf32>
    %swap3A_139 = arith.constant 224 : index
    %swap3A_140 = tpu.vector_load %arg9[%swap3A_139] {strides = array<i32>} : memref<640xf32, #tpu.memory_space<vmem>>, vector<16xf32>,
    %swap3A_141 = vector.shape_cast %swap3A_140 : vector<16xf32> to vector<16xf32>
    %swap3A_142 = vector.shape_cast %broadcast_in_dim3A_138 : vector<16xf32> to vector<16xf32>
    tpu.vector_store %arg9[%swap3A_139], %swap3A_142 {strides = array<i32>} : memref<640xf32, #tpu.memory_space<vmem>>, vector<16xf32>,
    %broadcast_in_dim3A_143 = arith.constant 0.000000e+00 : f32
    %broadcast_in_dim3A_144 = vector.broadcast %broadcast_in_dim3A_143 : f32 to vector<16xf32>
    %swap3A_145 = arith.constant 240 : index
    %swap3A_146 = tpu.vector_load %arg9[%swap3A_145] {strides = array<i32>} : memref<640xf32, #tpu.memory_space<vmem>>, vector<16xf32>,
    %swap3A_147 = vector.shape_cast %swap3A_146 : vector<16xf32> to vector<16xf32>
    %swap3A_148 = vector.shape_cast %broadcast_in_dim3A_144 : vector<16xf32> to vector<16xf32>
    tpu.vector_store %arg9[%swap3A_145], %swap3A_148 {strides = array<i32>} : memref<640xf32, #tpu.memory_space<vmem>>, vector<16xf32>,
    %broadcast_in_dim3A_149 = arith.constant 0.000000e+00 : f32
    %broadcast_in_dim3A_150 = vector.broadcast %broadcast_in_dim3A_149 : f32 to vector<16xf32>
    %swap3A_151 = arith.constant 256 : index
    %swap3A_152 = tpu.vector_load %arg9[%swap3A_151] {strides = array<i32>} : memref<640xf32, #tpu.memory_space<vmem>>, vector<16xf32>,
    %swap3A_153 = vector.shape_cast %swap3A_152 : vector<16xf32> to vector<16xf32>
    %swap3A_154 = vector.shape_cast %broadcast_in_dim3A_150 : vector<16xf32> to vector<16xf32>
    tpu.vector_store %arg9[%swap3A_151], %swap3A_154 {strides = array<i32>} : memref<640xf32, #tpu.memory_space<vmem>>, vector<16xf32>,
    %broadcast_in_dim3A_155 = arith.constant 0.000000e+00 : f32
    %broadcast_in_dim3A_156 = vector.broadcast %broadcast_in_dim3A_155 : f32 to vector<16xf32>
    %swap3A_157 = arith.constant 272 : index
    %swap3A_158 = tpu.vector_load %arg9[%swap3A_157] {strides = array<i32>} : memref<640xf32, #tpu.memory_space<vmem>>, vector<16xf32>,
    %swap3A_159 = vector.shape_cast %swap3A_158 : vector<16xf32> to vector<16xf32>
    %swap3A_160 = vector.shape_cast %broadcast_in_dim3A_156 : vector<16xf32> to vector<16xf32>
    tpu.vector_store %arg9[%swap3A_157], %swap3A_160 {strides = array<i32>} : memref<640xf32, #tpu.memory_space<vmem>>, vector<16xf32>,
    %broadcast_in_dim3A_161 = arith.constant 0.000000e+00 : f32
    %broadcast_in_dim3A_162 = vector.broadcast %broadcast_in_dim3A_161 : f32 to vector<16xf32>
    %swap3A_163 = arith.constant 288 : index
    %swap3A_164 = tpu.vector_load %arg9[%swap3A_163] {strides = array<i32>} : memref<640xf32, #tpu.memory_space<vmem>>, vector<16xf32>,
    %swap3A_165 = vector.shape_cast %swap3A_164 : vector<16xf32> to vector<16xf32>
    %swap3A_166 = vector.shape_cast %broadcast_in_dim3A_162 : vector<16xf32> to vector<16xf32>
    tpu.vector_store %arg9[%swap3A_163], %swap3A_166 {strides = array<i32>} : memref<640xf32, #tpu.memory_space<vmem>>, vector<16xf32>,
    %broadcast_in_dim3A_167 = arith.constant 0.000000e+00 : f32
    %broadcast_in_dim3A_168 = vector.broadcast %broadcast_in_dim3A_167 : f32 to vector<16xf32>
    %swap3A_169 = arith.constant 304 : index
    %swap3A_170 = tpu.vector_load %arg9[%swap3A_169] {strides = array<i32>} : memref<640xf32, #tpu.memory_space<vmem>>, vector<16xf32>,
    %swap3A_171 = vector.shape_cast %swap3A_170 : vector<16xf32> to vector<16xf32>
    %swap3A_172 = vector.shape_cast %broadcast_in_dim3A_168 : vector<16xf32> to vector<16xf32>
    tpu.vector_store %arg9[%swap3A_169], %swap3A_172 {strides = array<i32>} : memref<640xf32, #tpu.memory_space<vmem>>, vector<16xf32>,
    %broadcast_in_dim3A_173 = arith.constant 0.000000e+00 : f32
    %broadcast_in_dim3A_174 = vector.broadcast %broadcast_in_dim3A_173 : f32 to vector<16xf32>
    %swap3A_175 = arith.constant 320 : index
    %swap3A_176 = tpu.vector_load %arg9[%swap3A_175] {strides = array<i32>} : memref<640xf32, #tpu.memory_space<vmem>>, vector<16xf32>,
    %swap3A_177 = vector.shape_cast %swap3A_176 : vector<16xf32> to vector<16xf32>
    %swap3A_178 = vector.shape_cast %broadcast_in_dim3A_174 : vector<16xf32> to vector<16xf32>
    tpu.vector_store %arg9[%swap3A_175], %swap3A_178 {strides = array<i32>} : memref<640xf32, #tpu.memory_space<vmem>>, vector<16xf32>,
    %broadcast_in_dim3A_179 = arith.constant 0.000000e+00 : f32
    %broadcast_in_dim3A_180 = vector.broadcast %broadcast_in_dim3A_179 : f32 to vector<16xf32>
    %swap3A_181 = arith.constant 336 : index
    %swap3A_182 = tpu.vector_load %arg9[%swap3A_181] {strides = array<i32>} : memref<640xf32, #tpu.memory_space<vmem>>, vector<16xf32>,
    %swap3A_183 = vector.shape_cast %swap3A_182 : vector<16xf32> to vector<16xf32>
    %swap3A_184 = vector.shape_cast %broadcast_in_dim3A_180 : vector<16xf32> to vector<16xf32>
    tpu.vector_store %arg9[%swap3A_181], %swap3A_184 {strides = array<i32>} : memref<640xf32, #tpu.memory_space<vmem>>, vector<16xf32>,
    %broadcast_in_dim3A_185 = arith.constant 0.000000e+00 : f32
    %broadcast_in_dim3A_186 = vector.broadcast %broadcast_in_dim3A_185 : f32 to vector<16xf32>
    %swap3A_187 = arith.constant 352 : index
    %swap3A_188 = tpu.vector_load %arg9[%swap3A_187] {strides = array<i32>} : memref<640xf32, #tpu.memory_space<vmem>>, vector<16xf32>,
    %swap3A_189 = vector.shape_cast %swap3A_188 : vector<16xf32> to vector<16xf32>
    %swap3A_190 = vector.shape_cast %broadcast_in_dim3A_186 : vector<16xf32> to vector<16xf32>
    tpu.vector_store %arg9[%swap3A_187], %swap3A_190 {strides = array<i32>} : memref<640xf32, #tpu.memory_space<vmem>>, vector<16xf32>,
    %broadcast_in_dim3A_191 = arith.constant 0.000000e+00 : f32
    %broadcast_in_dim3A_192 = vector.broadcast %broadcast_in_dim3A_191 : f32 to vector<16xf32>
    %swap3A_193 = arith.constant 368 : index
    %swap3A_194 = tpu.vector_load %arg9[%swap3A_193] {strides = array<i32>} : memref<640xf32, #tpu.memory_space<vmem>>, vector<16xf32>,
    %swap3A_195 = vector.shape_cast %swap3A_194 : vector<16xf32> to vector<16xf32>
    %swap3A_196 = vector.shape_cast %broadcast_in_dim3A_192 : vector<16xf32> to vector<16xf32>
    tpu.vector_store %arg9[%swap3A_193], %swap3A_196 {strides = array<i32>} : memref<640xf32, #tpu.memory_space<vmem>>, vector<16xf32>,
    %broadcast_in_dim3A_197 = arith.constant 0.000000e+00 : f32
    %broadcast_in_dim3A_198 = vector.broadcast %broadcast_in_dim3A_197 : f32 to vector<16xf32>
    %swap3A_199 = arith.constant 384 : index
    %swap3A_200 = tpu.vector_load %arg9[%swap3A_199] {strides = array<i32>} : memref<640xf32, #tpu.memory_space<vmem>>, vector<16xf32>,
    %swap3A_201 = vector.shape_cast %swap3A_200 : vector<16xf32> to vector<16xf32>
    %swap3A_202 = vector.shape_cast %broadcast_in_dim3A_198 : vector<16xf32> to vector<16xf32>
    tpu.vector_store %arg9[%swap3A_199], %swap3A_202 {strides = array<i32>} : memref<640xf32, #tpu.memory_space<vmem>>, vector<16xf32>,
    %broadcast_in_dim3A_203 = arith.constant 0.000000e+00 : f32
    %broadcast_in_dim3A_204 = vector.broadcast %broadcast_in_dim3A_203 : f32 to vector<16xf32>
    %swap3A_205 = arith.constant 400 : index
    %swap3A_206 = tpu.vector_load %arg9[%swap3A_205] {strides = array<i32>} : memref<640xf32, #tpu.memory_space<vmem>>, vector<16xf32>,
    %swap3A_207 = vector.shape_cast %swap3A_206 : vector<16xf32> to vector<16xf32>
    %swap3A_208 = vector.shape_cast %broadcast_in_dim3A_204 : vector<16xf32> to vector<16xf32>
    tpu.vector_store %arg9[%swap3A_205], %swap3A_208 {strides = array<i32>} : memref<640xf32, #tpu.memory_space<vmem>>, vector<16xf32>,
    %broadcast_in_dim3A_209 = arith.constant 0.000000e+00 : f32
    %broadcast_in_dim3A_210 = vector.broadcast %broadcast_in_dim3A_209 : f32 to vector<16xf32>
    %swap3A_211 = arith.constant 416 : index
    %swap3A_212 = tpu.vector_load %arg9[%swap3A_211] {strides = array<i32>} : memref<640xf32, #tpu.memory_space<vmem>>, vector<16xf32>,
    %swap3A_213 = vector.shape_cast %swap3A_212 : vector<16xf32> to vector<16xf32>
    %swap3A_214 = vector.shape_cast %broadcast_in_dim3A_210 : vector<16xf32> to vector<16xf32>
    tpu.vector_store %arg9[%swap3A_211], %swap3A_214 {strides = array<i32>} : memref<640xf32, #tpu.memory_space<vmem>>, vector<16xf32>,
    %broadcast_in_dim3A_215 = arith.constant 0.000000e+00 : f32
    %broadcast_in_dim3A_216 = vector.broadcast %broadcast_in_dim3A_215 : f32 to vector<16xf32>
    %swap3A_217 = arith.constant 432 : index
    %swap3A_218 = tpu.vector_load %arg9[%swap3A_217] {strides = array<i32>} : memref<640xf32, #tpu.memory_space<vmem>>, vector<16xf32>,
    %swap3A_219 = vector.shape_cast %swap3A_218 : vector<16xf32> to vector<16xf32>
    %swap3A_220 = vector.shape_cast %broadcast_in_dim3A_216 : vector<16xf32> to vector<16xf32>
    tpu.vector_store %arg9[%swap3A_217], %swap3A_220 {strides = array<i32>} : memref<640xf32, #tpu.memory_space<vmem>>, vector<16xf32>,
    %broadcast_in_dim3A_221 = arith.constant 0.000000e+00 : f32
    %broadcast_in_dim3A_222 = vector.broadcast %broadcast_in_dim3A_221 : f32 to vector<16xf32>
    %swap3A_223 = arith.constant 448 : index
    %swap3A_224 = tpu.vector_load %arg9[%swap3A_223] {strides = array<i32>} : memref<640xf32, #tpu.memory_space<vmem>>, vector<16xf32>,
    %swap3A_225 = vector.shape_cast %swap3A_224 : vector<16xf32> to vector<16xf32>
    %swap3A_226 = vector.shape_cast %broadcast_in_dim3A_222 : vector<16xf32> to vector<16xf32>
    tpu.vector_store %arg9[%swap3A_223], %swap3A_226 {strides = array<i32>} : memref<640xf32, #tpu.memory_space<vmem>>, vector<16xf32>,
    %broadcast_in_dim3A_227 = arith.constant 0.000000e+00 : f32
    %broadcast_in_dim3A_228 = vector.broadcast %broadcast_in_dim3A_227 : f32 to vector<16xf32>
    %swap3A_229 = arith.constant 464 : index
    %swap3A_230 = tpu.vector_load %arg9[%swap3A_229] {strides = array<i32>} : memref<640xf32, #tpu.memory_space<vmem>>, vector<16xf32>,
    %swap3A_231 = vector.shape_cast %swap3A_230 : vector<16xf32> to vector<16xf32>
    %swap3A_232 = vector.shape_cast %broadcast_in_dim3A_228 : vector<16xf32> to vector<16xf32>
    tpu.vector_store %arg9[%swap3A_229], %swap3A_232 {strides = array<i32>} : memref<640xf32, #tpu.memory_space<vmem>>, vector<16xf32>,
    %broadcast_in_dim3A_233 = arith.constant 0.000000e+00 : f32
    %broadcast_in_dim3A_234 = vector.broadcast %broadcast_in_dim3A_233 : f32 to vector<16xf32>
    %swap3A_235 = arith.constant 480 : index
    %swap3A_236 = tpu.vector_load %arg9[%swap3A_235] {strides = array<i32>} : memref<640xf32, #tpu.memory_space<vmem>>, vector<16xf32>,
    %swap3A_237 = vector.shape_cast %swap3A_236 : vector<16xf32> to vector<16xf32>
    %swap3A_238 = vector.shape_cast %broadcast_in_dim3A_234 : vector<16xf32> to vector<16xf32>
    tpu.vector_store %arg9[%swap3A_235], %swap3A_238 {strides = array<i32>} : memref<640xf32, #tpu.memory_space<vmem>>, vector<16xf32>,
    %broadcast_in_dim3A_239 = arith.constant 0.000000e+00 : f32
    %broadcast_in_dim3A_240 = vector.broadcast %broadcast_in_dim3A_239 : f32 to vector<16xf32>
    %swap3A_241 = arith.constant 496 : index
    %swap3A_242 = tpu.vector_load %arg9[%swap3A_241] {strides = array<i32>} : memref<640xf32, #tpu.memory_space<vmem>>, vector<16xf32>,
    %swap3A_243 = vector.shape_cast %swap3A_242 : vector<16xf32> to vector<16xf32>
    %swap3A_244 = vector.shape_cast %broadcast_in_dim3A_240 : vector<16xf32> to vector<16xf32>
    tpu.vector_store %arg9[%swap3A_241], %swap3A_244 {strides = array<i32>} : memref<640xf32, #tpu.memory_space<vmem>>, vector<16xf32>,
    %broadcast_in_dim3A_245 = arith.constant 0.000000e+00 : f32
    %broadcast_in_dim3A_246 = vector.broadcast %broadcast_in_dim3A_245 : f32 to vector<16xf32>
    %swap3A_247 = arith.constant 512 : index
    %swap3A_248 = tpu.vector_load %arg9[%swap3A_247] {strides = array<i32>} : memref<640xf32, #tpu.memory_space<vmem>>, vector<16xf32>,
    %swap3A_249 = vector.shape_cast %swap3A_248 : vector<16xf32> to vector<16xf32>
    %swap3A_250 = vector.shape_cast %broadcast_in_dim3A_246 : vector<16xf32> to vector<16xf32>
    tpu.vector_store %arg9[%swap3A_247], %swap3A_250 {strides = array<i32>} : memref<640xf32, #tpu.memory_space<vmem>>, vector<16xf32>,
    %broadcast_in_dim3A_251 = arith.constant 0.000000e+00 : f32
    %broadcast_in_dim3A_252 = vector.broadcast %broadcast_in_dim3A_251 : f32 to vector<16xf32>
    %swap3A_253 = arith.constant 528 : index
    %swap3A_254 = tpu.vector_load %arg9[%swap3A_253] {strides = array<i32>} : memref<640xf32, #tpu.memory_space<vmem>>, vector<16xf32>,
    %swap3A_255 = vector.shape_cast %swap3A_254 : vector<16xf32> to vector<16xf32>
    %swap3A_256 = vector.shape_cast %broadcast_in_dim3A_252 : vector<16xf32> to vector<16xf32>
    tpu.vector_store %arg9[%swap3A_253], %swap3A_256 {strides = array<i32>} : memref<640xf32, #tpu.memory_space<vmem>>, vector<16xf32>,
    %broadcast_in_dim3A_257 = arith.constant 0.000000e+00 : f32
    %broadcast_in_dim3A_258 = vector.broadcast %broadcast_in_dim3A_257 : f32 to vector<16xf32>
    %swap3A_259 = arith.constant 544 : index
    %swap3A_260 = tpu.vector_load %arg9[%swap3A_259] {strides = array<i32>} : memref<640xf32, #tpu.memory_space<vmem>>, vector<16xf32>,
    %swap3A_261 = vector.shape_cast %swap3A_260 : vector<16xf32> to vector<16xf32>
    %swap3A_262 = vector.shape_cast %broadcast_in_dim3A_258 : vector<16xf32> to vector<16xf32>
    tpu.vector_store %arg9[%swap3A_259], %swap3A_262 {strides = array<i32>} : memref<640xf32, #tpu.memory_space<vmem>>, vector<16xf32>,
    %broadcast_in_dim3A_263 = arith.constant 0.000000e+00 : f32
    %broadcast_in_dim3A_264 = vector.broadcast %broadcast_in_dim3A_263 : f32 to vector<16xf32>
    %swap3A_265 = arith.constant 560 : index
    %swap3A_266 = tpu.vector_load %arg9[%swap3A_265] {strides = array<i32>} : memref<640xf32, #tpu.memory_space<vmem>>, vector<16xf32>,
    %swap3A_267 = vector.shape_cast %swap3A_266 : vector<16xf32> to vector<16xf32>
    %swap3A_268 = vector.shape_cast %broadcast_in_dim3A_264 : vector<16xf32> to vector<16xf32>
    tpu.vector_store %arg9[%swap3A_265], %swap3A_268 {strides = array<i32>} : memref<640xf32, #tpu.memory_space<vmem>>, vector<16xf32>,
    %broadcast_in_dim3A_269 = arith.constant 0.000000e+00 : f32
    %broadcast_in_dim3A_270 = vector.broadcast %broadcast_in_dim3A_269 : f32 to vector<16xf32>
    %swap3A_271 = arith.constant 576 : index
    %swap3A_272 = tpu.vector_load %arg9[%swap3A_271] {strides = array<i32>} : memref<640xf32, #tpu.memory_space<vmem>>, vector<16xf32>,
    %swap3A_273 = vector.shape_cast %swap3A_272 : vector<16xf32> to vector<16xf32>
    %swap3A_274 = vector.shape_cast %broadcast_in_dim3A_270 : vector<16xf32> to vector<16xf32>
    tpu.vector_store %arg9[%swap3A_271], %swap3A_274 {strides = array<i32>} : memref<640xf32, #tpu.memory_space<vmem>>, vector<16xf32>,
    %broadcast_in_dim3A_275 = arith.constant 0.000000e+00 : f32
    %broadcast_in_dim3A_276 = vector.broadcast %broadcast_in_dim3A_275 : f32 to vector<16xf32>
    %swap3A_277 = arith.constant 592 : index
    %swap3A_278 = tpu.vector_load %arg9[%swap3A_277] {strides = array<i32>} : memref<640xf32, #tpu.memory_space<vmem>>, vector<16xf32>,
    %swap3A_279 = vector.shape_cast %swap3A_278 : vector<16xf32> to vector<16xf32>
    %swap3A_280 = vector.shape_cast %broadcast_in_dim3A_276 : vector<16xf32> to vector<16xf32>
    tpu.vector_store %arg9[%swap3A_277], %swap3A_280 {strides = array<i32>} : memref<640xf32, #tpu.memory_space<vmem>>, vector<16xf32>,
    %broadcast_in_dim3A_281 = arith.constant 0.000000e+00 : f32
    %broadcast_in_dim3A_282 = vector.broadcast %broadcast_in_dim3A_281 : f32 to vector<16xf32>
    %swap3A_283 = arith.constant 608 : index
    %swap3A_284 = tpu.vector_load %arg9[%swap3A_283] {strides = array<i32>} : memref<640xf32, #tpu.memory_space<vmem>>, vector<16xf32>,
    %swap3A_285 = vector.shape_cast %swap3A_284 : vector<16xf32> to vector<16xf32>
    %swap3A_286 = vector.shape_cast %broadcast_in_dim3A_282 : vector<16xf32> to vector<16xf32>
    tpu.vector_store %arg9[%swap3A_283], %swap3A_286 {strides = array<i32>} : memref<640xf32, #tpu.memory_space<vmem>>, vector<16xf32>,
    %broadcast_in_dim3A_287 = arith.constant 0.000000e+00 : f32
    %broadcast_in_dim3A_288 = vector.broadcast %broadcast_in_dim3A_287 : f32 to vector<16xf32>
    %swap3A_289 = arith.constant 624 : index
    %swap3A_290 = tpu.vector_load %arg9[%swap3A_289] {strides = array<i32>} : memref<640xf32, #tpu.memory_space<vmem>>, vector<16xf32>,
    %swap3A_291 = vector.shape_cast %swap3A_290 : vector<16xf32> to vector<16xf32>
    %swap3A_292 = vector.shape_cast %broadcast_in_dim3A_288 : vector<16xf32> to vector<16xf32>
    tpu.vector_store %arg9[%swap3A_289], %swap3A_292 {strides = array<i32>} : memref<640xf32, #tpu.memory_space<vmem>>, vector<16xf32>,
    %lt3A_293 = arith.constant 15 : i32
    %lt3A_294 = arith.cmpi slt, %arg1, %lt3A_293 : i32
    %convert_element_type3A_295 = arith.extui %lt3A_294 : i1 to i32
    %cond3A_296 = arith.constant 0 : i32
    %cond3A_297 = arith.cmpi ne, %convert_element_type3A_295, %cond3A_296 : i32
    scf.if %cond3A_297 {
      %mul3A_463 = arith.constant 632 : i32
      %mul3A_464 = arith.muli %arg1, %mul3A_463 : i32
      "tpu.region"() ({
        %run_scoped3A = tpu.sem_alloc : memref<!tpu.dma_semaphore, #tpu.memory_space<semaphore_mem>>
        %dma_start3A_465 = arith.constant 0 : i32
        %dma_start3A_466 = tpu.memref_slice %arg9[%dma_start3A_465] : memref<640xf32, #tpu.memory_space<vmem>> -> memref<632xf32, #tpu.memory_space<vmem>>
        %dma_start3A_467 = tpu.memref_slice %arg10[%mul3A_464] : memref<10112xf32, #tpu.memory_space<vmem_shared>> -> memref<632xf32, #tpu.memory_space<vmem_shared>>
        %dma_start3A_468 = tpu.memref_slice %arg10[%mul3A_464] : memref<10112xf32, #tpu.memory_space<vmem_shared>> -> memref<632xf32, #tpu.memory_space<vmem_shared>>
        %dma_start3A_469 = arith.constant 0 : i32
        %dma_start3A_470 = tpu.memref_slice %arg9[%dma_start3A_469] : memref<640xf32, #tpu.memory_space<vmem>> -> memref<632xf32, #tpu.memory_space<vmem>>
        tpu.enqueue_dma source(%dma_start3A_470 : memref<632xf32, #tpu.memory_space<vmem>>) target(%dma_start3A_468 : memref<632xf32, #tpu.memory_space<vmem_shared>>) target_semaphore(%run_scoped3A : memref<!tpu.dma_semaphore, #tpu.memory_space<semaphore_mem>>)
        %dma_wait3A_471 = arith.constant 0 : i32
        %dma_wait3A_472 = tpu.memref_slice %arg9[%dma_wait3A_471] : memref<640xf32, #tpu.memory_space<vmem>> -> memref<632xf32, #tpu.memory_space<vmem>>
        %dma_wait3A_473 = tpu.memref_slice %arg10[%mul3A_464] : memref<10112xf32, #tpu.memory_space<vmem_shared>> -> memref<632xf32, #tpu.memory_space<vmem_shared>>
        %dma_wait3A_474 = tpu.memref_slice %arg10[%mul3A_464] : memref<10112xf32, #tpu.memory_space<vmem_shared>> -> memref<632xf32, #tpu.memory_space<vmem_shared>>
        %dma_wait3A_475 = arith.constant 0 : i32
        %dma_wait3A_476 = tpu.memref_slice %arg9[%dma_wait3A_475] : memref<640xf32, #tpu.memory_space<vmem>> -> memref<632xf32, #tpu.memory_space<vmem>>
        tpu.wait_dma2 semaphore(%run_scoped3A : memref<!tpu.dma_semaphore, #tpu.memory_space<semaphore_mem>>) src(%dma_wait3A_476 : memref<632xf32, #tpu.memory_space<vmem>>) dst(%dma_wait3A_474 : memref<632xf32, #tpu.memory_space<vmem_shared>>)
        tpu.yield
      }) : () -> ()
    } else {
    }
    %eq3A_298 = arith.constant 15 : i32
    %eq3A_299 = arith.cmpi eq, %arg1, %eq3A_298 : i32
    %convert_element_type3A_300 = arith.extui %eq3A_299 : i1 to i32
    %cond3A_301 = arith.constant 0 : i32
    %cond3A_302 = arith.cmpi ne, %convert_element_type3A_300, %cond3A_301 : i32
    scf.if %cond3A_302 {
      "tpu.region"() ({
        %run_scoped3A = tpu.sem_alloc : memref<!tpu.dma_semaphore, #tpu.memory_space<semaphore_mem>>
        %dma_start3A_463 = arith.constant 0 : i32
        %dma_start3A_464 = tpu.memref_slice %arg9[%dma_start3A_463] : memref<640xf32, #tpu.memory_space<vmem>> -> memref<632xf32, #tpu.memory_space<vmem>>
        %dma_start3A_465 = arith.constant 9480 : i32
        %dma_start3A_466 = tpu.memref_slice %arg10[%dma_start3A_465] : memref<10112xf32, #tpu.memory_space<vmem_shared>> -> memref<632xf32, #tpu.memory_space<vmem_shared>>
        %dma_start3A_467 = arith.constant 9480 : i32
        %dma_start3A_468 = tpu.memref_slice %arg10[%dma_start3A_467] : memref<10112xf32, #tpu.memory_space<vmem_shared>> -> memref<632xf32, #tpu.memory_space<vmem_shared>>
        %dma_start3A_469 = arith.constant 0 : i32
        %dma_start3A_470 = tpu.memref_slice %arg9[%dma_start3A_469] : memref<640xf32, #tpu.memory_space<vmem>> -> memref<632xf32, #tpu.memory_space<vmem>>
        tpu.enqueue_dma source(%dma_start3A_470 : memref<632xf32, #tpu.memory_space<vmem>>) target(%dma_start3A_468 : memref<632xf32, #tpu.memory_space<vmem_shared>>) target_semaphore(%run_scoped3A : memref<!tpu.dma_semaphore, #tpu.memory_space<semaphore_mem>>)
        %dma_wait3A_471 = arith.constant 0 : i32
        %dma_wait3A_472 = tpu.memref_slice %arg9[%dma_wait3A_471] : memref<640xf32, #tpu.memory_space<vmem>> -> memref<632xf32, #tpu.memory_space<vmem>>
        %dma_wait3A_473 = arith.constant 9480 : i32
        %dma_wait3A_474 = tpu.memref_slice %arg10[%dma_wait3A_473] : memref<10112xf32, #tpu.memory_space<vmem_shared>> -> memref<632xf32, #tpu.memory_space<vmem_shared>>
        %dma_wait3A_475 = arith.constant 9480 : i32
        %dma_wait3A_476 = tpu.memref_slice %arg10[%dma_wait3A_475] : memref<10112xf32, #tpu.memory_space<vmem_shared>> -> memref<632xf32, #tpu.memory_space<vmem_shared>>
        %dma_wait3A_477 = arith.constant 0 : i32
        %dma_wait3A_478 = tpu.memref_slice %arg9[%dma_wait3A_477] : memref<640xf32, #tpu.memory_space<vmem>> -> memref<632xf32, #tpu.memory_space<vmem>>
        tpu.wait_dma2 semaphore(%run_scoped3A : memref<!tpu.dma_semaphore, #tpu.memory_space<semaphore_mem>>) src(%dma_wait3A_478 : memref<632xf32, #tpu.memory_space<vmem>>) dst(%dma_wait3A_476 : memref<632xf32, #tpu.memory_space<vmem_shared>>)
        tpu.yield
      }) : () -> ()
    } else {
    }
    %barrier3A = arith.constant 0 : index
    tpu.barrier barrier_id(%barrier3A)
    %mul3A_303 = arith.constant 10112 : i32
    %mul3A_304 = arith.muli %add3A, %mul3A_303 : i32
    %add3A_305 = arith.constant 0 : i32
    %add3A_306 = arith.addi %mul3A_304, %add3A_305 : i32
    %min3A = arith.constant 323456 : i32
    %min3A_307 = arith.minsi %add3A_306, %min3A : i32
    %dma_start3A = tpu.memref_slice %arg2[%min3A_307] : memref<323584xi32, #tpu.memory_space<hbm>> -> memref<128xi32, #tpu.memory_space<hbm>>
    %dma_start3A_308 = tpu.memref_slice %arg2[%min3A_307] : memref<323584xi32, #tpu.memory_space<hbm>> -> memref<128xi32, #tpu.memory_space<hbm>>
    tpu.enqueue_dma source(%dma_start3A_308 : memref<128xi32, #tpu.memory_space<hbm>>) target(%arg18 : memref<128xi32, #tpu.memory_space<vmem>>) target_semaphore(%arg26 : memref<!tpu.dma_semaphore, #tpu.memory_space<semaphore_mem>>)
    %dma_start3A_309 = tpu.memref_slice %arg3[%min3A_307] : memref<323584xi32, #tpu.memory_space<hbm>> -> memref<128xi32, #tpu.memory_space<hbm>>
    %dma_start3A_310 = tpu.memref_slice %arg3[%min3A_307] : memref<323584xi32, #tpu.memory_space<hbm>> -> memref<128xi32, #tpu.memory_space<hbm>>
    tpu.enqueue_dma source(%dma_start3A_310 : memref<128xi32, #tpu.memory_space<hbm>>) target(%arg11 : memref<128xi32, #tpu.memory_space<vmem>>) target_semaphore(%arg26 : memref<!tpu.dma_semaphore, #tpu.memory_space<semaphore_mem>>)
    %dma_wait3A = arith.constant 0 : i32
    %dma_wait3A_311 = tpu.memref_slice %arg2[%dma_wait3A] : memref<323584xi32, #tpu.memory_space<hbm>> -> memref<128xi32, #tpu.memory_space<hbm>>
    %dma_wait3A_312 = arith.constant 0 : i32
    %dma_wait3A_313 = tpu.memref_slice %arg2[%dma_wait3A_312] : memref<323584xi32, #tpu.memory_space<hbm>> -> memref<128xi32, #tpu.memory_space<hbm>>
    tpu.wait_dma2 semaphore(%arg26 : memref<!tpu.dma_semaphore, #tpu.memory_space<semaphore_mem>>) src(%dma_wait3A_313 : memref<128xi32, #tpu.memory_space<hbm>>) dst(%arg18 : memref<128xi32, #tpu.memory_space<vmem>>)
    %dma_wait3A_314 = arith.constant 0 : i32
    %dma_wait3A_315 = tpu.memref_slice %arg3[%dma_wait3A_314] : memref<323584xi32, #tpu.memory_space<hbm>> -> memref<128xi32, #tpu.memory_space<hbm>>
    %dma_wait3A_316 = arith.constant 0 : i32
    %dma_wait3A_317 = tpu.memref_slice %arg3[%dma_wait3A_316] : memref<323584xi32, #tpu.memory_space<hbm>> -> memref<128xi32, #tpu.memory_space<hbm>>
    tpu.wait_dma2 semaphore(%arg26 : memref<!tpu.dma_semaphore, #tpu.memory_space<semaphore_mem>>) src(%dma_wait3A_317 : memref<128xi32, #tpu.memory_space<hbm>>) dst(%arg11 : memref<128xi32, #tpu.memory_space<vmem>>)
    %dma_start3A_318 = arith.constant 0 : i32
    %dma_start3A_319 = arith.constant 0 : i32
    %dma_start3A_320 = tpu.memref_slice %arg4[%dma_start3A_318, %dma_start3A_319] : memref<10112x128xf32, #tpu.memory_space<hbm>> -> memref<10112x128xf32, #tpu.memory_space<hbm>>
    tpu.enqueue_indirect_dma source(%dma_start3A_320 : memref<10112x128xf32, #tpu.memory_space<hbm>>) target(%arg16 : memref<128x128xf32, #tpu.memory_space<vmem>>) offsets(%arg18 : memref<128xi32, #tpu.memory_space<vmem>>) semaphore(%arg24 : memref<!tpu.dma_semaphore, #tpu.memory_space<semaphore_mem>>)
    %add3A_321 = arith.constant 128 : i32
    %add3A_322 = arith.addi %mul3A_304, %add3A_321 : i32
    %min3A_323 = arith.constant 323456 : i32
    %min3A_324 = arith.minsi %add3A_322, %min3A_323 : i32
    %dma_start3A_325 = tpu.memref_slice %arg2[%min3A_324] : memref<323584xi32, #tpu.memory_space<hbm>> -> memref<128xi32, #tpu.memory_space<hbm>>
    %dma_start3A_326 = tpu.memref_slice %arg2[%min3A_324] : memref<323584xi32, #tpu.memory_space<hbm>> -> memref<128xi32, #tpu.memory_space<hbm>>
    tpu.enqueue_dma source(%dma_start3A_326 : memref<128xi32, #tpu.memory_space<hbm>>) target(%arg19 : memref<128xi32, #tpu.memory_space<vmem>>) target_semaphore(%arg27 : memref<!tpu.dma_semaphore, #tpu.memory_space<semaphore_mem>>)
    %dma_start3A_327 = tpu.memref_slice %arg3[%min3A_324] : memref<323584xi32, #tpu.memory_space<hbm>> -> memref<128xi32, #tpu.memory_space<hbm>>
    %dma_start3A_328 = tpu.memref_slice %arg3[%min3A_324] : memref<323584xi32, #tpu.memory_space<hbm>> -> memref<128xi32, #tpu.memory_space<hbm>>
    tpu.enqueue_dma source(%dma_start3A_328 : memref<128xi32, #tpu.memory_space<hbm>>) target(%arg12 : memref<128xi32, #tpu.memory_space<vmem>>) target_semaphore(%arg27 : memref<!tpu.dma_semaphore, #tpu.memory_space<semaphore_mem>>)
    %add3A_329 = arith.constant 256 : i32
    %add3A_330 = arith.addi %mul3A_304, %add3A_329 : i32
    %min3A_331 = arith.constant 323456 : i32
    %min3A_332 = arith.minsi %add3A_330, %min3A_331 : i32
    %dma_start3A_333 = tpu.memref_slice %arg2[%min3A_332] : memref<323584xi32, #tpu.memory_space<hbm>> -> memref<128xi32, #tpu.memory_space<hbm>>
    %dma_start3A_334 = tpu.memref_slice %arg2[%min3A_332] : memref<323584xi32, #tpu.memory_space<hbm>> -> memref<128xi32, #tpu.memory_space<hbm>>
    tpu.enqueue_dma source(%dma_start3A_334 : memref<128xi32, #tpu.memory_space<hbm>>) target(%arg20 : memref<128xi32, #tpu.memory_space<vmem>>) target_semaphore(%arg28 : memref<!tpu.dma_semaphore, #tpu.memory_space<semaphore_mem>>)
    %dma_start3A_335 = tpu.memref_slice %arg3[%min3A_332] : memref<323584xi32, #tpu.memory_space<hbm>> -> memref<128xi32, #tpu.memory_space<hbm>>
    %dma_start3A_336 = tpu.memref_slice %arg3[%min3A_332] : memref<323584xi32, #tpu.memory_space<hbm>> -> memref<128xi32, #tpu.memory_space<hbm>>
    tpu.enqueue_dma source(%dma_start3A_336 : memref<128xi32, #tpu.memory_space<hbm>>) target(%arg13 : memref<128xi32, #tpu.memory_space<vmem>>) target_semaphore(%arg28 : memref<!tpu.dma_semaphore, #tpu.memory_space<semaphore_mem>>)
    %dma_wait3A_337 = arith.constant 0 : i32
    %dma_wait3A_338 = tpu.memref_slice %arg2[%dma_wait3A_337] : memref<323584xi32, #tpu.memory_space<hbm>> -> memref<128xi32, #tpu.memory_space<hbm>>
    %dma_wait3A_339 = arith.constant 0 : i32
    %dma_wait3A_340 = tpu.memref_slice %arg2[%dma_wait3A_339] : memref<323584xi32, #tpu.memory_space<hbm>> -> memref<128xi32, #tpu.memory_space<hbm>>
    tpu.wait_dma2 semaphore(%arg27 : memref<!tpu.dma_semaphore, #tpu.memory_space<semaphore_mem>>) src(%dma_wait3A_340 : memref<128xi32, #tpu.memory_space<hbm>>) dst(%arg19 : memref<128xi32, #tpu.memory_space<vmem>>)
    %dma_wait3A_341 = arith.constant 0 : i32
    %dma_wait3A_342 = tpu.memref_slice %arg3[%dma_wait3A_341] : memref<323584xi32, #tpu.memory_space<hbm>> -> memref<128xi32, #tpu.memory_space<hbm>>
    %dma_wait3A_343 = arith.constant 0 : i32
    %dma_wait3A_344 = tpu.memref_slice %arg3[%dma_wait3A_343] : memref<323584xi32, #tpu.memory_space<hbm>> -> memref<128xi32, #tpu.memory_space<hbm>>
    tpu.wait_dma2 semaphore(%arg27 : memref<!tpu.dma_semaphore, #tpu.memory_space<semaphore_mem>>) src(%dma_wait3A_344 : memref<128xi32, #tpu.memory_space<hbm>>) dst(%arg12 : memref<128xi32, #tpu.memory_space<vmem>>)
    %dma_start3A_345 = arith.constant 0 : i32
    %dma_start3A_346 = arith.constant 0 : i32
    %dma_start3A_347 = tpu.memref_slice %arg4[%dma_start3A_345, %dma_start3A_346] : memref<10112x128xf32, #tpu.memory_space<hbm>> -> memref<10112x128xf32, #tpu.memory_space<hbm>>
    tpu.enqueue_indirect_dma source(%dma_start3A_347 : memref<10112x128xf32, #tpu.memory_space<hbm>>) target(%arg17 : memref<128x128xf32, #tpu.memory_space<vmem>>) offsets(%arg19 : memref<128xi32, #tpu.memory_space<vmem>>) semaphore(%arg25 : memref<!tpu.dma_semaphore, #tpu.memory_space<semaphore_mem>>)
    %dma_wait3A_348 = arith.constant 0 : i32
    %dma_wait3A_349 = arith.constant 0 : i32
    %dma_wait3A_350 = tpu.memref_slice %arg4[%dma_wait3A_348, %dma_wait3A_349] : memref<10112x128xf32, #tpu.memory_space<hbm>> -> memref<10112x128xf32, #tpu.memory_space<hbm>>
    tpu.wait_indirect_dma semaphore(%arg24 : memref<!tpu.dma_semaphore, #tpu.memory_space<semaphore_mem>>) src(%dma_wait3A_350 : memref<10112x128xf32, #tpu.memory_space<hbm>>) dst(%arg16 : memref<128x128xf32, #tpu.memory_space<vmem>>)
    %dma_start3A_351 = arith.constant 0 : i32
    %dma_start3A_352 = arith.constant 0 : i32
    %dma_start3A_353 = tpu.memref_slice %arg8[%dma_start3A_351, %dma_start3A_352] : memref<10112x128xf32, #tpu.memory_space<vmem_shared>> -> memref<10112x128xf32, #tpu.memory_space<vmem_shared>>
    tpu.enqueue_indirect_dma source(%arg16 : memref<128x128xf32, #tpu.memory_space<vmem>>) target(%dma_start3A_353 : memref<10112x128xf32, #tpu.memory_space<vmem_shared>>) offsets(%arg11 : memref<128xi32, #tpu.memory_space<vmem>>) semaphore(%arg30 : memref<!tpu.dma_semaphore, #tpu.memory_space<semaphore_mem>>) {add = true}
    %dma_start3A_354 = arith.constant 0 : i32
    %dma_start3A_355 = tpu.memref_slice %arg10[%dma_start3A_354] : memref<10112xf32, #tpu.memory_space<vmem_shared>> -> memref<10112xf32, #tpu.memory_space<vmem_shared>>
    tpu.enqueue_indirect_dma source(%arg15 : memref<128xf32, #tpu.memory_space<vmem>>) target(%dma_start3A_355 : memref<10112xf32, #tpu.memory_space<vmem_shared>>) offsets(%arg11 : memref<128xi32, #tpu.memory_space<vmem>>) semaphore(%arg22 : memref<!tpu.dma_semaphore, #tpu.memory_space<semaphore_mem>>) {add = true}
    %scan3A = arith.constant 0 : i32
    %scan3A_356 = arith.constant 0 : i32
    %scan3A_357 = arith.constant 19 : i32
    %scan3A_358 = arith.addi %scan3A_356, %scan3A_357 : i32
    %scan3A_359 = arith.constant 1 : i32
    %scan3A_360 = scf.for %scan3A_463 = %scan3A_356 to %scan3A_358 step %scan3A_359 iter_args(%scan3A_464 = %scan3A) -> (i32)  : i32 {
      %mul3A_465 = arith.constant 4 : i32
      %mul3A_466 = arith.muli %mul3A_465, %scan3A_463 : i32
      %add3A_467 = arith.constant 1 : i32
      %add3A_468 = arith.addi %mul3A_466, %add3A_467 : i32
      %add3A_469 = arith.constant 0 : i32
      %add3A_470 = arith.addi %add3A_468, %add3A_469 : i32
      %add3A_471 = arith.constant 2 : i32
      %add3A_472 = arith.addi %add3A_470, %add3A_471 : i32
      %mul3A_473 = arith.constant 128 : i32
      %mul3A_474 = arith.muli %add3A_472, %mul3A_473 : i32
      %add3A_475 = arith.addi %mul3A_304, %mul3A_474 : i32
      %min3A_476 = arith.constant 323456 : i32
      %min3A_477 = arith.minsi %add3A_475, %min3A_476 : i32
      %dma_start3A_478 = tpu.memref_slice %arg2[%min3A_477] : memref<323584xi32, #tpu.memory_space<hbm>> -> memref<128xi32, #tpu.memory_space<hbm>>
      %dma_start3A_479 = tpu.memref_slice %arg2[%min3A_477] : memref<323584xi32, #tpu.memory_space<hbm>> -> memref<128xi32, #tpu.memory_space<hbm>>
      tpu.enqueue_dma source(%dma_start3A_479 : memref<128xi32, #tpu.memory_space<hbm>>) target(%arg21 : memref<128xi32, #tpu.memory_space<vmem>>) target_semaphore(%arg29 : memref<!tpu.dma_semaphore, #tpu.memory_space<semaphore_mem>>)
      %dma_start3A_480 = tpu.memref_slice %arg3[%min3A_477] : memref<323584xi32, #tpu.memory_space<hbm>> -> memref<128xi32, #tpu.memory_space<hbm>>
      %dma_start3A_481 = tpu.memref_slice %arg3[%min3A_477] : memref<323584xi32, #tpu.memory_space<hbm>> -> memref<128xi32, #tpu.memory_space<hbm>>
      tpu.enqueue_dma source(%dma_start3A_481 : memref<128xi32, #tpu.memory_space<hbm>>) target(%arg14 : memref<128xi32, #tpu.memory_space<vmem>>) target_semaphore(%arg29 : memref<!tpu.dma_semaphore, #tpu.memory_space<semaphore_mem>>)
      %dma_wait3A_482 = arith.constant 0 : i32
      %dma_wait3A_483 = tpu.memref_slice %arg2[%dma_wait3A_482] : memref<323584xi32, #tpu.memory_space<hbm>> -> memref<128xi32, #tpu.memory_space<hbm>>
      %dma_wait3A_484 = arith.constant 0 : i32
      %dma_wait3A_485 = tpu.memref_slice %arg2[%dma_wait3A_484] : memref<323584xi32, #tpu.memory_space<hbm>> -> memref<128xi32, #tpu.memory_space<hbm>>
      tpu.wait_dma2 semaphore(%arg28 : memref<!tpu.dma_semaphore, #tpu.memory_space<semaphore_mem>>) src(%dma_wait3A_485 : memref<128xi32, #tpu.memory_space<hbm>>) dst(%arg20 : memref<128xi32, #tpu.memory_space<vmem>>)
      %dma_wait3A_486 = arith.constant 0 : i32
      %dma_wait3A_487 = tpu.memref_slice %arg3[%dma_wait3A_486] : memref<323584xi32, #tpu.memory_space<hbm>> -> memref<128xi32, #tpu.memory_space<hbm>>
      %dma_wait3A_488 = arith.constant 0 : i32
      %dma_wait3A_489 = tpu.memref_slice %arg3[%dma_wait3A_488] : memref<323584xi32, #tpu.memory_space<hbm>> -> memref<128xi32, #tpu.memory_space<hbm>>
      tpu.wait_dma2 semaphore(%arg28 : memref<!tpu.dma_semaphore, #tpu.memory_space<semaphore_mem>>) src(%dma_wait3A_489 : memref<128xi32, #tpu.memory_space<hbm>>) dst(%arg13 : memref<128xi32, #tpu.memory_space<vmem>>)
      %dma_wait3A_490 = arith.constant 0 : i32
      %dma_wait3A_491 = arith.constant 0 : i32
      %dma_wait3A_492 = tpu.memref_slice %arg8[%dma_wait3A_490, %dma_wait3A_491] : memref<10112x128xf32, #tpu.memory_space<vmem_shared>> -> memref<10112x128xf32, #tpu.memory_space<vmem_shared>>
      tpu.wait_indirect_dma semaphore(%arg30 : memref<!tpu.dma_semaphore, #tpu.memory_space<semaphore_mem>>) src(%arg16 : memref<128x128xf32, #tpu.memory_space<vmem>>) dst(%dma_wait3A_492 : memref<10112x128xf32, #tpu.memory_space<vmem_shared>>)
      %dma_wait3A_493 = arith.constant 0 : i32
      %dma_wait3A_494 = tpu.memref_slice %arg10[%dma_wait3A_493] : memref<10112xf32, #tpu.memory_space<vmem_shared>> -> memref<10112xf32, #tpu.memory_space<vmem_shared>>
      tpu.wait_indirect_dma semaphore(%arg22 : memref<!tpu.dma_semaphore, #tpu.memory_space<semaphore_mem>>) src(%arg15 : memref<128xf32, #tpu.memory_space<vmem>>) dst(%dma_wait3A_494 : memref<10112xf32, #tpu.memory_space<vmem_shared>>)
      %dma_start3A_495 = arith.constant 0 : i32
      %dma_start3A_496 = arith.constant 0 : i32
      %dma_start3A_497 = tpu.memref_slice %arg4[%dma_start3A_495, %dma_start3A_496] : memref<10112x128xf32, #tpu.memory_space<hbm>> -> memref<10112x128xf32, #tpu.memory_space<hbm>>
      tpu.enqueue_indirect_dma source(%dma_start3A_497 : memref<10112x128xf32, #tpu.memory_space<hbm>>) target(%arg16 : memref<128x128xf32, #tpu.memory_space<vmem>>) offsets(%arg20 : memref<128xi32, #tpu.memory_space<vmem>>) semaphore(%arg24 : memref<!tpu.dma_semaphore, #tpu.memory_space<semaphore_mem>>)
      %dma_wait3A_498 = arith.constant 0 : i32
      %dma_wait3A_499 = arith.constant 0 : i32
      %dma_wait3A_500 = tpu.memref_slice %arg4[%dma_wait3A_498, %dma_wait3A_499] : memref<10112x128xf32, #tpu.memory_space<hbm>> -> memref<10112x128xf32, #tpu.memory_space<hbm>>
      tpu.wait_indirect_dma semaphore(%arg25 : memref<!tpu.dma_semaphore, #tpu.memory_space<semaphore_mem>>) src(%dma_wait3A_500 : memref<10112x128xf32, #tpu.memory_space<hbm>>) dst(%arg17 : memref<128x128xf32, #tpu.memory_space<vmem>>)
      %dma_start3A_501 = arith.constant 0 : i32
      %dma_start3A_502 = arith.constant 0 : i32
      %dma_start3A_503 = tpu.memref_slice %arg8[%dma_start3A_501, %dma_start3A_502] : memref<10112x128xf32, #tpu.memory_space<vmem_shared>> -> memref<10112x128xf32, #tpu.memory_space<vmem_shared>>
      tpu.enqueue_indirect_dma source(%arg17 : memref<128x128xf32, #tpu.memory_space<vmem>>) target(%dma_start3A_503 : memref<10112x128xf32, #tpu.memory_space<vmem_shared>>) offsets(%arg12 : memref<128xi32, #tpu.memory_space<vmem>>) semaphore(%arg31 : memref<!tpu.dma_semaphore, #tpu.memory_space<semaphore_mem>>) {add = true}
      %dma_start3A_504 = arith.constant 0 : i32
      %dma_start3A_505 = tpu.memref_slice %arg10[%dma_start3A_504] : memref<10112xf32, #tpu.memory_space<vmem_shared>> -> memref<10112xf32, #tpu.memory_space<vmem_shared>>
      tpu.enqueue_indirect_dma source(%arg15 : memref<128xf32, #tpu.memory_space<vmem>>) target(%dma_start3A_505 : memref<10112xf32, #tpu.memory_space<vmem_shared>>) offsets(%arg12 : memref<128xi32, #tpu.memory_space<vmem>>) semaphore(%arg23 : memref<!tpu.dma_semaphore, #tpu.memory_space<semaphore_mem>>) {add = true}
      %add3A_506 = arith.constant 1 : i32
      %add3A_507 = arith.addi %add3A_468, %add3A_506 : i32
      %add3A_508 = arith.constant 2 : i32
      %add3A_509 = arith.addi %add3A_507, %add3A_508 : i32
      %mul3A_510 = arith.constant 128 : i32
      %mul3A_511 = arith.muli %add3A_509, %mul3A_510 : i32
      %add3A_512 = arith.addi %mul3A_304, %mul3A_511 : i32
      %min3A_513 = arith.constant 323456 : i32
      %min3A_514 = arith.minsi %add3A_512, %min3A_513 : i32
      %dma_start3A_515 = tpu.memref_slice %arg2[%min3A_514] : memref<323584xi32, #tpu.memory_space<hbm>> -> memref<128xi32, #tpu.memory_space<hbm>>
      %dma_start3A_516 = tpu.memref_slice %arg2[%min3A_514] : memref<323584xi32, #tpu.memory_space<hbm>> -> memref<128xi32, #tpu.memory_space<hbm>>
      tpu.enqueue_dma source(%dma_start3A_516 : memref<128xi32, #tpu.memory_space<hbm>>) target(%arg18 : memref<128xi32, #tpu.memory_space<vmem>>) target_semaphore(%arg26 : memref<!tpu.dma_semaphore, #tpu.memory_space<semaphore_mem>>)
      %dma_start3A_517 = tpu.memref_slice %arg3[%min3A_514] : memref<323584xi32, #tpu.memory_space<hbm>> -> memref<128xi32, #tpu.memory_space<hbm>>
      %dma_start3A_518 = tpu.memref_slice %arg3[%min3A_514] : memref<323584xi32, #tpu.memory_space<hbm>> -> memref<128xi32, #tpu.memory_space<hbm>>
      tpu.enqueue_dma source(%dma_start3A_518 : memref<128xi32, #tpu.memory_space<hbm>>) target(%arg11 : memref<128xi32, #tpu.memory_space<vmem>>) target_semaphore(%arg26 : memref<!tpu.dma_semaphore, #tpu.memory_space<semaphore_mem>>)
      %dma_wait3A_519 = arith.constant 0 : i32
      %dma_wait3A_520 = tpu.memref_slice %arg2[%dma_wait3A_519] : memref<323584xi32, #tpu.memory_space<hbm>> -> memref<128xi32, #tpu.memory_space<hbm>>
      %dma_wait3A_521 = arith.constant 0 : i32
      %dma_wait3A_522 = tpu.memref_slice %arg2[%dma_wait3A_521] : memref<323584xi32, #tpu.memory_space<hbm>> -> memref<128xi32, #tpu.memory_space<hbm>>
      tpu.wait_dma2 semaphore(%arg29 : memref<!tpu.dma_semaphore, #tpu.memory_space<semaphore_mem>>) src(%dma_wait3A_522 : memref<128xi32, #tpu.memory_space<hbm>>) dst(%arg21 : memref<128xi32, #tpu.memory_space<vmem>>)
      %dma_wait3A_523 = arith.constant 0 : i32
      %dma_wait3A_524 = tpu.memref_slice %arg3[%dma_wait3A_523] : memref<323584xi32, #tpu.memory_space<hbm>> -> memref<128xi32, #tpu.memory_space<hbm>>
      %dma_wait3A_525 = arith.constant 0 : i32
      %dma_wait3A_526 = tpu.memref_slice %arg3[%dma_wait3A_525] : memref<323584xi32, #tpu.memory_space<hbm>> -> memref<128xi32, #tpu.memory_space<hbm>>
      tpu.wait_dma2 semaphore(%arg29 : memref<!tpu.dma_semaphore, #tpu.memory_space<semaphore_mem>>) src(%dma_wait3A_526 : memref<128xi32, #tpu.memory_space<hbm>>) dst(%arg14 : memref<128xi32, #tpu.memory_space<vmem>>)
      %dma_wait3A_527 = arith.constant 0 : i32
      %dma_wait3A_528 = arith.constant 0 : i32
      %dma_wait3A_529 = tpu.memref_slice %arg8[%dma_wait3A_527, %dma_wait3A_528] : memref<10112x128xf32, #tpu.memory_space<vmem_shared>> -> memref<10112x128xf32, #tpu.memory_space<vmem_shared>>
      tpu.wait_indirect_dma semaphore(%arg31 : memref<!tpu.dma_semaphore, #tpu.memory_space<semaphore_mem>>) src(%arg17 : memref<128x128xf32, #tpu.memory_space<vmem>>) dst(%dma_wait3A_529 : memref<10112x128xf32, #tpu.memory_space<vmem_shared>>)
      %dma_wait3A_530 = arith.constant 0 : i32
      %dma_wait3A_531 = tpu.memref_slice %arg10[%dma_wait3A_530] : memref<10112xf32, #tpu.memory_space<vmem_shared>> -> memref<10112xf32, #tpu.memory_space<vmem_shared>>
      tpu.wait_indirect_dma semaphore(%arg23 : memref<!tpu.dma_semaphore, #tpu.memory_space<semaphore_mem>>) src(%arg15 : memref<128xf32, #tpu.memory_space<vmem>>) dst(%dma_wait3A_531 : memref<10112xf32, #tpu.memory_space<vmem_shared>>)
      %dma_start3A_532 = arith.constant 0 : i32
      %dma_start3A_533 = arith.constant 0 : i32
      %dma_start3A_534 = tpu.memref_slice %arg4[%dma_start3A_532, %dma_start3A_533] : memref<10112x128xf32, #tpu.memory_space<hbm>> -> memref<10112x128xf32, #tpu.memory_space<hbm>>
      tpu.enqueue_indirect_dma source(%dma_start3A_534 : memref<10112x128xf32, #tpu.memory_space<hbm>>) target(%arg17 : memref<128x128xf32, #tpu.memory_space<vmem>>) offsets(%arg21 : memref<128xi32, #tpu.memory_space<vmem>>) semaphore(%arg25 : memref<!tpu.dma_semaphore, #tpu.memory_space<semaphore_mem>>)
      %dma_wait3A_535 = arith.constant 0 : i32
      %dma_wait3A_536 = arith.constant 0 : i32
      %dma_wait3A_537 = tpu.memref_slice %arg4[%dma_wait3A_535, %dma_wait3A_536] : memref<10112x128xf32, #tpu.memory_space<hbm>> -> memref<10112x128xf32, #tpu.memory_space<hbm>>
      tpu.wait_indirect_dma semaphore(%arg24 : memref<!tpu.dma_semaphore, #tpu.memory_space<semaphore_mem>>) src(%dma_wait3A_537 : memref<10112x128xf32, #tpu.memory_space<hbm>>) dst(%arg16 : memref<128x128xf32, #tpu.memory_space<vmem>>)
      %dma_start3A_538 = arith.constant 0 : i32
      %dma_start3A_539 = arith.constant 0 : i32
      %dma_start3A_540 = tpu.memref_slice %arg8[%dma_start3A_538, %dma_start3A_539] : memref<10112x128xf32, #tpu.memory_space<vmem_shared>> -> memref<10112x128xf32, #tpu.memory_space<vmem_shared>>
      tpu.enqueue_indirect_dma source(%arg16 : memref<128x128xf32, #tpu.memory_space<vmem>>) target(%dma_start3A_540 : memref<10112x128xf32, #tpu.memory_space<vmem_shared>>) offsets(%arg13 : memref<128xi32, #tpu.memory_space<vmem>>) semaphore(%arg30 : memref<!tpu.dma_semaphore, #tpu.memory_space<semaphore_mem>>) {add = true}
      %dma_start3A_541 = arith.constant 0 : i32
      %dma_start3A_542 = tpu.memref_slice %arg10[%dma_start3A_541] : memref<10112xf32, #tpu.memory_space<vmem_shared>> -> memref<10112xf32, #tpu.memory_space<vmem_shared>>
      tpu.enqueue_indirect_dma source(%arg15 : memref<128xf32, #tpu.memory_space<vmem>>) target(%dma_start3A_542 : memref<10112xf32, #tpu.memory_space<vmem_shared>>) offsets(%arg13 : memref<128xi32, #tpu.memory_space<vmem>>) semaphore(%arg22 : memref<!tpu.dma_semaphore, #tpu.memory_space<semaphore_mem>>) {add = true}
      %add3A_543 = arith.constant 2 : i32
      %add3A_544 = arith.addi %add3A_468, %add3A_543 : i32
      %add3A_545 = arith.constant 2 : i32
      %add3A_546 = arith.addi %add3A_544, %add3A_545 : i32
      %mul3A_547 = arith.constant 128 : i32
      %mul3A_548 = arith.muli %add3A_546, %mul3A_547 : i32
      %add3A_549 = arith.addi %mul3A_304, %mul3A_548 : i32
      %min3A_550 = arith.constant 323456 : i32
      %min3A_551 = arith.minsi %add3A_549, %min3A_550 : i32
      %dma_start3A_552 = tpu.memref_slice %arg2[%min3A_551] : memref<323584xi32, #tpu.memory_space<hbm>> -> memref<128xi32, #tpu.memory_space<hbm>>
      %dma_start3A_553 = tpu.memref_slice %arg2[%min3A_551] : memref<323584xi32, #tpu.memory_space<hbm>> -> memref<128xi32, #tpu.memory_space<hbm>>
      tpu.enqueue_dma source(%dma_start3A_553 : memref<128xi32, #tpu.memory_space<hbm>>) target(%arg19 : memref<128xi32, #tpu.memory_space<vmem>>) target_semaphore(%arg27 : memref<!tpu.dma_semaphore, #tpu.memory_space<semaphore_mem>>)
      %dma_start3A_554 = tpu.memref_slice %arg3[%min3A_551] : memref<323584xi32, #tpu.memory_space<hbm>> -> memref<128xi32, #tpu.memory_space<hbm>>
      %dma_start3A_555 = tpu.memref_slice %arg3[%min3A_551] : memref<323584xi32, #tpu.memory_space<hbm>> -> memref<128xi32, #tpu.memory_space<hbm>>
      tpu.enqueue_dma source(%dma_start3A_555 : memref<128xi32, #tpu.memory_space<hbm>>) target(%arg12 : memref<128xi32, #tpu.memory_space<vmem>>) target_semaphore(%arg27 : memref<!tpu.dma_semaphore, #tpu.memory_space<semaphore_mem>>)
      %dma_wait3A_556 = arith.constant 0 : i32
      %dma_wait3A_557 = tpu.memref_slice %arg2[%dma_wait3A_556] : memref<323584xi32, #tpu.memory_space<hbm>> -> memref<128xi32, #tpu.memory_space<hbm>>
      %dma_wait3A_558 = arith.constant 0 : i32
      %dma_wait3A_559 = tpu.memref_slice %arg2[%dma_wait3A_558] : memref<323584xi32, #tpu.memory_space<hbm>> -> memref<128xi32, #tpu.memory_space<hbm>>
      tpu.wait_dma2 semaphore(%arg26 : memref<!tpu.dma_semaphore, #tpu.memory_space<semaphore_mem>>) src(%dma_wait3A_559 : memref<128xi32, #tpu.memory_space<hbm>>) dst(%arg18 : memref<128xi32, #tpu.memory_space<vmem>>)
      %dma_wait3A_560 = arith.constant 0 : i32
      %dma_wait3A_561 = tpu.memref_slice %arg3[%dma_wait3A_560] : memref<323584xi32, #tpu.memory_space<hbm>> -> memref<128xi32, #tpu.memory_space<hbm>>
      %dma_wait3A_562 = arith.constant 0 : i32
      %dma_wait3A_563 = tpu.memref_slice %arg3[%dma_wait3A_562] : memref<323584xi32, #tpu.memory_space<hbm>> -> memref<128xi32, #tpu.memory_space<hbm>>
      tpu.wait_dma2 semaphore(%arg26 : memref<!tpu.dma_semaphore, #tpu.memory_space<semaphore_mem>>) src(%dma_wait3A_563 : memref<128xi32, #tpu.memory_space<hbm>>) dst(%arg11 : memref<128xi32, #tpu.memory_space<vmem>>)
      %dma_wait3A_564 = arith.constant 0 : i32
      %dma_wait3A_565 = arith.constant 0 : i32
      %dma_wait3A_566 = tpu.memref_slice %arg8[%dma_wait3A_564, %dma_wait3A_565] : memref<10112x128xf32, #tpu.memory_space<vmem_shared>> -> memref<10112x128xf32, #tpu.memory_space<vmem_shared>>
      tpu.wait_indirect_dma semaphore(%arg30 : memref<!tpu.dma_semaphore, #tpu.memory_space<semaphore_mem>>) src(%arg16 : memref<128x128xf32, #tpu.memory_space<vmem>>) dst(%dma_wait3A_566 : memref<10112x128xf32, #tpu.memory_space<vmem_shared>>)
      %dma_wait3A_567 = arith.constant 0 : i32
      %dma_wait3A_568 = tpu.memref_slice %arg10[%dma_wait3A_567] : memref<10112xf32, #tpu.memory_space<vmem_shared>> -> memref<10112xf32, #tpu.memory_space<vmem_shared>>
      tpu.wait_indirect_dma semaphore(%arg22 : memref<!tpu.dma_semaphore, #tpu.memory_space<semaphore_mem>>) src(%arg15 : memref<128xf32, #tpu.memory_space<vmem>>) dst(%dma_wait3A_568 : memref<10112xf32, #tpu.memory_space<vmem_shared>>)
      %dma_start3A_569 = arith.constant 0 : i32
      %dma_start3A_570 = arith.constant 0 : i32
      %dma_start3A_571 = tpu.memref_slice %arg4[%dma_start3A_569, %dma_start3A_570] : memref<10112x128xf32, #tpu.memory_space<hbm>> -> memref<10112x128xf32, #tpu.memory_space<hbm>>
      tpu.enqueue_indirect_dma source(%dma_start3A_571 : memref<10112x128xf32, #tpu.memory_space<hbm>>) target(%arg16 : memref<128x128xf32, #tpu.memory_space<vmem>>) offsets(%arg18 : memref<128xi32, #tpu.memory_space<vmem>>) semaphore(%arg24 : memref<!tpu.dma_semaphore, #tpu.memory_space<semaphore_mem>>)
      %dma_wait3A_572 = arith.constant 0 : i32
      %dma_wait3A_573 = arith.constant 0 : i32
      %dma_wait3A_574 = tpu.memref_slice %arg4[%dma_wait3A_572, %dma_wait3A_573] : memref<10112x128xf32, #tpu.memory_space<hbm>> -> memref<10112x128xf32, #tpu.memory_space<hbm>>
      tpu.wait_indirect_dma semaphore(%arg25 : memref<!tpu.dma_semaphore, #tpu.memory_space<semaphore_mem>>) src(%dma_wait3A_574 : memref<10112x128xf32, #tpu.memory_space<hbm>>) dst(%arg17 : memref<128x128xf32, #tpu.memory_space<vmem>>)
      %dma_start3A_575 = arith.constant 0 : i32
      %dma_start3A_576 = arith.constant 0 : i32
      %dma_start3A_577 = tpu.memref_slice %arg8[%dma_start3A_575, %dma_start3A_576] : memref<10112x128xf32, #tpu.memory_space<vmem_shared>> -> memref<10112x128xf32, #tpu.memory_space<vmem_shared>>
      tpu.enqueue_indirect_dma source(%arg17 : memref<128x128xf32, #tpu.memory_space<vmem>>) target(%dma_start3A_577 : memref<10112x128xf32, #tpu.memory_space<vmem_shared>>) offsets(%arg14 : memref<128xi32, #tpu.memory_space<vmem>>) semaphore(%arg31 : memref<!tpu.dma_semaphore, #tpu.memory_space<semaphore_mem>>) {add = true}
      %dma_start3A_578 = arith.constant 0 : i32
      %dma_start3A_579 = tpu.memref_slice %arg10[%dma_start3A_578] : memref<10112xf32, #tpu.memory_space<vmem_shared>> -> memref<10112xf32, #tpu.memory_space<vmem_shared>>
      tpu.enqueue_indirect_dma source(%arg15 : memref<128xf32, #tpu.memory_space<vmem>>) target(%dma_start3A_579 : memref<10112xf32, #tpu.memory_space<vmem_shared>>) offsets(%arg14 : memref<128xi32, #tpu.memory_space<vmem>>) semaphore(%arg23 : memref<!tpu.dma_semaphore, #tpu.memory_space<semaphore_mem>>) {add = true}
      %add3A_580 = arith.constant 3 : i32
      %add3A_581 = arith.addi %add3A_468, %add3A_580 : i32
      %add3A_582 = arith.constant 2 : i32
      %add3A_583 = arith.addi %add3A_581, %add3A_582 : i32
      %mul3A_584 = arith.constant 128 : i32
      %mul3A_585 = arith.muli %add3A_583, %mul3A_584 : i32
      %add3A_586 = arith.addi %mul3A_304, %mul3A_585 : i32
      %min3A_587 = arith.constant 323456 : i32
      %min3A_588 = arith.minsi %add3A_586, %min3A_587 : i32
      %dma_start3A_589 = tpu.memref_slice %arg2[%min3A_588] : memref<323584xi32, #tpu.memory_space<hbm>> -> memref<128xi32, #tpu.memory_space<hbm>>
      %dma_start3A_590 = tpu.memref_slice %arg2[%min3A_588] : memref<323584xi32, #tpu.memory_space<hbm>> -> memref<128xi32, #tpu.memory_space<hbm>>
      tpu.enqueue_dma source(%dma_start3A_590 : memref<128xi32, #tpu.memory_space<hbm>>) target(%arg20 : memref<128xi32, #tpu.memory_space<vmem>>) target_semaphore(%arg28 : memref<!tpu.dma_semaphore, #tpu.memory_space<semaphore_mem>>)
      %dma_start3A_591 = tpu.memref_slice %arg3[%min3A_588] : memref<323584xi32, #tpu.memory_space<hbm>> -> memref<128xi32, #tpu.memory_space<hbm>>
      %dma_start3A_592 = tpu.memref_slice %arg3[%min3A_588] : memref<323584xi32, #tpu.memory_space<hbm>> -> memref<128xi32, #tpu.memory_space<hbm>>
      tpu.enqueue_dma source(%dma_start3A_592 : memref<128xi32, #tpu.memory_space<hbm>>) target(%arg13 : memref<128xi32, #tpu.memory_space<vmem>>) target_semaphore(%arg28 : memref<!tpu.dma_semaphore, #tpu.memory_space<semaphore_mem>>)
      %dma_wait3A_593 = arith.constant 0 : i32
      %dma_wait3A_594 = tpu.memref_slice %arg2[%dma_wait3A_593] : memref<323584xi32, #tpu.memory_space<hbm>> -> memref<128xi32, #tpu.memory_space<hbm>>
      %dma_wait3A_595 = arith.constant 0 : i32
      %dma_wait3A_596 = tpu.memref_slice %arg2[%dma_wait3A_595] : memref<323584xi32, #tpu.memory_space<hbm>> -> memref<128xi32, #tpu.memory_space<hbm>>
      tpu.wait_dma2 semaphore(%arg27 : memref<!tpu.dma_semaphore, #tpu.memory_space<semaphore_mem>>) src(%dma_wait3A_596 : memref<128xi32, #tpu.memory_space<hbm>>) dst(%arg19 : memref<128xi32, #tpu.memory_space<vmem>>)
      %dma_wait3A_597 = arith.constant 0 : i32
      %dma_wait3A_598 = tpu.memref_slice %arg3[%dma_wait3A_597] : memref<323584xi32, #tpu.memory_space<hbm>> -> memref<128xi32, #tpu.memory_space<hbm>>
      %dma_wait3A_599 = arith.constant 0 : i32
      %dma_wait3A_600 = tpu.memref_slice %arg3[%dma_wait3A_599] : memref<323584xi32, #tpu.memory_space<hbm>> -> memref<128xi32, #tpu.memory_space<hbm>>
      tpu.wait_dma2 semaphore(%arg27 : memref<!tpu.dma_semaphore, #tpu.memory_space<semaphore_mem>>) src(%dma_wait3A_600 : memref<128xi32, #tpu.memory_space<hbm>>) dst(%arg12 : memref<128xi32, #tpu.memory_space<vmem>>)
      %dma_wait3A_601 = arith.constant 0 : i32
      %dma_wait3A_602 = arith.constant 0 : i32
      %dma_wait3A_603 = tpu.memref_slice %arg8[%dma_wait3A_601, %dma_wait3A_602] : memref<10112x128xf32, #tpu.memory_space<vmem_shared>> -> memref<10112x128xf32, #tpu.memory_space<vmem_shared>>
      tpu.wait_indirect_dma semaphore(%arg31 : memref<!tpu.dma_semaphore, #tpu.memory_space<semaphore_mem>>) src(%arg17 : memref<128x128xf32, #tpu.memory_space<vmem>>) dst(%dma_wait3A_603 : memref<10112x128xf32, #tpu.memory_space<vmem_shared>>)
      %dma_wait3A_604 = arith.constant 0 : i32
      %dma_wait3A_605 = tpu.memref_slice %arg10[%dma_wait3A_604] : memref<10112xf32, #tpu.memory_space<vmem_shared>> -> memref<10112xf32, #tpu.memory_space<vmem_shared>>
      tpu.wait_indirect_dma semaphore(%arg23 : memref<!tpu.dma_semaphore, #tpu.memory_space<semaphore_mem>>) src(%arg15 : memref<128xf32, #tpu.memory_space<vmem>>) dst(%dma_wait3A_605 : memref<10112xf32, #tpu.memory_space<vmem_shared>>)
      %dma_start3A_606 = arith.constant 0 : i32
      %dma_start3A_607 = arith.constant 0 : i32
      %dma_start3A_608 = tpu.memref_slice %arg4[%dma_start3A_606, %dma_start3A_607] : memref<10112x128xf32, #tpu.memory_space<hbm>> -> memref<10112x128xf32, #tpu.memory_space<hbm>>
      tpu.enqueue_indirect_dma source(%dma_start3A_608 : memref<10112x128xf32, #tpu.memory_space<hbm>>) target(%arg17 : memref<128x128xf32, #tpu.memory_space<vmem>>) offsets(%arg19 : memref<128xi32, #tpu.memory_space<vmem>>) semaphore(%arg25 : memref<!tpu.dma_semaphore, #tpu.memory_space<semaphore_mem>>)
      %dma_wait3A_609 = arith.constant 0 : i32
      %dma_wait3A_610 = arith.constant 0 : i32
      %dma_wait3A_611 = tpu.memref_slice %arg4[%dma_wait3A_609, %dma_wait3A_610] : memref<10112x128xf32, #tpu.memory_space<hbm>> -> memref<10112x128xf32, #tpu.memory_space<hbm>>
      tpu.wait_indirect_dma semaphore(%arg24 : memref<!tpu.dma_semaphore, #tpu.memory_space<semaphore_mem>>) src(%dma_wait3A_611 : memref<10112x128xf32, #tpu.memory_space<hbm>>) dst(%arg16 : memref<128x128xf32, #tpu.memory_space<vmem>>)
      %dma_start3A_612 = arith.constant 0 : i32
      %dma_start3A_613 = arith.constant 0 : i32
      %dma_start3A_614 = tpu.memref_slice %arg8[%dma_start3A_612, %dma_start3A_613] : memref<10112x128xf32, #tpu.memory_space<vmem_shared>> -> memref<10112x128xf32, #tpu.memory_space<vmem_shared>>
      tpu.enqueue_indirect_dma source(%arg16 : memref<128x128xf32, #tpu.memory_space<vmem>>) target(%dma_start3A_614 : memref<10112x128xf32, #tpu.memory_space<vmem_shared>>) offsets(%arg11 : memref<128xi32, #tpu.memory_space<vmem>>) semaphore(%arg30 : memref<!tpu.dma_semaphore, #tpu.memory_space<semaphore_mem>>) {add = true}
      %dma_start3A_615 = arith.constant 0 : i32
      %dma_start3A_616 = tpu.memref_slice %arg10[%dma_start3A_615] : memref<10112xf32, #tpu.memory_space<vmem_shared>> -> memref<10112xf32, #tpu.memory_space<vmem_shared>>
      tpu.enqueue_indirect_dma source(%arg15 : memref<128xf32, #tpu.memory_space<vmem>>) target(%dma_start3A_616 : memref<10112xf32, #tpu.memory_space<vmem_shared>>) offsets(%arg11 : memref<128xi32, #tpu.memory_space<vmem>>) semaphore(%arg22 : memref<!tpu.dma_semaphore, #tpu.memory_space<semaphore_mem>>) {add = true}
      %scan3A_617 = arith.constant 0 : i32
      scf.yield %scan3A_617 : i32
    }
    %scan3A_361 = arith.constant 19 : i32
    %add3A_362 = arith.constant 10112 : i32
    %add3A_363 = arith.addi %mul3A_304, %add3A_362 : i32
    %min3A_364 = arith.constant 323456 : i32
    %min3A_365 = arith.minsi %add3A_363, %min3A_364 : i32
    %dma_start3A_366 = tpu.memref_slice %arg2[%min3A_365] : memref<323584xi32, #tpu.memory_space<hbm>> -> memref<128xi32, #tpu.memory_space<hbm>>
    %dma_start3A_367 = tpu.memref_slice %arg2[%min3A_365] : memref<323584xi32, #tpu.memory_space<hbm>> -> memref<128xi32, #tpu.memory_space<hbm>>
    tpu.enqueue_dma source(%dma_start3A_367 : memref<128xi32, #tpu.memory_space<hbm>>) target(%arg21 : memref<128xi32, #tpu.memory_space<vmem>>) target_semaphore(%arg29 : memref<!tpu.dma_semaphore, #tpu.memory_space<semaphore_mem>>)
    %dma_start3A_368 = tpu.memref_slice %arg3[%min3A_365] : memref<323584xi32, #tpu.memory_space<hbm>> -> memref<128xi32, #tpu.memory_space<hbm>>
    %dma_start3A_369 = tpu.memref_slice %arg3[%min3A_365] : memref<323584xi32, #tpu.memory_space<hbm>> -> memref<128xi32, #tpu.memory_space<hbm>>
    tpu.enqueue_dma source(%dma_start3A_369 : memref<128xi32, #tpu.memory_space<hbm>>) target(%arg14 : memref<128xi32, #tpu.memory_space<vmem>>) target_semaphore(%arg29 : memref<!tpu.dma_semaphore, #tpu.memory_space<semaphore_mem>>)
    %dma_wait3A_370 = arith.constant 0 : i32
    %dma_wait3A_371 = tpu.memref_slice %arg2[%dma_wait3A_370] : memref<323584xi32, #tpu.memory_space<hbm>> -> memref<128xi32, #tpu.memory_space<hbm>>
    %dma_wait3A_372 = arith.constant 0 : i32
    %dma_wait3A_373 = tpu.memref_slice %arg2[%dma_wait3A_372] : memref<323584xi32, #tpu.memory_space<hbm>> -> memref<128xi32, #tpu.memory_space<hbm>>
    tpu.wait_dma2 semaphore(%arg28 : memref<!tpu.dma_semaphore, #tpu.memory_space<semaphore_mem>>) src(%dma_wait3A_373 : memref<128xi32, #tpu.memory_space<hbm>>) dst(%arg20 : memref<128xi32, #tpu.memory_space<vmem>>)
    %dma_wait3A_374 = arith.constant 0 : i32
    %dma_wait3A_375 = tpu.memref_slice %arg3[%dma_wait3A_374] : memref<323584xi32, #tpu.memory_space<hbm>> -> memref<128xi32, #tpu.memory_space<hbm>>
    %dma_wait3A_376 = arith.constant 0 : i32
    %dma_wait3A_377 = tpu.memref_slice %arg3[%dma_wait3A_376] : memref<323584xi32, #tpu.memory_space<hbm>> -> memref<128xi32, #tpu.memory_space<hbm>>
    tpu.wait_dma2 semaphore(%arg28 : memref<!tpu.dma_semaphore, #tpu.memory_space<semaphore_mem>>) src(%dma_wait3A_377 : memref<128xi32, #tpu.memory_space<hbm>>) dst(%arg13 : memref<128xi32, #tpu.memory_space<vmem>>)
    %dma_wait3A_378 = arith.constant 0 : i32
    %dma_wait3A_379 = arith.constant 0 : i32
    %dma_wait3A_380 = tpu.memref_slice %arg8[%dma_wait3A_378, %dma_wait3A_379] : memref<10112x128xf32, #tpu.memory_space<vmem_shared>> -> memref<10112x128xf32, #tpu.memory_space<vmem_shared>>
    tpu.wait_indirect_dma semaphore(%arg30 : memref<!tpu.dma_semaphore, #tpu.memory_space<semaphore_mem>>) src(%arg16 : memref<128x128xf32, #tpu.memory_space<vmem>>) dst(%dma_wait3A_380 : memref<10112x128xf32, #tpu.memory_space<vmem_shared>>)
    %dma_wait3A_381 = arith.constant 0 : i32
    %dma_wait3A_382 = tpu.memref_slice %arg10[%dma_wait3A_381] : memref<10112xf32, #tpu.memory_space<vmem_shared>> -> memref<10112xf32, #tpu.memory_space<vmem_shared>>
    tpu.wait_indirect_dma semaphore(%arg22 : memref<!tpu.dma_semaphore, #tpu.memory_space<semaphore_mem>>) src(%arg15 : memref<128xf32, #tpu.memory_space<vmem>>) dst(%dma_wait3A_382 : memref<10112xf32, #tpu.memory_space<vmem_shared>>)
    %dma_start3A_383 = arith.constant 0 : i32
    %dma_start3A_384 = arith.constant 0 : i32
    %dma_start3A_385 = tpu.memref_slice %arg4[%dma_start3A_383, %dma_start3A_384] : memref<10112x128xf32, #tpu.memory_space<hbm>> -> memref<10112x128xf32, #tpu.memory_space<hbm>>
    tpu.enqueue_indirect_dma source(%dma_start3A_385 : memref<10112x128xf32, #tpu.memory_space<hbm>>) target(%arg16 : memref<128x128xf32, #tpu.memory_space<vmem>>) offsets(%arg20 : memref<128xi32, #tpu.memory_space<vmem>>) semaphore(%arg24 : memref<!tpu.dma_semaphore, #tpu.memory_space<semaphore_mem>>)
    %dma_wait3A_386 = arith.constant 0 : i32
    %dma_wait3A_387 = arith.constant 0 : i32
    %dma_wait3A_388 = tpu.memref_slice %arg4[%dma_wait3A_386, %dma_wait3A_387] : memref<10112x128xf32, #tpu.memory_space<hbm>> -> memref<10112x128xf32, #tpu.memory_space<hbm>>
    tpu.wait_indirect_dma semaphore(%arg25 : memref<!tpu.dma_semaphore, #tpu.memory_space<semaphore_mem>>) src(%dma_wait3A_388 : memref<10112x128xf32, #tpu.memory_space<hbm>>) dst(%arg17 : memref<128x128xf32, #tpu.memory_space<vmem>>)
    %dma_start3A_389 = arith.constant 0 : i32
    %dma_start3A_390 = arith.constant 0 : i32
    %dma_start3A_391 = tpu.memref_slice %arg8[%dma_start3A_389, %dma_start3A_390] : memref<10112x128xf32, #tpu.memory_space<vmem_shared>> -> memref<10112x128xf32, #tpu.memory_space<vmem_shared>>
    tpu.enqueue_indirect_dma source(%arg17 : memref<128x128xf32, #tpu.memory_space<vmem>>) target(%dma_start3A_391 : memref<10112x128xf32, #tpu.memory_space<vmem_shared>>) offsets(%arg12 : memref<128xi32, #tpu.memory_space<vmem>>) semaphore(%arg31 : memref<!tpu.dma_semaphore, #tpu.memory_space<semaphore_mem>>) {add = true}
    %dma_start3A_392 = arith.constant 0 : i32
    %dma_start3A_393 = tpu.memref_slice %arg10[%dma_start3A_392] : memref<10112xf32, #tpu.memory_space<vmem_shared>> -> memref<10112xf32, #tpu.memory_space<vmem_shared>>
    tpu.enqueue_indirect_dma source(%arg15 : memref<128xf32, #tpu.memory_space<vmem>>) target(%dma_start3A_393 : memref<10112xf32, #tpu.memory_space<vmem_shared>>) offsets(%arg12 : memref<128xi32, #tpu.memory_space<vmem>>) semaphore(%arg23 : memref<!tpu.dma_semaphore, #tpu.memory_space<semaphore_mem>>) {add = true}
    %add3A_394 = arith.constant 10240 : i32
    %add3A_395 = arith.addi %mul3A_304, %add3A_394 : i32
    %min3A_396 = arith.constant 323456 : i32
    %min3A_397 = arith.minsi %add3A_395, %min3A_396 : i32
    %dma_start3A_398 = tpu.memref_slice %arg2[%min3A_397] : memref<323584xi32, #tpu.memory_space<hbm>> -> memref<128xi32, #tpu.memory_space<hbm>>
    %dma_start3A_399 = tpu.memref_slice %arg2[%min3A_397] : memref<323584xi32, #tpu.memory_space<hbm>> -> memref<128xi32, #tpu.memory_space<hbm>>
    tpu.enqueue_dma source(%dma_start3A_399 : memref<128xi32, #tpu.memory_space<hbm>>) target(%arg18 : memref<128xi32, #tpu.memory_space<vmem>>) target_semaphore(%arg26 : memref<!tpu.dma_semaphore, #tpu.memory_space<semaphore_mem>>)
    %dma_start3A_400 = tpu.memref_slice %arg3[%min3A_397] : memref<323584xi32, #tpu.memory_space<hbm>> -> memref<128xi32, #tpu.memory_space<hbm>>
    %dma_start3A_401 = tpu.memref_slice %arg3[%min3A_397] : memref<323584xi32, #tpu.memory_space<hbm>> -> memref<128xi32, #tpu.memory_space<hbm>>
    tpu.enqueue_dma source(%dma_start3A_401 : memref<128xi32, #tpu.memory_space<hbm>>) target(%arg11 : memref<128xi32, #tpu.memory_space<vmem>>) target_semaphore(%arg26 : memref<!tpu.dma_semaphore, #tpu.memory_space<semaphore_mem>>)
    %dma_wait3A_402 = arith.constant 0 : i32
    %dma_wait3A_403 = tpu.memref_slice %arg2[%dma_wait3A_402] : memref<323584xi32, #tpu.memory_space<hbm>> -> memref<128xi32, #tpu.memory_space<hbm>>
    %dma_wait3A_404 = arith.constant 0 : i32
    %dma_wait3A_405 = tpu.memref_slice %arg2[%dma_wait3A_404] : memref<323584xi32, #tpu.memory_space<hbm>> -> memref<128xi32, #tpu.memory_space<hbm>>
    tpu.wait_dma2 semaphore(%arg29 : memref<!tpu.dma_semaphore, #tpu.memory_space<semaphore_mem>>) src(%dma_wait3A_405 : memref<128xi32, #tpu.memory_space<hbm>>) dst(%arg21 : memref<128xi32, #tpu.memory_space<vmem>>)
    %dma_wait3A_406 = arith.constant 0 : i32
    %dma_wait3A_407 = tpu.memref_slice %arg3[%dma_wait3A_406] : memref<323584xi32, #tpu.memory_space<hbm>> -> memref<128xi32, #tpu.memory_space<hbm>>
    %dma_wait3A_408 = arith.constant 0 : i32
    %dma_wait3A_409 = tpu.memref_slice %arg3[%dma_wait3A_408] : memref<323584xi32, #tpu.memory_space<hbm>> -> memref<128xi32, #tpu.memory_space<hbm>>
    tpu.wait_dma2 semaphore(%arg29 : memref<!tpu.dma_semaphore, #tpu.memory_space<semaphore_mem>>) src(%dma_wait3A_409 : memref<128xi32, #tpu.memory_space<hbm>>) dst(%arg14 : memref<128xi32, #tpu.memory_space<vmem>>)
    %dma_wait3A_410 = arith.constant 0 : i32
    %dma_wait3A_411 = arith.constant 0 : i32
    %dma_wait3A_412 = tpu.memref_slice %arg8[%dma_wait3A_410, %dma_wait3A_411] : memref<10112x128xf32, #tpu.memory_space<vmem_shared>> -> memref<10112x128xf32, #tpu.memory_space<vmem_shared>>
    tpu.wait_indirect_dma semaphore(%arg31 : memref<!tpu.dma_semaphore, #tpu.memory_space<semaphore_mem>>) src(%arg17 : memref<128x128xf32, #tpu.memory_space<vmem>>) dst(%dma_wait3A_412 : memref<10112x128xf32, #tpu.memory_space<vmem_shared>>)
    %dma_wait3A_413 = arith.constant 0 : i32
    %dma_wait3A_414 = tpu.memref_slice %arg10[%dma_wait3A_413] : memref<10112xf32, #tpu.memory_space<vmem_shared>> -> memref<10112xf32, #tpu.memory_space<vmem_shared>>
    tpu.wait_indirect_dma semaphore(%arg23 : memref<!tpu.dma_semaphore, #tpu.memory_space<semaphore_mem>>) src(%arg15 : memref<128xf32, #tpu.memory_space<vmem>>) dst(%dma_wait3A_414 : memref<10112xf32, #tpu.memory_space<vmem_shared>>)
    %dma_start3A_415 = arith.constant 0 : i32
    %dma_start3A_416 = arith.constant 0 : i32
    %dma_start3A_417 = tpu.memref_slice %arg4[%dma_start3A_415, %dma_start3A_416] : memref<10112x128xf32, #tpu.memory_space<hbm>> -> memref<10112x128xf32, #tpu.memory_space<hbm>>
    tpu.enqueue_indirect_dma source(%dma_start3A_417 : memref<10112x128xf32, #tpu.memory_space<hbm>>) target(%arg17 : memref<128x128xf32, #tpu.memory_space<vmem>>) offsets(%arg21 : memref<128xi32, #tpu.memory_space<vmem>>) semaphore(%arg25 : memref<!tpu.dma_semaphore, #tpu.memory_space<semaphore_mem>>)
    %dma_wait3A_418 = arith.constant 0 : i32
    %dma_wait3A_419 = arith.constant 0 : i32
    %dma_wait3A_420 = tpu.memref_slice %arg4[%dma_wait3A_418, %dma_wait3A_419] : memref<10112x128xf32, #tpu.memory_space<hbm>> -> memref<10112x128xf32, #tpu.memory_space<hbm>>
    tpu.wait_indirect_dma semaphore(%arg24 : memref<!tpu.dma_semaphore, #tpu.memory_space<semaphore_mem>>) src(%dma_wait3A_420 : memref<10112x128xf32, #tpu.memory_space<hbm>>) dst(%arg16 : memref<128x128xf32, #tpu.memory_space<vmem>>)
    %dma_start3A_421 = arith.constant 0 : i32
    %dma_start3A_422 = arith.constant 0 : i32
    %dma_start3A_423 = tpu.memref_slice %arg8[%dma_start3A_421, %dma_start3A_422] : memref<10112x128xf32, #tpu.memory_space<vmem_shared>> -> memref<10112x128xf32, #tpu.memory_space<vmem_shared>>
    tpu.enqueue_indirect_dma source(%arg16 : memref<128x128xf32, #tpu.memory_space<vmem>>) target(%dma_start3A_423 : memref<10112x128xf32, #tpu.memory_space<vmem_shared>>) offsets(%arg13 : memref<128xi32, #tpu.memory_space<vmem>>) semaphore(%arg30 : memref<!tpu.dma_semaphore, #tpu.memory_space<semaphore_mem>>) {add = true}
    %dma_start3A_424 = arith.constant 0 : i32
    %dma_start3A_425 = tpu.memref_slice %arg10[%dma_start3A_424] : memref<10112xf32, #tpu.memory_space<vmem_shared>> -> memref<10112xf32, #tpu.memory_space<vmem_shared>>
    tpu.enqueue_indirect_dma source(%arg15 : memref<128xf32, #tpu.memory_space<vmem>>) target(%dma_start3A_425 : memref<10112xf32, #tpu.memory_space<vmem_shared>>) offsets(%arg13 : memref<128xi32, #tpu.memory_space<vmem>>) semaphore(%arg22 : memref<!tpu.dma_semaphore, #tpu.memory_space<semaphore_mem>>) {add = true}
    %dma_wait3A_426 = arith.constant 0 : i32
    %dma_wait3A_427 = arith.constant 0 : i32
    %dma_wait3A_428 = tpu.memref_slice %arg8[%dma_wait3A_426, %dma_wait3A_427] : memref<10112x128xf32, #tpu.memory_space<vmem_shared>> -> memref<10112x128xf32, #tpu.memory_space<vmem_shared>>
    tpu.wait_indirect_dma semaphore(%arg30 : memref<!tpu.dma_semaphore, #tpu.memory_space<semaphore_mem>>) src(%arg16 : memref<128x128xf32, #tpu.memory_space<vmem>>) dst(%dma_wait3A_428 : memref<10112x128xf32, #tpu.memory_space<vmem_shared>>)
    %dma_wait3A_429 = arith.constant 0 : i32
    %dma_wait3A_430 = tpu.memref_slice %arg10[%dma_wait3A_429] : memref<10112xf32, #tpu.memory_space<vmem_shared>> -> memref<10112xf32, #tpu.memory_space<vmem_shared>>
    tpu.wait_indirect_dma semaphore(%arg22 : memref<!tpu.dma_semaphore, #tpu.memory_space<semaphore_mem>>) src(%arg15 : memref<128xf32, #tpu.memory_space<vmem>>) dst(%dma_wait3A_430 : memref<10112xf32, #tpu.memory_space<vmem_shared>>)
    %dma_wait3A_431 = arith.constant 0 : i32
    %dma_wait3A_432 = arith.constant 0 : i32
    %dma_wait3A_433 = tpu.memref_slice %arg4[%dma_wait3A_431, %dma_wait3A_432] : memref<10112x128xf32, #tpu.memory_space<hbm>> -> memref<10112x128xf32, #tpu.memory_space<hbm>>
    tpu.wait_indirect_dma semaphore(%arg25 : memref<!tpu.dma_semaphore, #tpu.memory_space<semaphore_mem>>) src(%dma_wait3A_433 : memref<10112x128xf32, #tpu.memory_space<hbm>>) dst(%arg17 : memref<128x128xf32, #tpu.memory_space<vmem>>)
    %dma_wait3A_434 = arith.constant 0 : i32
    %dma_wait3A_435 = tpu.memref_slice %arg2[%dma_wait3A_434] : memref<323584xi32, #tpu.memory_space<hbm>> -> memref<128xi32, #tpu.memory_space<hbm>>
    %dma_wait3A_436 = arith.constant 0 : i32
    %dma_wait3A_437 = tpu.memref_slice %arg2[%dma_wait3A_436] : memref<323584xi32, #tpu.memory_space<hbm>> -> memref<128xi32, #tpu.memory_space<hbm>>
    tpu.wait_dma2 semaphore(%arg26 : memref<!tpu.dma_semaphore, #tpu.memory_space<semaphore_mem>>) src(%dma_wait3A_437 : memref<128xi32, #tpu.memory_space<hbm>>) dst(%arg18 : memref<128xi32, #tpu.memory_space<vmem>>)
    %dma_wait3A_438 = arith.constant 0 : i32
    %dma_wait3A_439 = tpu.memref_slice %arg3[%dma_wait3A_438] : memref<323584xi32, #tpu.memory_space<hbm>> -> memref<128xi32, #tpu.memory_space<hbm>>
    %dma_wait3A_440 = arith.constant 0 : i32
    %dma_wait3A_441 = tpu.memref_slice %arg3[%dma_wait3A_440] : memref<323584xi32, #tpu.memory_space<hbm>> -> memref<128xi32, #tpu.memory_space<hbm>>
    tpu.wait_dma2 semaphore(%arg26 : memref<!tpu.dma_semaphore, #tpu.memory_space<semaphore_mem>>) src(%dma_wait3A_441 : memref<128xi32, #tpu.memory_space<hbm>>) dst(%arg11 : memref<128xi32, #tpu.memory_space<vmem>>)
    %barrier3A_442 = arith.constant 0 : index
    tpu.barrier barrier_id(%barrier3A_442)
    %lt3A_443 = arith.constant 15 : i32
    %lt3A_444 = arith.cmpi slt, %arg1, %lt3A_443 : i32
    %convert_element_type3A_445 = arith.extui %lt3A_444 : i1 to i32
    %cond3A_446 = arith.constant 0 : i32
    %cond3A_447 = arith.cmpi ne, %convert_element_type3A_445, %cond3A_446 : i32
    scf.if %cond3A_447 {
      %mul3A_463 = arith.constant 632 : i32
      %mul3A_464 = arith.muli %arg1, %mul3A_463 : i32
      %mul3A_465 = arith.constant 632 : i32
      %mul3A_466 = arith.muli %arg1, %mul3A_465 : i32
      "tpu.region"() ({
        %run_scoped3A = tpu.sem_alloc : memref<!tpu.dma_semaphore, #tpu.memory_space<semaphore_mem>>
        %dma_start3A_467 = arith.constant 0 : i32
        %dma_start3A_468 = tpu.memref_slice %arg6[%arg0, %mul3A_466, %dma_start3A_467] : memref<2x10112x128xf32, #tpu.memory_space<hbm>> -> memref<1x632x128xf32, #tpu.memory_space<hbm>>
        %dma_start3A_469 = tpu.memref_squeeze %dma_start3A_468 : memref<1x632x128xf32, #tpu.memory_space<hbm>> -> memref<632x128xf32, #tpu.memory_space<hbm>>
        %dma_start3A_470 = arith.constant 0 : i32
        %dma_start3A_471 = tpu.memref_slice %arg8[%mul3A_464, %dma_start3A_470] : memref<10112x128xf32, #tpu.memory_space<vmem_shared>> -> memref<632x128xf32, #tpu.memory_space<vmem_shared>>
        tpu.enqueue_dma source(%dma_start3A_471 : memref<632x128xf32, #tpu.memory_space<vmem_shared>>) target(%dma_start3A_469 : memref<632x128xf32, #tpu.memory_space<hbm>>) target_semaphore(%run_scoped3A : memref<!tpu.dma_semaphore, #tpu.memory_space<semaphore_mem>>)
        %dma_wait3A_472 = arith.constant 0 : i32
        %dma_wait3A_473 = tpu.memref_slice %arg6[%arg0, %mul3A_466, %dma_wait3A_472] : memref<2x10112x128xf32, #tpu.memory_space<hbm>> -> memref<1x632x128xf32, #tpu.memory_space<hbm>>
        %dma_wait3A_474 = tpu.memref_squeeze %dma_wait3A_473 : memref<1x632x128xf32, #tpu.memory_space<hbm>> -> memref<632x128xf32, #tpu.memory_space<hbm>>
        %dma_wait3A_475 = arith.constant 0 : i32
        %dma_wait3A_476 = tpu.memref_slice %arg8[%mul3A_464, %dma_wait3A_475] : memref<10112x128xf32, #tpu.memory_space<vmem_shared>> -> memref<632x128xf32, #tpu.memory_space<vmem_shared>>
        tpu.wait_dma2 semaphore(%run_scoped3A : memref<!tpu.dma_semaphore, #tpu.memory_space<semaphore_mem>>) src(%dma_wait3A_476 : memref<632x128xf32, #tpu.memory_space<vmem_shared>>) dst(%dma_wait3A_474 : memref<632x128xf32, #tpu.memory_space<hbm>>)
        tpu.yield
      }) : () -> ()
    } else {
    }
    %eq3A_448 = arith.constant 15 : i32
    %eq3A_449 = arith.cmpi eq, %arg1, %eq3A_448 : i32
    %convert_element_type3A_450 = arith.extui %eq3A_449 : i1 to i32
    %cond3A_451 = arith.constant 0 : i32
    %cond3A_452 = arith.cmpi ne, %convert_element_type3A_450, %cond3A_451 : i32
    scf.if %cond3A_452 {
      "tpu.region"() ({
        %run_scoped3A = tpu.sem_alloc : memref<!tpu.dma_semaphore, #tpu.memory_space<semaphore_mem>>
        %dma_start3A_463 = arith.constant 9480 : i32
        %dma_start3A_464 = arith.constant 0 : i32
        %dma_start3A_465 = tpu.memref_slice %arg6[%arg0, %dma_start3A_463, %dma_start3A_464] : memref<2x10112x128xf32, #tpu.memory_space<hbm>> -> memref<1x632x128xf32, #tpu.memory_space<hbm>>
        %dma_start3A_466 = tpu.memref_squeeze %dma_start3A_465 : memref<1x632x128xf32, #tpu.memory_space<hbm>> -> memref<632x128xf32, #tpu.memory_space<hbm>>
        %dma_start3A_467 = arith.constant 9480 : i32
        %dma_start3A_468 = arith.constant 0 : i32
        %dma_start3A_469 = tpu.memref_slice %arg8[%dma_start3A_467, %dma_start3A_468] : memref<10112x128xf32, #tpu.memory_space<vmem_shared>> -> memref<632x128xf32, #tpu.memory_space<vmem_shared>>
        tpu.enqueue_dma source(%dma_start3A_469 : memref<632x128xf32, #tpu.memory_space<vmem_shared>>) target(%dma_start3A_466 : memref<632x128xf32, #tpu.memory_space<hbm>>) target_semaphore(%run_scoped3A : memref<!tpu.dma_semaphore, #tpu.memory_space<semaphore_mem>>)
        %dma_wait3A_470 = arith.constant 9480 : i32
        %dma_wait3A_471 = arith.constant 0 : i32
        %dma_wait3A_472 = tpu.memref_slice %arg6[%arg0, %dma_wait3A_470, %dma_wait3A_471] : memref<2x10112x128xf32, #tpu.memory_space<hbm>> -> memref<1x632x128xf32, #tpu.memory_space<hbm>>
        %dma_wait3A_473 = tpu.memref_squeeze %dma_wait3A_472 : memref<1x632x128xf32, #tpu.memory_space<hbm>> -> memref<632x128xf32, #tpu.memory_space<hbm>>
        %dma_wait3A_474 = arith.constant 9480 : i32
        %dma_wait3A_475 = arith.constant 0 : i32
        %dma_wait3A_476 = tpu.memref_slice %arg8[%dma_wait3A_474, %dma_wait3A_475] : memref<10112x128xf32, #tpu.memory_space<vmem_shared>> -> memref<632x128xf32, #tpu.memory_space<vmem_shared>>
        tpu.wait_dma2 semaphore(%run_scoped3A : memref<!tpu.dma_semaphore, #tpu.memory_space<semaphore_mem>>) src(%dma_wait3A_476 : memref<632x128xf32, #tpu.memory_space<vmem_shared>>) dst(%dma_wait3A_473 : memref<632x128xf32, #tpu.memory_space<hbm>>)
        tpu.yield
      }) : () -> ()
    } else {
    }
    %lt3A_453 = arith.constant 15 : i32
    %lt3A_454 = arith.cmpi slt, %arg1, %lt3A_453 : i32
    %convert_element_type3A_455 = arith.extui %lt3A_454 : i1 to i32
    %cond3A_456 = arith.constant 0 : i32
    %cond3A_457 = arith.cmpi ne, %convert_element_type3A_455, %cond3A_456 : i32
    scf.if %cond3A_457 {
      %mul3A_463 = arith.constant 632 : i32
      %mul3A_464 = arith.muli %arg1, %mul3A_463 : i32
      "tpu.region"() ({
        %run_scoped3A = tpu.sem_alloc : memref<!tpu.dma_semaphore, #tpu.memory_space<semaphore_mem>>
        %dma_start3A_470 = arith.constant 0 : i32
        %dma_start3A_471 = tpu.memref_slice %arg9[%dma_start3A_470] : memref<640xf32, #tpu.memory_space<vmem>> -> memref<632xf32, #tpu.memory_space<vmem>>
        %dma_start3A_472 = tpu.memref_slice %arg10[%mul3A_464] : memref<10112xf32, #tpu.memory_space<vmem_shared>> -> memref<632xf32, #tpu.memory_space<vmem_shared>>
        %dma_start3A_473 = arith.constant 0 : i32
        %dma_start3A_474 = tpu.memref_slice %arg9[%dma_start3A_473] : memref<640xf32, #tpu.memory_space<vmem>> -> memref<632xf32, #tpu.memory_space<vmem>>
        %dma_start3A_475 = tpu.memref_slice %arg10[%mul3A_464] : memref<10112xf32, #tpu.memory_space<vmem_shared>> -> memref<632xf32, #tpu.memory_space<vmem_shared>>
        tpu.enqueue_dma source(%dma_start3A_475 : memref<632xf32, #tpu.memory_space<vmem_shared>>) target(%dma_start3A_474 : memref<632xf32, #tpu.memory_space<vmem>>) target_semaphore(%run_scoped3A : memref<!tpu.dma_semaphore, #tpu.memory_space<semaphore_mem>>)
        %dma_wait3A_476 = arith.constant 0 : i32
        %dma_wait3A_477 = tpu.memref_slice %arg9[%dma_wait3A_476] : memref<640xf32, #tpu.memory_space<vmem>> -> memref<632xf32, #tpu.memory_space<vmem>>
        %dma_wait3A_478 = tpu.memref_slice %arg10[%mul3A_464] : memref<10112xf32, #tpu.memory_space<vmem_shared>> -> memref<632xf32, #tpu.memory_space<vmem_shared>>
        %dma_wait3A_479 = arith.constant 0 : i32
        %dma_wait3A_480 = tpu.memref_slice %arg9[%dma_wait3A_479] : memref<640xf32, #tpu.memory_space<vmem>> -> memref<632xf32, #tpu.memory_space<vmem>>
        %dma_wait3A_481 = tpu.memref_slice %arg10[%mul3A_464] : memref<10112xf32, #tpu.memory_space<vmem_shared>> -> memref<632xf32, #tpu.memory_space<vmem_shared>>
        tpu.wait_dma2 semaphore(%run_scoped3A : memref<!tpu.dma_semaphore, #tpu.memory_space<semaphore_mem>>) src(%dma_wait3A_481 : memref<632xf32, #tpu.memory_space<vmem_shared>>) dst(%dma_wait3A_480 : memref<632xf32, #tpu.memory_space<vmem>>)
        tpu.yield
      }) : () -> ()
      %mul3A_465 = arith.constant 10112 : i32
      %mul3A_466 = arith.muli %arg0, %mul3A_465 : i32
      %mul3A_467 = arith.constant 632 : i32
      %mul3A_468 = arith.muli %arg1, %mul3A_467 : i32
      %add3A_469 = arith.addi %mul3A_466, %mul3A_468 : i32
      "tpu.region"() ({
        %run_scoped3A = tpu.sem_alloc : memref<!tpu.dma_semaphore, #tpu.memory_space<semaphore_mem>>
        %dma_start3A_470 = arith.constant 0 : i32
        %dma_start3A_471 = tpu.memref_slice %arg9[%dma_start3A_470] : memref<640xf32, #tpu.memory_space<vmem>> -> memref<632xf32, #tpu.memory_space<vmem>>
        %dma_start3A_472 = tpu.memref_slice %arg7[%add3A_469] : memref<20224xf32, #tpu.memory_space<hbm>> -> memref<632xf32, #tpu.memory_space<hbm>>
        %dma_start3A_473 = tpu.memref_slice %arg7[%add3A_469] : memref<20224xf32, #tpu.memory_space<hbm>> -> memref<632xf32, #tpu.memory_space<hbm>>
        %dma_start3A_474 = arith.constant 0 : i32
        %dma_start3A_475 = tpu.memref_slice %arg9[%dma_start3A_474] : memref<640xf32, #tpu.memory_space<vmem>> -> memref<632xf32, #tpu.memory_space<vmem>>
        tpu.enqueue_dma source(%dma_start3A_475 : memref<632xf32, #tpu.memory_space<vmem>>) target(%dma_start3A_473 : memref<632xf32, #tpu.memory_space<hbm>>) target_semaphore(%run_scoped3A : memref<!tpu.dma_semaphore, #tpu.memory_space<semaphore_mem>>)
        %dma_wait3A_476 = arith.constant 0 : i32
        %dma_wait3A_477 = tpu.memref_slice %arg9[%dma_wait3A_476] : memref<640xf32, #tpu.memory_space<vmem>> -> memref<632xf32, #tpu.memory_space<vmem>>
        %dma_wait3A_478 = tpu.memref_slice %arg7[%add3A_469] : memref<20224xf32, #tpu.memory_space<hbm>> -> memref<632xf32, #tpu.memory_space<hbm>>
        %dma_wait3A_479 = tpu.memref_slice %arg7[%add3A_469] : memref<20224xf32, #tpu.memory_space<hbm>> -> memref<632xf32, #tpu.memory_space<hbm>>
        %dma_wait3A_480 = arith.constant 0 : i32
        %dma_wait3A_481 = tpu.memref_slice %arg9[%dma_wait3A_480] : memref<640xf32, #tpu.memory_space<vmem>> -> memref<632xf32, #tpu.memory_space<vmem>>
        tpu.wait_dma2 semaphore(%run_scoped3A : memref<!tpu.dma_semaphore, #tpu.memory_space<semaphore_mem>>) src(%dma_wait3A_481 : memref<632xf32, #tpu.memory_space<vmem>>) dst(%dma_wait3A_479 : memref<632xf32, #tpu.memory_space<hbm>>)
        tpu.yield
      }) : () -> ()
    } else {
    }
    %eq3A_458 = arith.constant 15 : i32
    %eq3A_459 = arith.cmpi eq, %arg1, %eq3A_458 : i32
    %convert_element_type3A_460 = arith.extui %eq3A_459 : i1 to i32
    %cond3A_461 = arith.constant 0 : i32
    %cond3A_462 = arith.cmpi ne, %convert_element_type3A_460, %cond3A_461 : i32
    scf.if %cond3A_462 {
      "tpu.region"() ({
        %run_scoped3A = tpu.sem_alloc : memref<!tpu.dma_semaphore, #tpu.memory_space<semaphore_mem>>
        %dma_start3A_467 = arith.constant 0 : i32
        %dma_start3A_468 = tpu.memref_slice %arg9[%dma_start3A_467] : memref<640xf32, #tpu.memory_space<vmem>> -> memref<632xf32, #tpu.memory_space<vmem>>
        %dma_start3A_469 = arith.constant 9480 : i32
        %dma_start3A_470 = tpu.memref_slice %arg10[%dma_start3A_469] : memref<10112xf32, #tpu.memory_space<vmem_shared>> -> memref<632xf32, #tpu.memory_space<vmem_shared>>
        %dma_start3A_471 = arith.constant 0 : i32
        %dma_start3A_472 = tpu.memref_slice %arg9[%dma_start3A_471] : memref<640xf32, #tpu.memory_space<vmem>> -> memref<632xf32, #tpu.memory_space<vmem>>
        %dma_start3A_473 = arith.constant 9480 : i32
        %dma_start3A_474 = tpu.memref_slice %arg10[%dma_start3A_473] : memref<10112xf32, #tpu.memory_space<vmem_shared>> -> memref<632xf32, #tpu.memory_space<vmem_shared>>
        tpu.enqueue_dma source(%dma_start3A_474 : memref<632xf32, #tpu.memory_space<vmem_shared>>) target(%dma_start3A_472 : memref<632xf32, #tpu.memory_space<vmem>>) target_semaphore(%run_scoped3A : memref<!tpu.dma_semaphore, #tpu.memory_space<semaphore_mem>>)
        %dma_wait3A_475 = arith.constant 0 : i32
        %dma_wait3A_476 = tpu.memref_slice %arg9[%dma_wait3A_475] : memref<640xf32, #tpu.memory_space<vmem>> -> memref<632xf32, #tpu.memory_space<vmem>>
        %dma_wait3A_477 = arith.constant 9480 : i32
        %dma_wait3A_478 = tpu.memref_slice %arg10[%dma_wait3A_477] : memref<10112xf32, #tpu.memory_space<vmem_shared>> -> memref<632xf32, #tpu.memory_space<vmem_shared>>
        %dma_wait3A_479 = arith.constant 0 : i32
        %dma_wait3A_480 = tpu.memref_slice %arg9[%dma_wait3A_479] : memref<640xf32, #tpu.memory_space<vmem>> -> memref<632xf32, #tpu.memory_space<vmem>>
        %dma_wait3A_481 = arith.constant 9480 : i32
        %dma_wait3A_482 = tpu.memref_slice %arg10[%dma_wait3A_481] : memref<10112xf32, #tpu.memory_space<vmem_shared>> -> memref<632xf32, #tpu.memory_space<vmem_shared>>
        tpu.wait_dma2 semaphore(%run_scoped3A : memref<!tpu.dma_semaphore, #tpu.memory_space<semaphore_mem>>) src(%dma_wait3A_482 : memref<632xf32, #tpu.memory_space<vmem_shared>>) dst(%dma_wait3A_480 : memref<632xf32, #tpu.memory_space<vmem>>)
        tpu.yield
      }) : () -> ()
      %mul3A_463 = arith.constant 10112 : i32
      %mul3A_464 = arith.muli %arg0, %mul3A_463 : i32
      %add3A_465 = arith.constant 9480 : i32
      %add3A_466 = arith.addi %mul3A_464, %add3A_465 : i32
      "tpu.region"() ({
        %run_scoped3A = tpu.sem_alloc : memref<!tpu.dma_semaphore, #tpu.memory_space<semaphore_mem>>
        %dma_start3A_467 = arith.constant 0 : i32
        %dma_start3A_468 = tpu.memref_slice %arg9[%dma_start3A_467] : memref<640xf32, #tpu.memory_space<vmem>> -> memref<632xf32, #tpu.memory_space<vmem>>
        %dma_start3A_469 = tpu.memref_slice %arg7[%add3A_466] : memref<20224xf32, #tpu.memory_space<hbm>> -> memref<632xf32, #tpu.memory_space<hbm>>
        %dma_start3A_470 = tpu.memref_slice %arg7[%add3A_466] : memref<20224xf32, #tpu.memory_space<hbm>> -> memref<632xf32, #tpu.memory_space<hbm>>
        %dma_start3A_471 = arith.constant 0 : i32
        %dma_start3A_472 = tpu.memref_slice %arg9[%dma_start3A_471] : memref<640xf32, #tpu.memory_space<vmem>> -> memref<632xf32, #tpu.memory_space<vmem>>
        tpu.enqueue_dma source(%dma_start3A_472 : memref<632xf32, #tpu.memory_space<vmem>>) target(%dma_start3A_470 : memref<632xf32, #tpu.memory_space<hbm>>) target_semaphore(%run_scoped3A : memref<!tpu.dma_semaphore, #tpu.memory_space<semaphore_mem>>)
        %dma_wait3A_473 = arith.constant 0 : i32
        %dma_wait3A_474 = tpu.memref_slice %arg9[%dma_wait3A_473] : memref<640xf32, #tpu.memory_space<vmem>> -> memref<632xf32, #tpu.memory_space<vmem>>
        %dma_wait3A_475 = tpu.memref_slice %arg7[%add3A_466] : memref<20224xf32, #tpu.memory_space<hbm>> -> memref<632xf32, #tpu.memory_space<hbm>>
        %dma_wait3A_476 = tpu.memref_slice %arg7[%add3A_466] : memref<20224xf32, #tpu.memory_space<hbm>> -> memref<632xf32, #tpu.memory_space<hbm>>
        %dma_wait3A_477 = arith.constant 0 : i32
        %dma_wait3A_478 = tpu.memref_slice %arg9[%dma_wait3A_477] : memref<640xf32, #tpu.memory_space<vmem>> -> memref<632xf32, #tpu.memory_space<vmem>>
        tpu.wait_dma2 semaphore(%run_scoped3A : memref<!tpu.dma_semaphore, #tpu.memory_space<semaphore_mem>>) src(%dma_wait3A_478 : memref<632xf32, #tpu.memory_space<vmem>>) dst(%dma_wait3A_476 : memref<632xf32, #tpu.memory_space<hbm>>)
        tpu.yield
      }) : () -> ()
    } else {
    }
    return
  }
}

#map = affine_map<(d0, d1) -> (0)>
#map1 = affine_map<(d0, d1) -> (0, 0)>
#map2 = affine_map<(d0, d1) -> (0, 0, 0)>
module attributes {stable_mosaic.version = 14 : i64} {
  func.func @seg_sum(%arg0: i32, %arg1: i32, %arg2: memref<323584xi32, #tpu.memory_space<hbm>>, %arg3: memref<323584xi32, #tpu.memory_space<hbm>>, %arg4: memref<10112x128xf32, #tpu.memory_space<hbm>>, %arg5: memref<10112x128xf32, #tpu.memory_space<hbm>>, %arg6: memref<2x10112x128xf32, #tpu.memory_space<hbm>>, %arg7: memref<10112x128xf32, #tpu.memory_space<vmem_shared>>, %arg8: memref<640xf32, #tpu.memory_space<vmem>>, %arg9: memref<10112xf32, #tpu.memory_space<vmem_shared>>, %arg10: memref<128xi32, #tpu.memory_space<vmem>>, %arg11: memref<128xi32, #tpu.memory_space<vmem>>, %arg12: memref<128xi32, #tpu.memory_space<vmem>>, %arg13: memref<128xi32, #tpu.memory_space<vmem>>, %arg14: memref<128xf32, #tpu.memory_space<vmem>>, %arg15: memref<128x128xf32, #tpu.memory_space<vmem>>, %arg16: memref<128x128xf32, #tpu.memory_space<vmem>>, %arg17: memref<128xi32, #tpu.memory_space<vmem>>, %arg18: memref<128xi32, #tpu.memory_space<vmem>>, %arg19: memref<128xi32, #tpu.memory_space<vmem>>, %arg20: memref<128xi32, #tpu.memory_space<vmem>>, %arg21: memref<!tpu.dma_semaphore, #tpu.memory_space<semaphore_mem>>, %arg22: memref<!tpu.dma_semaphore, #tpu.memory_space<semaphore_mem>>, %arg23: memref<!tpu.dma_semaphore, #tpu.memory_space<semaphore_mem>>, %arg24: memref<!tpu.dma_semaphore, #tpu.memory_space<semaphore_mem>>, %arg25: memref<!tpu.dma_semaphore, #tpu.memory_space<semaphore_mem>>, %arg26: memref<!tpu.dma_semaphore, #tpu.memory_space<semaphore_mem>>, %arg27: memref<!tpu.dma_semaphore, #tpu.memory_space<semaphore_mem>>, %arg28: memref<!tpu.dma_semaphore, #tpu.memory_space<semaphore_mem>>, %arg29: memref<!tpu.dma_semaphore, #tpu.memory_space<semaphore_mem>>, %arg30: memref<!tpu.dma_semaphore, #tpu.memory_space<semaphore_mem>>) attributes {dimension_semantics = [#tpu.dimension_semantics<core_parallel>, #tpu.dimension_semantics<subcore_parallel>], iteration_bounds = array<i64: 2, 16>, scalar_prefetch = 0 : i64, scratch_operands = 24 : i64, tpu.core_type = #tpu.core_type<sc_vector_subcore>, window_params = [{transform_indices = #map}, {transform_indices = #map}, {transform_indices = #map1}, {transform_indices = #map1}, {transform_indices = #map2}]} {
    %mul3A = arith.constant 16 : i32
    %mul3A_0 = arith.muli %arg0, %mul3A : i32
    %add3A = arith.addi %mul3A_0, %arg1 : i32
    %lt3A = arith.constant 15 : i32
    %lt3A_1 = arith.cmpi slt, %arg1, %lt3A : i32
    %convert_element_type3A = arith.extui %lt3A_1 : i1 to i32
    %cond3A = arith.constant 0 : i32
    %cond3A_2 = arith.cmpi ne, %convert_element_type3A, %cond3A : i32
    scf.if %cond3A_2 {
      %mul3A_145 = arith.constant 632 : i32
      %mul3A_146 = arith.muli %arg1, %mul3A_145 : i32
      %mul3A_147 = arith.constant 632 : i32
      %mul3A_148 = arith.muli %arg1, %mul3A_147 : i32
      "tpu.region"() ({
        %run_scoped3A = tpu.sem_alloc : memref<!tpu.dma_semaphore, #tpu.memory_space<semaphore_mem>>
        %dma_start3A_149 = arith.constant 0 : i32
        %dma_start3A_150 = tpu.memref_slice %arg7[%mul3A_148, %dma_start3A_149] : memref<10112x128xf32, #tpu.memory_space<vmem_shared>> -> memref<632x128xf32, #tpu.memory_space<vmem_shared>>
        %dma_start3A_151 = arith.constant 0 : i32
        %dma_start3A_152 = tpu.memref_slice %arg5[%mul3A_146, %dma_start3A_151] : memref<10112x128xf32, #tpu.memory_space<hbm>> -> memref<632x128xf32, #tpu.memory_space<hbm>>
        tpu.enqueue_dma source(%dma_start3A_152 : memref<632x128xf32, #tpu.memory_space<hbm>>) target(%dma_start3A_150 : memref<632x128xf32, #tpu.memory_space<vmem_shared>>) target_semaphore(%run_scoped3A : memref<!tpu.dma_semaphore, #tpu.memory_space<semaphore_mem>>)
        %dma_wait3A_153 = arith.constant 0 : i32
        %dma_wait3A_154 = tpu.memref_slice %arg7[%mul3A_148, %dma_wait3A_153] : memref<10112x128xf32, #tpu.memory_space<vmem_shared>> -> memref<632x128xf32, #tpu.memory_space<vmem_shared>>
        %dma_wait3A_155 = arith.constant 0 : i32
        %dma_wait3A_156 = tpu.memref_slice %arg5[%mul3A_146, %dma_wait3A_155] : memref<10112x128xf32, #tpu.memory_space<hbm>> -> memref<632x128xf32, #tpu.memory_space<hbm>>
        tpu.wait_dma2 semaphore(%run_scoped3A : memref<!tpu.dma_semaphore, #tpu.memory_space<semaphore_mem>>) src(%dma_wait3A_156 : memref<632x128xf32, #tpu.memory_space<hbm>>) dst(%dma_wait3A_154 : memref<632x128xf32, #tpu.memory_space<vmem_shared>>)
        tpu.yield
      }) : () -> ()
    } else {
    }
    %eq3A = arith.constant 15 : i32
    %eq3A_3 = arith.cmpi eq, %arg1, %eq3A : i32
    %convert_element_type3A_4 = arith.extui %eq3A_3 : i1 to i32
    %cond3A_5 = arith.constant 0 : i32
    %cond3A_6 = arith.cmpi ne, %convert_element_type3A_4, %cond3A_5 : i32
    scf.if %cond3A_6 {
      "tpu.region"() ({
        %run_scoped3A = tpu.sem_alloc : memref<!tpu.dma_semaphore, #tpu.memory_space<semaphore_mem>>
        %dma_start3A_145 = arith.constant 9480 : i32
        %dma_start3A_146 = arith.constant 0 : i32
        %dma_start3A_147 = tpu.memref_slice %arg7[%dma_start3A_145, %dma_start3A_146] : memref<10112x128xf32, #tpu.memory_space<vmem_shared>> -> memref<632x128xf32, #tpu.memory_space<vmem_shared>>
        %dma_start3A_148 = arith.constant 9480 : i32
        %dma_start3A_149 = arith.constant 0 : i32
        %dma_start3A_150 = tpu.memref_slice %arg5[%dma_start3A_148, %dma_start3A_149] : memref<10112x128xf32, #tpu.memory_space<hbm>> -> memref<632x128xf32, #tpu.memory_space<hbm>>
        tpu.enqueue_dma source(%dma_start3A_150 : memref<632x128xf32, #tpu.memory_space<hbm>>) target(%dma_start3A_147 : memref<632x128xf32, #tpu.memory_space<vmem_shared>>) target_semaphore(%run_scoped3A : memref<!tpu.dma_semaphore, #tpu.memory_space<semaphore_mem>>)
        %dma_wait3A_151 = arith.constant 9480 : i32
        %dma_wait3A_152 = arith.constant 0 : i32
        %dma_wait3A_153 = tpu.memref_slice %arg7[%dma_wait3A_151, %dma_wait3A_152] : memref<10112x128xf32, #tpu.memory_space<vmem_shared>> -> memref<632x128xf32, #tpu.memory_space<vmem_shared>>
        %dma_wait3A_154 = arith.constant 9480 : i32
        %dma_wait3A_155 = arith.constant 0 : i32
        %dma_wait3A_156 = tpu.memref_slice %arg5[%dma_wait3A_154, %dma_wait3A_155] : memref<10112x128xf32, #tpu.memory_space<hbm>> -> memref<632x128xf32, #tpu.memory_space<hbm>>
        tpu.wait_dma2 semaphore(%run_scoped3A : memref<!tpu.dma_semaphore, #tpu.memory_space<semaphore_mem>>) src(%dma_wait3A_156 : memref<632x128xf32, #tpu.memory_space<hbm>>) dst(%dma_wait3A_153 : memref<632x128xf32, #tpu.memory_space<vmem_shared>>)
        tpu.yield
      }) : () -> ()
    } else {
    }
    %barrier3A = arith.constant 0 : index
    tpu.barrier barrier_id(%barrier3A)
    %mul3A_7 = arith.constant 10112 : i32
    %mul3A_8 = arith.muli %add3A, %mul3A_7 : i32
    %add3A_9 = arith.constant 0 : i32
    %add3A_10 = arith.addi %mul3A_8, %add3A_9 : i32
    %min3A = arith.constant 323456 : i32
    %min3A_11 = arith.minsi %add3A_10, %min3A : i32
    %dma_start3A = tpu.memref_slice %arg2[%min3A_11] : memref<323584xi32, #tpu.memory_space<hbm>> -> memref<128xi32, #tpu.memory_space<hbm>>
    %dma_start3A_12 = tpu.memref_slice %arg2[%min3A_11] : memref<323584xi32, #tpu.memory_space<hbm>> -> memref<128xi32, #tpu.memory_space<hbm>>
    tpu.enqueue_dma source(%dma_start3A_12 : memref<128xi32, #tpu.memory_space<hbm>>) target(%arg17 : memref<128xi32, #tpu.memory_space<vmem>>) target_semaphore(%arg25 : memref<!tpu.dma_semaphore, #tpu.memory_space<semaphore_mem>>)
    %dma_start3A_13 = tpu.memref_slice %arg3[%min3A_11] : memref<323584xi32, #tpu.memory_space<hbm>> -> memref<128xi32, #tpu.memory_space<hbm>>
    %dma_start3A_14 = tpu.memref_slice %arg3[%min3A_11] : memref<323584xi32, #tpu.memory_space<hbm>> -> memref<128xi32, #tpu.memory_space<hbm>>
    tpu.enqueue_dma source(%dma_start3A_14 : memref<128xi32, #tpu.memory_space<hbm>>) target(%arg10 : memref<128xi32, #tpu.memory_space<vmem>>) target_semaphore(%arg25 : memref<!tpu.dma_semaphore, #tpu.memory_space<semaphore_mem>>)
    %dma_wait3A = arith.constant 0 : i32
    %dma_wait3A_15 = tpu.memref_slice %arg2[%dma_wait3A] : memref<323584xi32, #tpu.memory_space<hbm>> -> memref<128xi32, #tpu.memory_space<hbm>>
    %dma_wait3A_16 = arith.constant 0 : i32
    %dma_wait3A_17 = tpu.memref_slice %arg2[%dma_wait3A_16] : memref<323584xi32, #tpu.memory_space<hbm>> -> memref<128xi32, #tpu.memory_space<hbm>>
    tpu.wait_dma2 semaphore(%arg25 : memref<!tpu.dma_semaphore, #tpu.memory_space<semaphore_mem>>) src(%dma_wait3A_17 : memref<128xi32, #tpu.memory_space<hbm>>) dst(%arg17 : memref<128xi32, #tpu.memory_space<vmem>>)
    %dma_wait3A_18 = arith.constant 0 : i32
    %dma_wait3A_19 = tpu.memref_slice %arg3[%dma_wait3A_18] : memref<323584xi32, #tpu.memory_space<hbm>> -> memref<128xi32, #tpu.memory_space<hbm>>
    %dma_wait3A_20 = arith.constant 0 : i32
    %dma_wait3A_21 = tpu.memref_slice %arg3[%dma_wait3A_20] : memref<323584xi32, #tpu.memory_space<hbm>> -> memref<128xi32, #tpu.memory_space<hbm>>
    tpu.wait_dma2 semaphore(%arg25 : memref<!tpu.dma_semaphore, #tpu.memory_space<semaphore_mem>>) src(%dma_wait3A_21 : memref<128xi32, #tpu.memory_space<hbm>>) dst(%arg10 : memref<128xi32, #tpu.memory_space<vmem>>)
    %dma_start3A_22 = arith.constant 0 : i32
    %dma_start3A_23 = arith.constant 0 : i32
    %dma_start3A_24 = tpu.memref_slice %arg4[%dma_start3A_22, %dma_start3A_23] : memref<10112x128xf32, #tpu.memory_space<hbm>> -> memref<10112x128xf32, #tpu.memory_space<hbm>>
    tpu.enqueue_indirect_dma source(%dma_start3A_24 : memref<10112x128xf32, #tpu.memory_space<hbm>>) target(%arg15 : memref<128x128xf32, #tpu.memory_space<vmem>>) offsets(%arg17 : memref<128xi32, #tpu.memory_space<vmem>>) semaphore(%arg23 : memref<!tpu.dma_semaphore, #tpu.memory_space<semaphore_mem>>)
    %add3A_25 = arith.constant 128 : i32
    %add3A_26 = arith.addi %mul3A_8, %add3A_25 : i32
    %min3A_27 = arith.constant 323456 : i32
    %min3A_28 = arith.minsi %add3A_26, %min3A_27 : i32
    %dma_start3A_29 = tpu.memref_slice %arg2[%min3A_28] : memref<323584xi32, #tpu.memory_space<hbm>> -> memref<128xi32, #tpu.memory_space<hbm>>
    %dma_start3A_30 = tpu.memref_slice %arg2[%min3A_28] : memref<323584xi32, #tpu.memory_space<hbm>> -> memref<128xi32, #tpu.memory_space<hbm>>
    tpu.enqueue_dma source(%dma_start3A_30 : memref<128xi32, #tpu.memory_space<hbm>>) target(%arg18 : memref<128xi32, #tpu.memory_space<vmem>>) target_semaphore(%arg26 : memref<!tpu.dma_semaphore, #tpu.memory_space<semaphore_mem>>)
    %dma_start3A_31 = tpu.memref_slice %arg3[%min3A_28] : memref<323584xi32, #tpu.memory_space<hbm>> -> memref<128xi32, #tpu.memory_space<hbm>>
    %dma_start3A_32 = tpu.memref_slice %arg3[%min3A_28] : memref<323584xi32, #tpu.memory_space<hbm>> -> memref<128xi32, #tpu.memory_space<hbm>>
    tpu.enqueue_dma source(%dma_start3A_32 : memref<128xi32, #tpu.memory_space<hbm>>) target(%arg11 : memref<128xi32, #tpu.memory_space<vmem>>) target_semaphore(%arg26 : memref<!tpu.dma_semaphore, #tpu.memory_space<semaphore_mem>>)
    %add3A_33 = arith.constant 256 : i32
    %add3A_34 = arith.addi %mul3A_8, %add3A_33 : i32
    %min3A_35 = arith.constant 323456 : i32
    %min3A_36 = arith.minsi %add3A_34, %min3A_35 : i32
    %dma_start3A_37 = tpu.memref_slice %arg2[%min3A_36] : memref<323584xi32, #tpu.memory_space<hbm>> -> memref<128xi32, #tpu.memory_space<hbm>>
    %dma_start3A_38 = tpu.memref_slice %arg2[%min3A_36] : memref<323584xi32, #tpu.memory_space<hbm>> -> memref<128xi32, #tpu.memory_space<hbm>>
    tpu.enqueue_dma source(%dma_start3A_38 : memref<128xi32, #tpu.memory_space<hbm>>) target(%arg19 : memref<128xi32, #tpu.memory_space<vmem>>) target_semaphore(%arg27 : memref<!tpu.dma_semaphore, #tpu.memory_space<semaphore_mem>>)
    %dma_start3A_39 = tpu.memref_slice %arg3[%min3A_36] : memref<323584xi32, #tpu.memory_space<hbm>> -> memref<128xi32, #tpu.memory_space<hbm>>
    %dma_start3A_40 = tpu.memref_slice %arg3[%min3A_36] : memref<323584xi32, #tpu.memory_space<hbm>> -> memref<128xi32, #tpu.memory_space<hbm>>
    tpu.enqueue_dma source(%dma_start3A_40 : memref<128xi32, #tpu.memory_space<hbm>>) target(%arg12 : memref<128xi32, #tpu.memory_space<vmem>>) target_semaphore(%arg27 : memref<!tpu.dma_semaphore, #tpu.memory_space<semaphore_mem>>)
    %dma_wait3A_41 = arith.constant 0 : i32
    %dma_wait3A_42 = tpu.memref_slice %arg2[%dma_wait3A_41] : memref<323584xi32, #tpu.memory_space<hbm>> -> memref<128xi32, #tpu.memory_space<hbm>>
    %dma_wait3A_43 = arith.constant 0 : i32
    %dma_wait3A_44 = tpu.memref_slice %arg2[%dma_wait3A_43] : memref<323584xi32, #tpu.memory_space<hbm>> -> memref<128xi32, #tpu.memory_space<hbm>>
    tpu.wait_dma2 semaphore(%arg26 : memref<!tpu.dma_semaphore, #tpu.memory_space<semaphore_mem>>) src(%dma_wait3A_44 : memref<128xi32, #tpu.memory_space<hbm>>) dst(%arg18 : memref<128xi32, #tpu.memory_space<vmem>>)
    %dma_wait3A_45 = arith.constant 0 : i32
    %dma_wait3A_46 = tpu.memref_slice %arg3[%dma_wait3A_45] : memref<323584xi32, #tpu.memory_space<hbm>> -> memref<128xi32, #tpu.memory_space<hbm>>
    %dma_wait3A_47 = arith.constant 0 : i32
    %dma_wait3A_48 = tpu.memref_slice %arg3[%dma_wait3A_47] : memref<323584xi32, #tpu.memory_space<hbm>> -> memref<128xi32, #tpu.memory_space<hbm>>
    tpu.wait_dma2 semaphore(%arg26 : memref<!tpu.dma_semaphore, #tpu.memory_space<semaphore_mem>>) src(%dma_wait3A_48 : memref<128xi32, #tpu.memory_space<hbm>>) dst(%arg11 : memref<128xi32, #tpu.memory_space<vmem>>)
    %dma_start3A_49 = arith.constant 0 : i32
    %dma_start3A_50 = arith.constant 0 : i32
    %dma_start3A_51 = tpu.memref_slice %arg4[%dma_start3A_49, %dma_start3A_50] : memref<10112x128xf32, #tpu.memory_space<hbm>> -> memref<10112x128xf32, #tpu.memory_space<hbm>>
    tpu.enqueue_indirect_dma source(%dma_start3A_51 : memref<10112x128xf32, #tpu.memory_space<hbm>>) target(%arg16 : memref<128x128xf32, #tpu.memory_space<vmem>>) offsets(%arg18 : memref<128xi32, #tpu.memory_space<vmem>>) semaphore(%arg24 : memref<!tpu.dma_semaphore, #tpu.memory_space<semaphore_mem>>)
    %dma_wait3A_52 = arith.constant 0 : i32
    %dma_wait3A_53 = arith.constant 0 : i32
    %dma_wait3A_54 = tpu.memref_slice %arg4[%dma_wait3A_52, %dma_wait3A_53] : memref<10112x128xf32, #tpu.memory_space<hbm>> -> memref<10112x128xf32, #tpu.memory_space<hbm>>
    tpu.wait_indirect_dma semaphore(%arg23 : memref<!tpu.dma_semaphore, #tpu.memory_space<semaphore_mem>>) src(%dma_wait3A_54 : memref<10112x128xf32, #tpu.memory_space<hbm>>) dst(%arg15 : memref<128x128xf32, #tpu.memory_space<vmem>>)
    %dma_start3A_55 = arith.constant 0 : i32
    %dma_start3A_56 = arith.constant 0 : i32
    %dma_start3A_57 = tpu.memref_slice %arg7[%dma_start3A_55, %dma_start3A_56] : memref<10112x128xf32, #tpu.memory_space<vmem_shared>> -> memref<10112x128xf32, #tpu.memory_space<vmem_shared>>
    tpu.enqueue_indirect_dma source(%arg15 : memref<128x128xf32, #tpu.memory_space<vmem>>) target(%dma_start3A_57 : memref<10112x128xf32, #tpu.memory_space<vmem_shared>>) offsets(%arg10 : memref<128xi32, #tpu.memory_space<vmem>>) semaphore(%arg29 : memref<!tpu.dma_semaphore, #tpu.memory_space<semaphore_mem>>) {add = true}
    %scan3A = arith.constant 0 : i32
    %scan3A_58 = arith.constant 0 : i32
    %scan3A_59 = arith.constant 19 : i32
    %scan3A_60 = arith.addi %scan3A_58, %scan3A_59 : i32
    %scan3A_61 = arith.constant 1 : i32
    %scan3A_62 = scf.for %scan3A_145 = %scan3A_58 to %scan3A_60 step %scan3A_61 iter_args(%scan3A_146 = %scan3A) -> (i32)  : i32 {
      %mul3A_147 = arith.constant 4 : i32
      %mul3A_148 = arith.muli %mul3A_147, %scan3A_145 : i32
      %add3A_149 = arith.constant 1 : i32
      %add3A_150 = arith.addi %mul3A_148, %add3A_149 : i32
      %add3A_151 = arith.constant 0 : i32
      %add3A_152 = arith.addi %add3A_150, %add3A_151 : i32
      %add3A_153 = arith.constant 2 : i32
      %add3A_154 = arith.addi %add3A_152, %add3A_153 : i32
      %mul3A_155 = arith.constant 128 : i32
      %mul3A_156 = arith.muli %add3A_154, %mul3A_155 : i32
      %add3A_157 = arith.addi %mul3A_8, %mul3A_156 : i32
      %min3A_158 = arith.constant 323456 : i32
      %min3A_159 = arith.minsi %add3A_157, %min3A_158 : i32
      %dma_start3A_160 = tpu.memref_slice %arg2[%min3A_159] : memref<323584xi32, #tpu.memory_space<hbm>> -> memref<128xi32, #tpu.memory_space<hbm>>
      %dma_start3A_161 = tpu.memref_slice %arg2[%min3A_159] : memref<323584xi32, #tpu.memory_space<hbm>> -> memref<128xi32, #tpu.memory_space<hbm>>
      tpu.enqueue_dma source(%dma_start3A_161 : memref<128xi32, #tpu.memory_space<hbm>>) target(%arg20 : memref<128xi32, #tpu.memory_space<vmem>>) target_semaphore(%arg28 : memref<!tpu.dma_semaphore, #tpu.memory_space<semaphore_mem>>)
      %dma_start3A_162 = tpu.memref_slice %arg3[%min3A_159] : memref<323584xi32, #tpu.memory_space<hbm>> -> memref<128xi32, #tpu.memory_space<hbm>>
      %dma_start3A_163 = tpu.memref_slice %arg3[%min3A_159] : memref<323584xi32, #tpu.memory_space<hbm>> -> memref<128xi32, #tpu.memory_space<hbm>>
      tpu.enqueue_dma source(%dma_start3A_163 : memref<128xi32, #tpu.memory_space<hbm>>) target(%arg13 : memref<128xi32, #tpu.memory_space<vmem>>) target_semaphore(%arg28 : memref<!tpu.dma_semaphore, #tpu.memory_space<semaphore_mem>>)
      %dma_wait3A_164 = arith.constant 0 : i32
      %dma_wait3A_165 = tpu.memref_slice %arg2[%dma_wait3A_164] : memref<323584xi32, #tpu.memory_space<hbm>> -> memref<128xi32, #tpu.memory_space<hbm>>
      %dma_wait3A_166 = arith.constant 0 : i32
      %dma_wait3A_167 = tpu.memref_slice %arg2[%dma_wait3A_166] : memref<323584xi32, #tpu.memory_space<hbm>> -> memref<128xi32, #tpu.memory_space<hbm>>
      tpu.wait_dma2 semaphore(%arg27 : memref<!tpu.dma_semaphore, #tpu.memory_space<semaphore_mem>>) src(%dma_wait3A_167 : memref<128xi32, #tpu.memory_space<hbm>>) dst(%arg19 : memref<128xi32, #tpu.memory_space<vmem>>)
      %dma_wait3A_168 = arith.constant 0 : i32
      %dma_wait3A_169 = tpu.memref_slice %arg3[%dma_wait3A_168] : memref<323584xi32, #tpu.memory_space<hbm>> -> memref<128xi32, #tpu.memory_space<hbm>>
      %dma_wait3A_170 = arith.constant 0 : i32
      %dma_wait3A_171 = tpu.memref_slice %arg3[%dma_wait3A_170] : memref<323584xi32, #tpu.memory_space<hbm>> -> memref<128xi32, #tpu.memory_space<hbm>>
      tpu.wait_dma2 semaphore(%arg27 : memref<!tpu.dma_semaphore, #tpu.memory_space<semaphore_mem>>) src(%dma_wait3A_171 : memref<128xi32, #tpu.memory_space<hbm>>) dst(%arg12 : memref<128xi32, #tpu.memory_space<vmem>>)
      %dma_wait3A_172 = arith.constant 0 : i32
      %dma_wait3A_173 = arith.constant 0 : i32
      %dma_wait3A_174 = tpu.memref_slice %arg7[%dma_wait3A_172, %dma_wait3A_173] : memref<10112x128xf32, #tpu.memory_space<vmem_shared>> -> memref<10112x128xf32, #tpu.memory_space<vmem_shared>>
      tpu.wait_indirect_dma semaphore(%arg29 : memref<!tpu.dma_semaphore, #tpu.memory_space<semaphore_mem>>) src(%arg15 : memref<128x128xf32, #tpu.memory_space<vmem>>) dst(%dma_wait3A_174 : memref<10112x128xf32, #tpu.memory_space<vmem_shared>>)
      %dma_start3A_175 = arith.constant 0 : i32
      %dma_start3A_176 = arith.constant 0 : i32
      %dma_start3A_177 = tpu.memref_slice %arg4[%dma_start3A_175, %dma_start3A_176] : memref<10112x128xf32, #tpu.memory_space<hbm>> -> memref<10112x128xf32, #tpu.memory_space<hbm>>
      tpu.enqueue_indirect_dma source(%dma_start3A_177 : memref<10112x128xf32, #tpu.memory_space<hbm>>) target(%arg15 : memref<128x128xf32, #tpu.memory_space<vmem>>) offsets(%arg19 : memref<128xi32, #tpu.memory_space<vmem>>) semaphore(%arg23 : memref<!tpu.dma_semaphore, #tpu.memory_space<semaphore_mem>>)
      %dma_wait3A_178 = arith.constant 0 : i32
      %dma_wait3A_179 = arith.constant 0 : i32
      %dma_wait3A_180 = tpu.memref_slice %arg4[%dma_wait3A_178, %dma_wait3A_179] : memref<10112x128xf32, #tpu.memory_space<hbm>> -> memref<10112x128xf32, #tpu.memory_space<hbm>>
      tpu.wait_indirect_dma semaphore(%arg24 : memref<!tpu.dma_semaphore, #tpu.memory_space<semaphore_mem>>) src(%dma_wait3A_180 : memref<10112x128xf32, #tpu.memory_space<hbm>>) dst(%arg16 : memref<128x128xf32, #tpu.memory_space<vmem>>)
      %dma_start3A_181 = arith.constant 0 : i32
      %dma_start3A_182 = arith.constant 0 : i32
      %dma_start3A_183 = tpu.memref_slice %arg7[%dma_start3A_181, %dma_start3A_182] : memref<10112x128xf32, #tpu.memory_space<vmem_shared>> -> memref<10112x128xf32, #tpu.memory_space<vmem_shared>>
      tpu.enqueue_indirect_dma source(%arg16 : memref<128x128xf32, #tpu.memory_space<vmem>>) target(%dma_start3A_183 : memref<10112x128xf32, #tpu.memory_space<vmem_shared>>) offsets(%arg11 : memref<128xi32, #tpu.memory_space<vmem>>) semaphore(%arg30 : memref<!tpu.dma_semaphore, #tpu.memory_space<semaphore_mem>>) {add = true}
      %add3A_184 = arith.constant 1 : i32
      %add3A_185 = arith.addi %add3A_150, %add3A_184 : i32
      %add3A_186 = arith.constant 2 : i32
      %add3A_187 = arith.addi %add3A_185, %add3A_186 : i32
      %mul3A_188 = arith.constant 128 : i32
      %mul3A_189 = arith.muli %add3A_187, %mul3A_188 : i32
      %add3A_190 = arith.addi %mul3A_8, %mul3A_189 : i32
      %min3A_191 = arith.constant 323456 : i32
      %min3A_192 = arith.minsi %add3A_190, %min3A_191 : i32
      %dma_start3A_193 = tpu.memref_slice %arg2[%min3A_192] : memref<323584xi32, #tpu.memory_space<hbm>> -> memref<128xi32, #tpu.memory_space<hbm>>
      %dma_start3A_194 = tpu.memref_slice %arg2[%min3A_192] : memref<323584xi32, #tpu.memory_space<hbm>> -> memref<128xi32, #tpu.memory_space<hbm>>
      tpu.enqueue_dma source(%dma_start3A_194 : memref<128xi32, #tpu.memory_space<hbm>>) target(%arg17 : memref<128xi32, #tpu.memory_space<vmem>>) target_semaphore(%arg25 : memref<!tpu.dma_semaphore, #tpu.memory_space<semaphore_mem>>)
      %dma_start3A_195 = tpu.memref_slice %arg3[%min3A_192] : memref<323584xi32, #tpu.memory_space<hbm>> -> memref<128xi32, #tpu.memory_space<hbm>>
      %dma_start3A_196 = tpu.memref_slice %arg3[%min3A_192] : memref<323584xi32, #tpu.memory_space<hbm>> -> memref<128xi32, #tpu.memory_space<hbm>>
      tpu.enqueue_dma source(%dma_start3A_196 : memref<128xi32, #tpu.memory_space<hbm>>) target(%arg10 : memref<128xi32, #tpu.memory_space<vmem>>) target_semaphore(%arg25 : memref<!tpu.dma_semaphore, #tpu.memory_space<semaphore_mem>>)
      %dma_wait3A_197 = arith.constant 0 : i32
      %dma_wait3A_198 = tpu.memref_slice %arg2[%dma_wait3A_197] : memref<323584xi32, #tpu.memory_space<hbm>> -> memref<128xi32, #tpu.memory_space<hbm>>
      %dma_wait3A_199 = arith.constant 0 : i32
      %dma_wait3A_200 = tpu.memref_slice %arg2[%dma_wait3A_199] : memref<323584xi32, #tpu.memory_space<hbm>> -> memref<128xi32, #tpu.memory_space<hbm>>
      tpu.wait_dma2 semaphore(%arg28 : memref<!tpu.dma_semaphore, #tpu.memory_space<semaphore_mem>>) src(%dma_wait3A_200 : memref<128xi32, #tpu.memory_space<hbm>>) dst(%arg20 : memref<128xi32, #tpu.memory_space<vmem>>)
      %dma_wait3A_201 = arith.constant 0 : i32
      %dma_wait3A_202 = tpu.memref_slice %arg3[%dma_wait3A_201] : memref<323584xi32, #tpu.memory_space<hbm>> -> memref<128xi32, #tpu.memory_space<hbm>>
      %dma_wait3A_203 = arith.constant 0 : i32
      %dma_wait3A_204 = tpu.memref_slice %arg3[%dma_wait3A_203] : memref<323584xi32, #tpu.memory_space<hbm>> -> memref<128xi32, #tpu.memory_space<hbm>>
      tpu.wait_dma2 semaphore(%arg28 : memref<!tpu.dma_semaphore, #tpu.memory_space<semaphore_mem>>) src(%dma_wait3A_204 : memref<128xi32, #tpu.memory_space<hbm>>) dst(%arg13 : memref<128xi32, #tpu.memory_space<vmem>>)
      %dma_wait3A_205 = arith.constant 0 : i32
      %dma_wait3A_206 = arith.constant 0 : i32
      %dma_wait3A_207 = tpu.memref_slice %arg7[%dma_wait3A_205, %dma_wait3A_206] : memref<10112x128xf32, #tpu.memory_space<vmem_shared>> -> memref<10112x128xf32, #tpu.memory_space<vmem_shared>>
      tpu.wait_indirect_dma semaphore(%arg30 : memref<!tpu.dma_semaphore, #tpu.memory_space<semaphore_mem>>) src(%arg16 : memref<128x128xf32, #tpu.memory_space<vmem>>) dst(%dma_wait3A_207 : memref<10112x128xf32, #tpu.memory_space<vmem_shared>>)
      %dma_start3A_208 = arith.constant 0 : i32
      %dma_start3A_209 = arith.constant 0 : i32
      %dma_start3A_210 = tpu.memref_slice %arg4[%dma_start3A_208, %dma_start3A_209] : memref<10112x128xf32, #tpu.memory_space<hbm>> -> memref<10112x128xf32, #tpu.memory_space<hbm>>
      tpu.enqueue_indirect_dma source(%dma_start3A_210 : memref<10112x128xf32, #tpu.memory_space<hbm>>) target(%arg16 : memref<128x128xf32, #tpu.memory_space<vmem>>) offsets(%arg20 : memref<128xi32, #tpu.memory_space<vmem>>) semaphore(%arg24 : memref<!tpu.dma_semaphore, #tpu.memory_space<semaphore_mem>>)
      %dma_wait3A_211 = arith.constant 0 : i32
      %dma_wait3A_212 = arith.constant 0 : i32
      %dma_wait3A_213 = tpu.memref_slice %arg4[%dma_wait3A_211, %dma_wait3A_212] : memref<10112x128xf32, #tpu.memory_space<hbm>> -> memref<10112x128xf32, #tpu.memory_space<hbm>>
      tpu.wait_indirect_dma semaphore(%arg23 : memref<!tpu.dma_semaphore, #tpu.memory_space<semaphore_mem>>) src(%dma_wait3A_213 : memref<10112x128xf32, #tpu.memory_space<hbm>>) dst(%arg15 : memref<128x128xf32, #tpu.memory_space<vmem>>)
      %dma_start3A_214 = arith.constant 0 : i32
      %dma_start3A_215 = arith.constant 0 : i32
      %dma_start3A_216 = tpu.memref_slice %arg7[%dma_start3A_214, %dma_start3A_215] : memref<10112x128xf32, #tpu.memory_space<vmem_shared>> -> memref<10112x128xf32, #tpu.memory_space<vmem_shared>>
      tpu.enqueue_indirect_dma source(%arg15 : memref<128x128xf32, #tpu.memory_space<vmem>>) target(%dma_start3A_216 : memref<10112x128xf32, #tpu.memory_space<vmem_shared>>) offsets(%arg12 : memref<128xi32, #tpu.memory_space<vmem>>) semaphore(%arg29 : memref<!tpu.dma_semaphore, #tpu.memory_space<semaphore_mem>>) {add = true}
      %add3A_217 = arith.constant 2 : i32
      %add3A_218 = arith.addi %add3A_150, %add3A_217 : i32
      %add3A_219 = arith.constant 2 : i32
      %add3A_220 = arith.addi %add3A_218, %add3A_219 : i32
      %mul3A_221 = arith.constant 128 : i32
      %mul3A_222 = arith.muli %add3A_220, %mul3A_221 : i32
      %add3A_223 = arith.addi %mul3A_8, %mul3A_222 : i32
      %min3A_224 = arith.constant 323456 : i32
      %min3A_225 = arith.minsi %add3A_223, %min3A_224 : i32
      %dma_start3A_226 = tpu.memref_slice %arg2[%min3A_225] : memref<323584xi32, #tpu.memory_space<hbm>> -> memref<128xi32, #tpu.memory_space<hbm>>
      %dma_start3A_227 = tpu.memref_slice %arg2[%min3A_225] : memref<323584xi32, #tpu.memory_space<hbm>> -> memref<128xi32, #tpu.memory_space<hbm>>
      tpu.enqueue_dma source(%dma_start3A_227 : memref<128xi32, #tpu.memory_space<hbm>>) target(%arg18 : memref<128xi32, #tpu.memory_space<vmem>>) target_semaphore(%arg26 : memref<!tpu.dma_semaphore, #tpu.memory_space<semaphore_mem>>)
      %dma_start3A_228 = tpu.memref_slice %arg3[%min3A_225] : memref<323584xi32, #tpu.memory_space<hbm>> -> memref<128xi32, #tpu.memory_space<hbm>>
      %dma_start3A_229 = tpu.memref_slice %arg3[%min3A_225] : memref<323584xi32, #tpu.memory_space<hbm>> -> memref<128xi32, #tpu.memory_space<hbm>>
      tpu.enqueue_dma source(%dma_start3A_229 : memref<128xi32, #tpu.memory_space<hbm>>) target(%arg11 : memref<128xi32, #tpu.memory_space<vmem>>) target_semaphore(%arg26 : memref<!tpu.dma_semaphore, #tpu.memory_space<semaphore_mem>>)
      %dma_wait3A_230 = arith.constant 0 : i32
      %dma_wait3A_231 = tpu.memref_slice %arg2[%dma_wait3A_230] : memref<323584xi32, #tpu.memory_space<hbm>> -> memref<128xi32, #tpu.memory_space<hbm>>
      %dma_wait3A_232 = arith.constant 0 : i32
      %dma_wait3A_233 = tpu.memref_slice %arg2[%dma_wait3A_232] : memref<323584xi32, #tpu.memory_space<hbm>> -> memref<128xi32, #tpu.memory_space<hbm>>
      tpu.wait_dma2 semaphore(%arg25 : memref<!tpu.dma_semaphore, #tpu.memory_space<semaphore_mem>>) src(%dma_wait3A_233 : memref<128xi32, #tpu.memory_space<hbm>>) dst(%arg17 : memref<128xi32, #tpu.memory_space<vmem>>)
      %dma_wait3A_234 = arith.constant 0 : i32
      %dma_wait3A_235 = tpu.memref_slice %arg3[%dma_wait3A_234] : memref<323584xi32, #tpu.memory_space<hbm>> -> memref<128xi32, #tpu.memory_space<hbm>>
      %dma_wait3A_236 = arith.constant 0 : i32
      %dma_wait3A_237 = tpu.memref_slice %arg3[%dma_wait3A_236] : memref<323584xi32, #tpu.memory_space<hbm>> -> memref<128xi32, #tpu.memory_space<hbm>>
      tpu.wait_dma2 semaphore(%arg25 : memref<!tpu.dma_semaphore, #tpu.memory_space<semaphore_mem>>) src(%dma_wait3A_237 : memref<128xi32, #tpu.memory_space<hbm>>) dst(%arg10 : memref<128xi32, #tpu.memory_space<vmem>>)
      %dma_wait3A_238 = arith.constant 0 : i32
      %dma_wait3A_239 = arith.constant 0 : i32
      %dma_wait3A_240 = tpu.memref_slice %arg7[%dma_wait3A_238, %dma_wait3A_239] : memref<10112x128xf32, #tpu.memory_space<vmem_shared>> -> memref<10112x128xf32, #tpu.memory_space<vmem_shared>>
      tpu.wait_indirect_dma semaphore(%arg29 : memref<!tpu.dma_semaphore, #tpu.memory_space<semaphore_mem>>) src(%arg15 : memref<128x128xf32, #tpu.memory_space<vmem>>) dst(%dma_wait3A_240 : memref<10112x128xf32, #tpu.memory_space<vmem_shared>>)
      %dma_start3A_241 = arith.constant 0 : i32
      %dma_start3A_242 = arith.constant 0 : i32
      %dma_start3A_243 = tpu.memref_slice %arg4[%dma_start3A_241, %dma_start3A_242] : memref<10112x128xf32, #tpu.memory_space<hbm>> -> memref<10112x128xf32, #tpu.memory_space<hbm>>
      tpu.enqueue_indirect_dma source(%dma_start3A_243 : memref<10112x128xf32, #tpu.memory_space<hbm>>) target(%arg15 : memref<128x128xf32, #tpu.memory_space<vmem>>) offsets(%arg17 : memref<128xi32, #tpu.memory_space<vmem>>) semaphore(%arg23 : memref<!tpu.dma_semaphore, #tpu.memory_space<semaphore_mem>>)
      %dma_wait3A_244 = arith.constant 0 : i32
      %dma_wait3A_245 = arith.constant 0 : i32
      %dma_wait3A_246 = tpu.memref_slice %arg4[%dma_wait3A_244, %dma_wait3A_245] : memref<10112x128xf32, #tpu.memory_space<hbm>> -> memref<10112x128xf32, #tpu.memory_space<hbm>>
      tpu.wait_indirect_dma semaphore(%arg24 : memref<!tpu.dma_semaphore, #tpu.memory_space<semaphore_mem>>) src(%dma_wait3A_246 : memref<10112x128xf32, #tpu.memory_space<hbm>>) dst(%arg16 : memref<128x128xf32, #tpu.memory_space<vmem>>)
      %dma_start3A_247 = arith.constant 0 : i32
      %dma_start3A_248 = arith.constant 0 : i32
      %dma_start3A_249 = tpu.memref_slice %arg7[%dma_start3A_247, %dma_start3A_248] : memref<10112x128xf32, #tpu.memory_space<vmem_shared>> -> memref<10112x128xf32, #tpu.memory_space<vmem_shared>>
      tpu.enqueue_indirect_dma source(%arg16 : memref<128x128xf32, #tpu.memory_space<vmem>>) target(%dma_start3A_249 : memref<10112x128xf32, #tpu.memory_space<vmem_shared>>) offsets(%arg13 : memref<128xi32, #tpu.memory_space<vmem>>) semaphore(%arg30 : memref<!tpu.dma_semaphore, #tpu.memory_space<semaphore_mem>>) {add = true}
      %add3A_250 = arith.constant 3 : i32
      %add3A_251 = arith.addi %add3A_150, %add3A_250 : i32
      %add3A_252 = arith.constant 2 : i32
      %add3A_253 = arith.addi %add3A_251, %add3A_252 : i32
      %mul3A_254 = arith.constant 128 : i32
      %mul3A_255 = arith.muli %add3A_253, %mul3A_254 : i32
      %add3A_256 = arith.addi %mul3A_8, %mul3A_255 : i32
      %min3A_257 = arith.constant 323456 : i32
      %min3A_258 = arith.minsi %add3A_256, %min3A_257 : i32
      %dma_start3A_259 = tpu.memref_slice %arg2[%min3A_258] : memref<323584xi32, #tpu.memory_space<hbm>> -> memref<128xi32, #tpu.memory_space<hbm>>
      %dma_start3A_260 = tpu.memref_slice %arg2[%min3A_258] : memref<323584xi32, #tpu.memory_space<hbm>> -> memref<128xi32, #tpu.memory_space<hbm>>
      tpu.enqueue_dma source(%dma_start3A_260 : memref<128xi32, #tpu.memory_space<hbm>>) target(%arg19 : memref<128xi32, #tpu.memory_space<vmem>>) target_semaphore(%arg27 : memref<!tpu.dma_semaphore, #tpu.memory_space<semaphore_mem>>)
      %dma_start3A_261 = tpu.memref_slice %arg3[%min3A_258] : memref<323584xi32, #tpu.memory_space<hbm>> -> memref<128xi32, #tpu.memory_space<hbm>>
      %dma_start3A_262 = tpu.memref_slice %arg3[%min3A_258] : memref<323584xi32, #tpu.memory_space<hbm>> -> memref<128xi32, #tpu.memory_space<hbm>>
      tpu.enqueue_dma source(%dma_start3A_262 : memref<128xi32, #tpu.memory_space<hbm>>) target(%arg12 : memref<128xi32, #tpu.memory_space<vmem>>) target_semaphore(%arg27 : memref<!tpu.dma_semaphore, #tpu.memory_space<semaphore_mem>>)
      %dma_wait3A_263 = arith.constant 0 : i32
      %dma_wait3A_264 = tpu.memref_slice %arg2[%dma_wait3A_263] : memref<323584xi32, #tpu.memory_space<hbm>> -> memref<128xi32, #tpu.memory_space<hbm>>
      %dma_wait3A_265 = arith.constant 0 : i32
      %dma_wait3A_266 = tpu.memref_slice %arg2[%dma_wait3A_265] : memref<323584xi32, #tpu.memory_space<hbm>> -> memref<128xi32, #tpu.memory_space<hbm>>
      tpu.wait_dma2 semaphore(%arg26 : memref<!tpu.dma_semaphore, #tpu.memory_space<semaphore_mem>>) src(%dma_wait3A_266 : memref<128xi32, #tpu.memory_space<hbm>>) dst(%arg18 : memref<128xi32, #tpu.memory_space<vmem>>)
      %dma_wait3A_267 = arith.constant 0 : i32
      %dma_wait3A_268 = tpu.memref_slice %arg3[%dma_wait3A_267] : memref<323584xi32, #tpu.memory_space<hbm>> -> memref<128xi32, #tpu.memory_space<hbm>>
      %dma_wait3A_269 = arith.constant 0 : i32
      %dma_wait3A_270 = tpu.memref_slice %arg3[%dma_wait3A_269] : memref<323584xi32, #tpu.memory_space<hbm>> -> memref<128xi32, #tpu.memory_space<hbm>>
      tpu.wait_dma2 semaphore(%arg26 : memref<!tpu.dma_semaphore, #tpu.memory_space<semaphore_mem>>) src(%dma_wait3A_270 : memref<128xi32, #tpu.memory_space<hbm>>) dst(%arg11 : memref<128xi32, #tpu.memory_space<vmem>>)
      %dma_wait3A_271 = arith.constant 0 : i32
      %dma_wait3A_272 = arith.constant 0 : i32
      %dma_wait3A_273 = tpu.memref_slice %arg7[%dma_wait3A_271, %dma_wait3A_272] : memref<10112x128xf32, #tpu.memory_space<vmem_shared>> -> memref<10112x128xf32, #tpu.memory_space<vmem_shared>>
      tpu.wait_indirect_dma semaphore(%arg30 : memref<!tpu.dma_semaphore, #tpu.memory_space<semaphore_mem>>) src(%arg16 : memref<128x128xf32, #tpu.memory_space<vmem>>) dst(%dma_wait3A_273 : memref<10112x128xf32, #tpu.memory_space<vmem_shared>>)
      %dma_start3A_274 = arith.constant 0 : i32
      %dma_start3A_275 = arith.constant 0 : i32
      %dma_start3A_276 = tpu.memref_slice %arg4[%dma_start3A_274, %dma_start3A_275] : memref<10112x128xf32, #tpu.memory_space<hbm>> -> memref<10112x128xf32, #tpu.memory_space<hbm>>
      tpu.enqueue_indirect_dma source(%dma_start3A_276 : memref<10112x128xf32, #tpu.memory_space<hbm>>) target(%arg16 : memref<128x128xf32, #tpu.memory_space<vmem>>) offsets(%arg18 : memref<128xi32, #tpu.memory_space<vmem>>) semaphore(%arg24 : memref<!tpu.dma_semaphore, #tpu.memory_space<semaphore_mem>>)
      %dma_wait3A_277 = arith.constant 0 : i32
      %dma_wait3A_278 = arith.constant 0 : i32
      %dma_wait3A_279 = tpu.memref_slice %arg4[%dma_wait3A_277, %dma_wait3A_278] : memref<10112x128xf32, #tpu.memory_space<hbm>> -> memref<10112x128xf32, #tpu.memory_space<hbm>>
      tpu.wait_indirect_dma semaphore(%arg23 : memref<!tpu.dma_semaphore, #tpu.memory_space<semaphore_mem>>) src(%dma_wait3A_279 : memref<10112x128xf32, #tpu.memory_space<hbm>>) dst(%arg15 : memref<128x128xf32, #tpu.memory_space<vmem>>)
      %dma_start3A_280 = arith.constant 0 : i32
      %dma_start3A_281 = arith.constant 0 : i32
      %dma_start3A_282 = tpu.memref_slice %arg7[%dma_start3A_280, %dma_start3A_281] : memref<10112x128xf32, #tpu.memory_space<vmem_shared>> -> memref<10112x128xf32, #tpu.memory_space<vmem_shared>>
      tpu.enqueue_indirect_dma source(%arg15 : memref<128x128xf32, #tpu.memory_space<vmem>>) target(%dma_start3A_282 : memref<10112x128xf32, #tpu.memory_space<vmem_shared>>) offsets(%arg10 : memref<128xi32, #tpu.memory_space<vmem>>) semaphore(%arg29 : memref<!tpu.dma_semaphore, #tpu.memory_space<semaphore_mem>>) {add = true}
      %scan3A_283 = arith.constant 0 : i32
      scf.yield %scan3A_283 : i32
    }
    %scan3A_63 = arith.constant 19 : i32
    %add3A_64 = arith.constant 10112 : i32
    %add3A_65 = arith.addi %mul3A_8, %add3A_64 : i32
    %min3A_66 = arith.constant 323456 : i32
    %min3A_67 = arith.minsi %add3A_65, %min3A_66 : i32
    %dma_start3A_68 = tpu.memref_slice %arg2[%min3A_67] : memref<323584xi32, #tpu.memory_space<hbm>> -> memref<128xi32, #tpu.memory_space<hbm>>
    %dma_start3A_69 = tpu.memref_slice %arg2[%min3A_67] : memref<323584xi32, #tpu.memory_space<hbm>> -> memref<128xi32, #tpu.memory_space<hbm>>
    tpu.enqueue_dma source(%dma_start3A_69 : memref<128xi32, #tpu.memory_space<hbm>>) target(%arg20 : memref<128xi32, #tpu.memory_space<vmem>>) target_semaphore(%arg28 : memref<!tpu.dma_semaphore, #tpu.memory_space<semaphore_mem>>)
    %dma_start3A_70 = tpu.memref_slice %arg3[%min3A_67] : memref<323584xi32, #tpu.memory_space<hbm>> -> memref<128xi32, #tpu.memory_space<hbm>>
    %dma_start3A_71 = tpu.memref_slice %arg3[%min3A_67] : memref<323584xi32, #tpu.memory_space<hbm>> -> memref<128xi32, #tpu.memory_space<hbm>>
    tpu.enqueue_dma source(%dma_start3A_71 : memref<128xi32, #tpu.memory_space<hbm>>) target(%arg13 : memref<128xi32, #tpu.memory_space<vmem>>) target_semaphore(%arg28 : memref<!tpu.dma_semaphore, #tpu.memory_space<semaphore_mem>>)
    %dma_wait3A_72 = arith.constant 0 : i32
    %dma_wait3A_73 = tpu.memref_slice %arg2[%dma_wait3A_72] : memref<323584xi32, #tpu.memory_space<hbm>> -> memref<128xi32, #tpu.memory_space<hbm>>
    %dma_wait3A_74 = arith.constant 0 : i32
    %dma_wait3A_75 = tpu.memref_slice %arg2[%dma_wait3A_74] : memref<323584xi32, #tpu.memory_space<hbm>> -> memref<128xi32, #tpu.memory_space<hbm>>
    tpu.wait_dma2 semaphore(%arg27 : memref<!tpu.dma_semaphore, #tpu.memory_space<semaphore_mem>>) src(%dma_wait3A_75 : memref<128xi32, #tpu.memory_space<hbm>>) dst(%arg19 : memref<128xi32, #tpu.memory_space<vmem>>)
    %dma_wait3A_76 = arith.constant 0 : i32
    %dma_wait3A_77 = tpu.memref_slice %arg3[%dma_wait3A_76] : memref<323584xi32, #tpu.memory_space<hbm>> -> memref<128xi32, #tpu.memory_space<hbm>>
    %dma_wait3A_78 = arith.constant 0 : i32
    %dma_wait3A_79 = tpu.memref_slice %arg3[%dma_wait3A_78] : memref<323584xi32, #tpu.memory_space<hbm>> -> memref<128xi32, #tpu.memory_space<hbm>>
    tpu.wait_dma2 semaphore(%arg27 : memref<!tpu.dma_semaphore, #tpu.memory_space<semaphore_mem>>) src(%dma_wait3A_79 : memref<128xi32, #tpu.memory_space<hbm>>) dst(%arg12 : memref<128xi32, #tpu.memory_space<vmem>>)
    %dma_wait3A_80 = arith.constant 0 : i32
    %dma_wait3A_81 = arith.constant 0 : i32
    %dma_wait3A_82 = tpu.memref_slice %arg7[%dma_wait3A_80, %dma_wait3A_81] : memref<10112x128xf32, #tpu.memory_space<vmem_shared>> -> memref<10112x128xf32, #tpu.memory_space<vmem_shared>>
    tpu.wait_indirect_dma semaphore(%arg29 : memref<!tpu.dma_semaphore, #tpu.memory_space<semaphore_mem>>) src(%arg15 : memref<128x128xf32, #tpu.memory_space<vmem>>) dst(%dma_wait3A_82 : memref<10112x128xf32, #tpu.memory_space<vmem_shared>>)
    %dma_start3A_83 = arith.constant 0 : i32
    %dma_start3A_84 = arith.constant 0 : i32
    %dma_start3A_85 = tpu.memref_slice %arg4[%dma_start3A_83, %dma_start3A_84] : memref<10112x128xf32, #tpu.memory_space<hbm>> -> memref<10112x128xf32, #tpu.memory_space<hbm>>
    tpu.enqueue_indirect_dma source(%dma_start3A_85 : memref<10112x128xf32, #tpu.memory_space<hbm>>) target(%arg15 : memref<128x128xf32, #tpu.memory_space<vmem>>) offsets(%arg19 : memref<128xi32, #tpu.memory_space<vmem>>) semaphore(%arg23 : memref<!tpu.dma_semaphore, #tpu.memory_space<semaphore_mem>>)
    %dma_wait3A_86 = arith.constant 0 : i32
    %dma_wait3A_87 = arith.constant 0 : i32
    %dma_wait3A_88 = tpu.memref_slice %arg4[%dma_wait3A_86, %dma_wait3A_87] : memref<10112x128xf32, #tpu.memory_space<hbm>> -> memref<10112x128xf32, #tpu.memory_space<hbm>>
    tpu.wait_indirect_dma semaphore(%arg24 : memref<!tpu.dma_semaphore, #tpu.memory_space<semaphore_mem>>) src(%dma_wait3A_88 : memref<10112x128xf32, #tpu.memory_space<hbm>>) dst(%arg16 : memref<128x128xf32, #tpu.memory_space<vmem>>)
    %dma_start3A_89 = arith.constant 0 : i32
    %dma_start3A_90 = arith.constant 0 : i32
    %dma_start3A_91 = tpu.memref_slice %arg7[%dma_start3A_89, %dma_start3A_90] : memref<10112x128xf32, #tpu.memory_space<vmem_shared>> -> memref<10112x128xf32, #tpu.memory_space<vmem_shared>>
    tpu.enqueue_indirect_dma source(%arg16 : memref<128x128xf32, #tpu.memory_space<vmem>>) target(%dma_start3A_91 : memref<10112x128xf32, #tpu.memory_space<vmem_shared>>) offsets(%arg11 : memref<128xi32, #tpu.memory_space<vmem>>) semaphore(%arg30 : memref<!tpu.dma_semaphore, #tpu.memory_space<semaphore_mem>>) {add = true}
    %add3A_92 = arith.constant 10240 : i32
    %add3A_93 = arith.addi %mul3A_8, %add3A_92 : i32
    %min3A_94 = arith.constant 323456 : i32
    %min3A_95 = arith.minsi %add3A_93, %min3A_94 : i32
    %dma_start3A_96 = tpu.memref_slice %arg2[%min3A_95] : memref<323584xi32, #tpu.memory_space<hbm>> -> memref<128xi32, #tpu.memory_space<hbm>>
    %dma_start3A_97 = tpu.memref_slice %arg2[%min3A_95] : memref<323584xi32, #tpu.memory_space<hbm>> -> memref<128xi32, #tpu.memory_space<hbm>>
    tpu.enqueue_dma source(%dma_start3A_97 : memref<128xi32, #tpu.memory_space<hbm>>) target(%arg17 : memref<128xi32, #tpu.memory_space<vmem>>) target_semaphore(%arg25 : memref<!tpu.dma_semaphore, #tpu.memory_space<semaphore_mem>>)
    %dma_start3A_98 = tpu.memref_slice %arg3[%min3A_95] : memref<323584xi32, #tpu.memory_space<hbm>> -> memref<128xi32, #tpu.memory_space<hbm>>
    %dma_start3A_99 = tpu.memref_slice %arg3[%min3A_95] : memref<323584xi32, #tpu.memory_space<hbm>> -> memref<128xi32, #tpu.memory_space<hbm>>
    tpu.enqueue_dma source(%dma_start3A_99 : memref<128xi32, #tpu.memory_space<hbm>>) target(%arg10 : memref<128xi32, #tpu.memory_space<vmem>>) target_semaphore(%arg25 : memref<!tpu.dma_semaphore, #tpu.memory_space<semaphore_mem>>)
    %dma_wait3A_100 = arith.constant 0 : i32
    %dma_wait3A_101 = tpu.memref_slice %arg2[%dma_wait3A_100] : memref<323584xi32, #tpu.memory_space<hbm>> -> memref<128xi32, #tpu.memory_space<hbm>>
    %dma_wait3A_102 = arith.constant 0 : i32
    %dma_wait3A_103 = tpu.memref_slice %arg2[%dma_wait3A_102] : memref<323584xi32, #tpu.memory_space<hbm>> -> memref<128xi32, #tpu.memory_space<hbm>>
    tpu.wait_dma2 semaphore(%arg28 : memref<!tpu.dma_semaphore, #tpu.memory_space<semaphore_mem>>) src(%dma_wait3A_103 : memref<128xi32, #tpu.memory_space<hbm>>) dst(%arg20 : memref<128xi32, #tpu.memory_space<vmem>>)
    %dma_wait3A_104 = arith.constant 0 : i32
    %dma_wait3A_105 = tpu.memref_slice %arg3[%dma_wait3A_104] : memref<323584xi32, #tpu.memory_space<hbm>> -> memref<128xi32, #tpu.memory_space<hbm>>
    %dma_wait3A_106 = arith.constant 0 : i32
    %dma_wait3A_107 = tpu.memref_slice %arg3[%dma_wait3A_106] : memref<323584xi32, #tpu.memory_space<hbm>> -> memref<128xi32, #tpu.memory_space<hbm>>
    tpu.wait_dma2 semaphore(%arg28 : memref<!tpu.dma_semaphore, #tpu.memory_space<semaphore_mem>>) src(%dma_wait3A_107 : memref<128xi32, #tpu.memory_space<hbm>>) dst(%arg13 : memref<128xi32, #tpu.memory_space<vmem>>)
    %dma_wait3A_108 = arith.constant 0 : i32
    %dma_wait3A_109 = arith.constant 0 : i32
    %dma_wait3A_110 = tpu.memref_slice %arg7[%dma_wait3A_108, %dma_wait3A_109] : memref<10112x128xf32, #tpu.memory_space<vmem_shared>> -> memref<10112x128xf32, #tpu.memory_space<vmem_shared>>
    tpu.wait_indirect_dma semaphore(%arg30 : memref<!tpu.dma_semaphore, #tpu.memory_space<semaphore_mem>>) src(%arg16 : memref<128x128xf32, #tpu.memory_space<vmem>>) dst(%dma_wait3A_110 : memref<10112x128xf32, #tpu.memory_space<vmem_shared>>)
    %dma_start3A_111 = arith.constant 0 : i32
    %dma_start3A_112 = arith.constant 0 : i32
    %dma_start3A_113 = tpu.memref_slice %arg4[%dma_start3A_111, %dma_start3A_112] : memref<10112x128xf32, #tpu.memory_space<hbm>> -> memref<10112x128xf32, #tpu.memory_space<hbm>>
    tpu.enqueue_indirect_dma source(%dma_start3A_113 : memref<10112x128xf32, #tpu.memory_space<hbm>>) target(%arg16 : memref<128x128xf32, #tpu.memory_space<vmem>>) offsets(%arg20 : memref<128xi32, #tpu.memory_space<vmem>>) semaphore(%arg24 : memref<!tpu.dma_semaphore, #tpu.memory_space<semaphore_mem>>)
    %dma_wait3A_114 = arith.constant 0 : i32
    %dma_wait3A_115 = arith.constant 0 : i32
    %dma_wait3A_116 = tpu.memref_slice %arg4[%dma_wait3A_114, %dma_wait3A_115] : memref<10112x128xf32, #tpu.memory_space<hbm>> -> memref<10112x128xf32, #tpu.memory_space<hbm>>
    tpu.wait_indirect_dma semaphore(%arg23 : memref<!tpu.dma_semaphore, #tpu.memory_space<semaphore_mem>>) src(%dma_wait3A_116 : memref<10112x128xf32, #tpu.memory_space<hbm>>) dst(%arg15 : memref<128x128xf32, #tpu.memory_space<vmem>>)
    %dma_start3A_117 = arith.constant 0 : i32
    %dma_start3A_118 = arith.constant 0 : i32
    %dma_start3A_119 = tpu.memref_slice %arg7[%dma_start3A_117, %dma_start3A_118] : memref<10112x128xf32, #tpu.memory_space<vmem_shared>> -> memref<10112x128xf32, #tpu.memory_space<vmem_shared>>
    tpu.enqueue_indirect_dma source(%arg15 : memref<128x128xf32, #tpu.memory_space<vmem>>) target(%dma_start3A_119 : memref<10112x128xf32, #tpu.memory_space<vmem_shared>>) offsets(%arg12 : memref<128xi32, #tpu.memory_space<vmem>>) semaphore(%arg29 : memref<!tpu.dma_semaphore, #tpu.memory_space<semaphore_mem>>) {add = true}
    %dma_wait3A_120 = arith.constant 0 : i32
    %dma_wait3A_121 = arith.constant 0 : i32
    %dma_wait3A_122 = tpu.memref_slice %arg7[%dma_wait3A_120, %dma_wait3A_121] : memref<10112x128xf32, #tpu.memory_space<vmem_shared>> -> memref<10112x128xf32, #tpu.memory_space<vmem_shared>>
    tpu.wait_indirect_dma semaphore(%arg29 : memref<!tpu.dma_semaphore, #tpu.memory_space<semaphore_mem>>) src(%arg15 : memref<128x128xf32, #tpu.memory_space<vmem>>) dst(%dma_wait3A_122 : memref<10112x128xf32, #tpu.memory_space<vmem_shared>>)
    %dma_wait3A_123 = arith.constant 0 : i32
    %dma_wait3A_124 = arith.constant 0 : i32
    %dma_wait3A_125 = tpu.memref_slice %arg4[%dma_wait3A_123, %dma_wait3A_124] : memref<10112x128xf32, #tpu.memory_space<hbm>> -> memref<10112x128xf32, #tpu.memory_space<hbm>>
    tpu.wait_indirect_dma semaphore(%arg24 : memref<!tpu.dma_semaphore, #tpu.memory_space<semaphore_mem>>) src(%dma_wait3A_125 : memref<10112x128xf32, #tpu.memory_space<hbm>>) dst(%arg16 : memref<128x128xf32, #tpu.memory_space<vmem>>)
    %dma_wait3A_126 = arith.constant 0 : i32
    %dma_wait3A_127 = tpu.memref_slice %arg2[%dma_wait3A_126] : memref<323584xi32, #tpu.memory_space<hbm>> -> memref<128xi32, #tpu.memory_space<hbm>>
    %dma_wait3A_128 = arith.constant 0 : i32
    %dma_wait3A_129 = tpu.memref_slice %arg2[%dma_wait3A_128] : memref<323584xi32, #tpu.memory_space<hbm>> -> memref<128xi32, #tpu.memory_space<hbm>>
    tpu.wait_dma2 semaphore(%arg25 : memref<!tpu.dma_semaphore, #tpu.memory_space<semaphore_mem>>) src(%dma_wait3A_129 : memref<128xi32, #tpu.memory_space<hbm>>) dst(%arg17 : memref<128xi32, #tpu.memory_space<vmem>>)
    %dma_wait3A_130 = arith.constant 0 : i32
    %dma_wait3A_131 = tpu.memref_slice %arg3[%dma_wait3A_130] : memref<323584xi32, #tpu.memory_space<hbm>> -> memref<128xi32, #tpu.memory_space<hbm>>
    %dma_wait3A_132 = arith.constant 0 : i32
    %dma_wait3A_133 = tpu.memref_slice %arg3[%dma_wait3A_132] : memref<323584xi32, #tpu.memory_space<hbm>> -> memref<128xi32, #tpu.memory_space<hbm>>
    tpu.wait_dma2 semaphore(%arg25 : memref<!tpu.dma_semaphore, #tpu.memory_space<semaphore_mem>>) src(%dma_wait3A_133 : memref<128xi32, #tpu.memory_space<hbm>>) dst(%arg10 : memref<128xi32, #tpu.memory_space<vmem>>)
    %barrier3A_134 = arith.constant 0 : index
    tpu.barrier barrier_id(%barrier3A_134)
    %lt3A_135 = arith.constant 15 : i32
    %lt3A_136 = arith.cmpi slt, %arg1, %lt3A_135 : i32
    %convert_element_type3A_137 = arith.extui %lt3A_136 : i1 to i32
    %cond3A_138 = arith.constant 0 : i32
    %cond3A_139 = arith.cmpi ne, %convert_element_type3A_137, %cond3A_138 : i32
    scf.if %cond3A_139 {
      %mul3A_145 = arith.constant 632 : i32
      %mul3A_146 = arith.muli %arg1, %mul3A_145 : i32
      %mul3A_147 = arith.constant 632 : i32
      %mul3A_148 = arith.muli %arg1, %mul3A_147 : i32
      "tpu.region"() ({
        %run_scoped3A = tpu.sem_alloc : memref<!tpu.dma_semaphore, #tpu.memory_space<semaphore_mem>>
        %dma_start3A_149 = arith.constant 0 : i32
        %dma_start3A_150 = tpu.memref_slice %arg6[%arg0, %mul3A_148, %dma_start3A_149] : memref<2x10112x128xf32, #tpu.memory_space<hbm>> -> memref<1x632x128xf32, #tpu.memory_space<hbm>>
        %dma_start3A_151 = tpu.memref_squeeze %dma_start3A_150 : memref<1x632x128xf32, #tpu.memory_space<hbm>> -> memref<632x128xf32, #tpu.memory_space<hbm>>
        %dma_start3A_152 = arith.constant 0 : i32
        %dma_start3A_153 = tpu.memref_slice %arg7[%mul3A_146, %dma_start3A_152] : memref<10112x128xf32, #tpu.memory_space<vmem_shared>> -> memref<632x128xf32, #tpu.memory_space<vmem_shared>>
        tpu.enqueue_dma source(%dma_start3A_153 : memref<632x128xf32, #tpu.memory_space<vmem_shared>>) target(%dma_start3A_151 : memref<632x128xf32, #tpu.memory_space<hbm>>) target_semaphore(%run_scoped3A : memref<!tpu.dma_semaphore, #tpu.memory_space<semaphore_mem>>)
        %dma_wait3A_154 = arith.constant 0 : i32
        %dma_wait3A_155 = tpu.memref_slice %arg6[%arg0, %mul3A_148, %dma_wait3A_154] : memref<2x10112x128xf32, #tpu.memory_space<hbm>> -> memref<1x632x128xf32, #tpu.memory_space<hbm>>
        %dma_wait3A_156 = tpu.memref_squeeze %dma_wait3A_155 : memref<1x632x128xf32, #tpu.memory_space<hbm>> -> memref<632x128xf32, #tpu.memory_space<hbm>>
        %dma_wait3A_157 = arith.constant 0 : i32
        %dma_wait3A_158 = tpu.memref_slice %arg7[%mul3A_146, %dma_wait3A_157] : memref<10112x128xf32, #tpu.memory_space<vmem_shared>> -> memref<632x128xf32, #tpu.memory_space<vmem_shared>>
        tpu.wait_dma2 semaphore(%run_scoped3A : memref<!tpu.dma_semaphore, #tpu.memory_space<semaphore_mem>>) src(%dma_wait3A_158 : memref<632x128xf32, #tpu.memory_space<vmem_shared>>) dst(%dma_wait3A_156 : memref<632x128xf32, #tpu.memory_space<hbm>>)
        tpu.yield
      }) : () -> ()
    } else {
    }
    %eq3A_140 = arith.constant 15 : i32
    %eq3A_141 = arith.cmpi eq, %arg1, %eq3A_140 : i32
    %convert_element_type3A_142 = arith.extui %eq3A_141 : i1 to i32
    %cond3A_143 = arith.constant 0 : i32
    %cond3A_144 = arith.cmpi ne, %convert_element_type3A_142, %cond3A_143 : i32
    scf.if %cond3A_144 {
      "tpu.region"() ({
        %run_scoped3A = tpu.sem_alloc : memref<!tpu.dma_semaphore, #tpu.memory_space<semaphore_mem>>
        %dma_start3A_145 = arith.constant 9480 : i32
        %dma_start3A_146 = arith.constant 0 : i32
        %dma_start3A_147 = tpu.memref_slice %arg6[%arg0, %dma_start3A_145, %dma_start3A_146] : memref<2x10112x128xf32, #tpu.memory_space<hbm>> -> memref<1x632x128xf32, #tpu.memory_space<hbm>>
        %dma_start3A_148 = tpu.memref_squeeze %dma_start3A_147 : memref<1x632x128xf32, #tpu.memory_space<hbm>> -> memref<632x128xf32, #tpu.memory_space<hbm>>
        %dma_start3A_149 = arith.constant 9480 : i32
        %dma_start3A_150 = arith.constant 0 : i32
        %dma_start3A_151 = tpu.memref_slice %arg7[%dma_start3A_149, %dma_start3A_150] : memref<10112x128xf32, #tpu.memory_space<vmem_shared>> -> memref<632x128xf32, #tpu.memory_space<vmem_shared>>
        tpu.enqueue_dma source(%dma_start3A_151 : memref<632x128xf32, #tpu.memory_space<vmem_shared>>) target(%dma_start3A_148 : memref<632x128xf32, #tpu.memory_space<hbm>>) target_semaphore(%run_scoped3A : memref<!tpu.dma_semaphore, #tpu.memory_space<semaphore_mem>>)
        %dma_wait3A_152 = arith.constant 9480 : i32
        %dma_wait3A_153 = arith.constant 0 : i32
        %dma_wait3A_154 = tpu.memref_slice %arg6[%arg0, %dma_wait3A_152, %dma_wait3A_153] : memref<2x10112x128xf32, #tpu.memory_space<hbm>> -> memref<1x632x128xf32, #tpu.memory_space<hbm>>
        %dma_wait3A_155 = tpu.memref_squeeze %dma_wait3A_154 : memref<1x632x128xf32, #tpu.memory_space<hbm>> -> memref<632x128xf32, #tpu.memory_space<hbm>>
        %dma_wait3A_156 = arith.constant 9480 : i32
        %dma_wait3A_157 = arith.constant 0 : i32
        %dma_wait3A_158 = tpu.memref_slice %arg7[%dma_wait3A_156, %dma_wait3A_157] : memref<10112x128xf32, #tpu.memory_space<vmem_shared>> -> memref<632x128xf32, #tpu.memory_space<vmem_shared>>
        tpu.wait_dma2 semaphore(%run_scoped3A : memref<!tpu.dma_semaphore, #tpu.memory_space<semaphore_mem>>) src(%dma_wait3A_158 : memref<632x128xf32, #tpu.memory_space<vmem_shared>>) dst(%dma_wait3A_155 : memref<632x128xf32, #tpu.memory_space<hbm>>)
        tpu.yield
      }) : () -> ()
    } else {
    }
    return
  }
}

module attributes {stable_mosaic.version = 14 : i64} {
  func.func @_mm_bias_body(%arg0: i32, %arg1: memref<1264x128xf32, #tpu.memory_space<vmem>>, %arg2: memref<128x128xf32, #tpu.memory_space<vmem>>, %arg3: memref<128xf32, #tpu.memory_space<vmem>>, %arg4: memref<1264x128xf32, #tpu.memory_space<vmem>>) attributes {dimension_semantics = [#tpu.dimension_semantics<arbitrary>], iteration_bounds = array<i64: 8>, scalar_prefetch = 0 : i64, scratch_operands = 0 : i64, tpu.core_type = #tpu.core_type<tc>, window_params = [{transform_indices = @transform_0, window_bounds = array<i64: 1264, 128>}, {pipeline_mode = #tpu.pipeline_mode<synchronous>, transform_indices = @transform_1, window_bounds = array<i64: 128, 128>}, {pipeline_mode = #tpu.pipeline_mode<synchronous>, transform_indices = @transform_2, window_bounds = array<i64: 128>}, {transform_indices = @transform_3, window_bounds = array<i64: 1264, 128>}]} {
    %get3A = arith.constant 0 : index
    %get3A_0 = arith.constant 0 : index
    %get3A_1 = vector.load %arg1[%get3A, %get3A_0] : memref<1264x128xf32, #tpu.memory_space<vmem>>, vector<1264x128xf32>
    %get3A_2 = arith.constant 0 : index
    %get3A_3 = arith.constant 0 : index
    %get3A_4 = vector.load %arg2[%get3A_2, %get3A_3] : memref<128x128xf32, #tpu.memory_space<vmem>>, vector<128x128xf32>
    %dot_general3A = arith.constant dense<0.000000e+00> : vector<1264x128xf32>
    %dot_general3A_5 = tpu.matmul %get3A_1, %get3A_4, %dot_general3A {dimension_numbers = #tpu.dot_dimension_numbers<[1], [0], [0], [1], [0, 0, 1, 1], [], []>, transpose_lhs_hint = false} : vector<1264x128xf32>, vector<128x128xf32>, vector<1264x128xf32> -> vector<1264x128xf32>
    %get3A_6 = arith.constant 0 : index
    %get3A_7 = vector.load %arg3[%get3A_6] : memref<128xf32, #tpu.memory_space<vmem>>, vector<128xf32>
    %broadcast_in_dim3A = vector.shape_cast %get3A_7 : vector<128xf32> to vector<1x128xf32>
    %add3A = vector.broadcast %broadcast_in_dim3A : vector<1x128xf32> to vector<1264x128xf32>
    %add3A_8 = arith.addf %dot_general3A_5, %add3A : vector<1264x128xf32>
    %swap3A = arith.constant 0 : index
    %swap3A_9 = arith.constant 0 : index
    %swap3A_10 = vector.load %arg4[%swap3A, %swap3A_9] : memref<1264x128xf32, #tpu.memory_space<vmem>>, vector<1264x128xf32>
    tpu.vector_store %arg4[%swap3A, %swap3A_9], %add3A_8 {strides = array<i32>} : memref<1264x128xf32, #tpu.memory_space<vmem>>, vector<1264x128xf32>,
    return
  }
  func.func @transform_0(%arg0: i32) -> (i32, i32) {
    %c0_i32 = arith.constant 0 : i32
    %c0_i32_0 = arith.constant 0 : i32
    return %arg0, %c0_i32 : i32, i32
  }
  func.func @transform_1(%arg0: i32) -> (i32, i32) {
    %c0_i32 = arith.constant 0 : i32
    %c0_i32_0 = arith.constant 0 : i32
    %c0_i32_1 = arith.constant 0 : i32
    return %c0_i32, %c0_i32_0 : i32, i32
  }
  func.func @transform_2(%arg0: i32) -> i32 {
    %c0_i32 = arith.constant 0 : i32
    %c0_i32_0 = arith.constant 0 : i32
    return %c0_i32 : i32
  }
  func.func @transform_3(%arg0: i32) -> (i32, i32) {
    %c0_i32 = arith.constant 0 : i32
    %c0_i32_0 = arith.constant 0 : i32
    return %arg0, %c0_i32 : i32, i32
  }
}

module attributes {stable_mosaic.version = 14 : i64} {
  func.func @_combine_body(%arg0: i32, %arg1: memref<2x1264x128xf32, #tpu.memory_space<vmem>>, %arg2: memref<2x1264x1xf32, #tpu.memory_space<vmem>>, %arg3: memref<1264x128xf32, #tpu.memory_space<vmem>>, %arg4: memref<128x128xf32, #tpu.memory_space<vmem>>, %arg5: memref<1264x128xf32, #tpu.memory_space<vmem>>) attributes {dimension_semantics = [#tpu.dimension_semantics<arbitrary>], iteration_bounds = array<i64: 8>, scalar_prefetch = 0 : i64, scratch_operands = 0 : i64, tpu.core_type = #tpu.core_type<tc>, window_params = [{transform_indices = @transform_0, window_bounds = array<i64: 2, 1264, 128>}, {transform_indices = @transform_1, window_bounds = array<i64: 2, 1264, 1>}, {transform_indices = @transform_2, window_bounds = array<i64: 1264, 128>}, {pipeline_mode = #tpu.pipeline_mode<synchronous>, transform_indices = @transform_3, window_bounds = array<i64: 128, 128>}, {transform_indices = @transform_4, window_bounds = array<i64: 1264, 128>}]} {
    %get3A = arith.constant 0 : index
    %get3A_0 = arith.constant 0 : index
    %get3A_1 = arith.constant 0 : index
    %get3A_2 = vector.load %arg1[%get3A, %get3A_0, %get3A_1] : memref<2x1264x128xf32, #tpu.memory_space<vmem>>, vector<1x1264x128xf32>
    %get3A_3 = vector.shape_cast %get3A_2 : vector<1x1264x128xf32> to vector<1264x128xf32>
    %get3A_4 = arith.constant 1 : index
    %get3A_5 = arith.constant 0 : index
    %get3A_6 = arith.constant 0 : index
    %get3A_7 = vector.load %arg1[%get3A_4, %get3A_5, %get3A_6] : memref<2x1264x128xf32, #tpu.memory_space<vmem>>, vector<1x1264x128xf32>
    %get3A_8 = vector.shape_cast %get3A_7 : vector<1x1264x128xf32> to vector<1264x128xf32>
    %add3A = arith.addf %get3A_3, %get3A_8 : vector<1264x128xf32>
    %get3A_9 = arith.constant 0 : index
    %get3A_10 = arith.constant 0 : index
    %get3A_11 = arith.constant 0 : index
    %get3A_12 = vector.load %arg2[%get3A_9, %get3A_10, %get3A_11] : memref<2x1264x1xf32, #tpu.memory_space<vmem>>, vector<1x1264x1xf32>
    %get3A_13 = vector.shape_cast %get3A_12 : vector<1x1264x1xf32> to vector<1264x1xf32>
    %get3A_14 = arith.constant 1 : index
    %get3A_15 = arith.constant 0 : index
    %get3A_16 = arith.constant 0 : index
    %get3A_17 = vector.load %arg2[%get3A_14, %get3A_15, %get3A_16] : memref<2x1264x1xf32, #tpu.memory_space<vmem>>, vector<1x1264x1xf32>
    %get3A_18 = vector.shape_cast %get3A_17 : vector<1x1264x1xf32> to vector<1264x1xf32>
    %add3A_19 = arith.addf %get3A_13, %get3A_18 : vector<1264x1xf32>
    %max3A = arith.constant 1.000000e+00 : f32
    %max3A_20 = vector.broadcast %max3A : f32 to vector<1264x1xf32>
    %max3A_21 = arith.maximumf %add3A_19, %max3A_20 : vector<1264x1xf32>
    %div3A = vector.broadcast %max3A_21 : vector<1264x1xf32> to vector<1264x128xf32>
    %div3A_22 = arith.divf %add3A, %div3A : vector<1264x128xf32>
    %get3A_23 = arith.constant 0 : index
    %get3A_24 = arith.constant 0 : index
    %get3A_25 = vector.load %arg4[%get3A_23, %get3A_24] : memref<128x128xf32, #tpu.memory_space<vmem>>, vector<128x128xf32>
    %dot_general3A = arith.constant dense<0.000000e+00> : vector<1264x128xf32>
    %dot_general3A_26 = tpu.matmul %div3A_22, %get3A_25, %dot_general3A {dimension_numbers = #tpu.dot_dimension_numbers<[1], [0], [0], [1], [0, 0, 1, 1], [], []>, transpose_lhs_hint = false} : vector<1264x128xf32>, vector<128x128xf32>, vector<1264x128xf32> -> vector<1264x128xf32>
    %get3A_27 = arith.constant 0 : index
    %get3A_28 = arith.constant 0 : index
    %get3A_29 = vector.load %arg3[%get3A_27, %get3A_28] : memref<1264x128xf32, #tpu.memory_space<vmem>>, vector<1264x128xf32>
    %add3A_30 = arith.addf %dot_general3A_26, %get3A_29 : vector<1264x128xf32>
    %max3A_31 = arith.constant 0.000000e+00 : f32
    %max3A_32 = vector.broadcast %max3A_31 : f32 to vector<1264x128xf32>
    %max3A_33 = arith.maximumf %add3A_30, %max3A_32 : vector<1264x128xf32>
    %swap3A = arith.constant 0 : index
    %swap3A_34 = arith.constant 0 : index
    %swap3A_35 = vector.load %arg5[%swap3A, %swap3A_34] : memref<1264x128xf32, #tpu.memory_space<vmem>>, vector<1264x128xf32>
    tpu.vector_store %arg5[%swap3A, %swap3A_34], %max3A_33 {strides = array<i32>} : memref<1264x128xf32, #tpu.memory_space<vmem>>, vector<1264x128xf32>,
    return
  }
  func.func @transform_0(%arg0: i32) -> (i32, i32, i32) {
    %c0_i32 = arith.constant 0 : i32
    %c0_i32_0 = arith.constant 0 : i32
    %c0_i32_1 = arith.constant 0 : i32
    return %c0_i32, %arg0, %c0_i32_0 : i32, i32, i32
  }
  func.func @transform_1(%arg0: i32) -> (i32, i32, i32) {
    %c0_i32 = arith.constant 0 : i32
    %c0_i32_0 = arith.constant 0 : i32
    %c0_i32_1 = arith.constant 0 : i32
    return %c0_i32, %arg0, %c0_i32_0 : i32, i32, i32
  }
  func.func @transform_2(%arg0: i32) -> (i32, i32) {
    %c0_i32 = arith.constant 0 : i32
    %c0_i32_0 = arith.constant 0 : i32
    return %arg0, %c0_i32 : i32, i32
  }
  func.func @transform_3(%arg0: i32) -> (i32, i32) {
    %c0_i32 = arith.constant 0 : i32
    %c0_i32_0 = arith.constant 0 : i32
    %c0_i32_1 = arith.constant 0 : i32
    return %c0_i32, %c0_i32_0 : i32, i32
  }
  func.func @transform_4(%arg0: i32) -> (i32, i32) {
    %c0_i32 = arith.constant 0 : i32
    %c0_i32_0 = arith.constant 0 : i32
    return %arg0, %c0_i32 : i32, i32
  }
}

module attributes {stable_mosaic.version = 14 : i64} {
  func.func @_combine_body(%arg0: i32, %arg1: memref<2x1264x128xf32, #tpu.memory_space<vmem>>, %arg2: memref<2x1264x1xf32, #tpu.memory_space<vmem>>, %arg3: memref<1264x128xf32, #tpu.memory_space<vmem>>, %arg4: memref<128x128xf32, #tpu.memory_space<vmem>>, %arg5: memref<1264x128xf32, #tpu.memory_space<vmem>>) attributes {dimension_semantics = [#tpu.dimension_semantics<arbitrary>], iteration_bounds = array<i64: 8>, scalar_prefetch = 0 : i64, scratch_operands = 0 : i64, tpu.core_type = #tpu.core_type<tc>, window_params = [{transform_indices = @transform_0, window_bounds = array<i64: 2, 1264, 128>}, {transform_indices = @transform_1, window_bounds = array<i64: 2, 1264, 1>}, {transform_indices = @transform_2, window_bounds = array<i64: 1264, 128>}, {pipeline_mode = #tpu.pipeline_mode<synchronous>, transform_indices = @transform_3, window_bounds = array<i64: 128, 128>}, {transform_indices = @transform_4, window_bounds = array<i64: 1264, 128>}]} {
    %get3A = arith.constant 0 : index
    %get3A_0 = arith.constant 0 : index
    %get3A_1 = arith.constant 0 : index
    %get3A_2 = vector.load %arg1[%get3A, %get3A_0, %get3A_1] : memref<2x1264x128xf32, #tpu.memory_space<vmem>>, vector<1x1264x128xf32>
    %get3A_3 = vector.shape_cast %get3A_2 : vector<1x1264x128xf32> to vector<1264x128xf32>
    %get3A_4 = arith.constant 1 : index
    %get3A_5 = arith.constant 0 : index
    %get3A_6 = arith.constant 0 : index
    %get3A_7 = vector.load %arg1[%get3A_4, %get3A_5, %get3A_6] : memref<2x1264x128xf32, #tpu.memory_space<vmem>>, vector<1x1264x128xf32>
    %get3A_8 = vector.shape_cast %get3A_7 : vector<1x1264x128xf32> to vector<1264x128xf32>
    %add3A = arith.addf %get3A_3, %get3A_8 : vector<1264x128xf32>
    %get3A_9 = arith.constant 0 : index
    %get3A_10 = arith.constant 0 : index
    %get3A_11 = arith.constant 0 : index
    %get3A_12 = vector.load %arg2[%get3A_9, %get3A_10, %get3A_11] : memref<2x1264x1xf32, #tpu.memory_space<vmem>>, vector<1x1264x1xf32>
    %get3A_13 = vector.shape_cast %get3A_12 : vector<1x1264x1xf32> to vector<1264x1xf32>
    %get3A_14 = arith.constant 1 : index
    %get3A_15 = arith.constant 0 : index
    %get3A_16 = arith.constant 0 : index
    %get3A_17 = vector.load %arg2[%get3A_14, %get3A_15, %get3A_16] : memref<2x1264x1xf32, #tpu.memory_space<vmem>>, vector<1x1264x1xf32>
    %get3A_18 = vector.shape_cast %get3A_17 : vector<1x1264x1xf32> to vector<1264x1xf32>
    %add3A_19 = arith.addf %get3A_13, %get3A_18 : vector<1264x1xf32>
    %max3A = arith.constant 1.000000e+00 : f32
    %max3A_20 = vector.broadcast %max3A : f32 to vector<1264x1xf32>
    %max3A_21 = arith.maximumf %add3A_19, %max3A_20 : vector<1264x1xf32>
    %div3A = vector.broadcast %max3A_21 : vector<1264x1xf32> to vector<1264x128xf32>
    %div3A_22 = arith.divf %add3A, %div3A : vector<1264x128xf32>
    %get3A_23 = arith.constant 0 : index
    %get3A_24 = arith.constant 0 : index
    %get3A_25 = vector.load %arg4[%get3A_23, %get3A_24] : memref<128x128xf32, #tpu.memory_space<vmem>>, vector<128x128xf32>
    %dot_general3A = arith.constant dense<0.000000e+00> : vector<1264x128xf32>
    %dot_general3A_26 = tpu.matmul %div3A_22, %get3A_25, %dot_general3A {dimension_numbers = #tpu.dot_dimension_numbers<[1], [0], [0], [1], [0, 0, 1, 1], [], []>, transpose_lhs_hint = false} : vector<1264x128xf32>, vector<128x128xf32>, vector<1264x128xf32> -> vector<1264x128xf32>
    %get3A_27 = arith.constant 0 : index
    %get3A_28 = arith.constant 0 : index
    %get3A_29 = vector.load %arg3[%get3A_27, %get3A_28] : memref<1264x128xf32, #tpu.memory_space<vmem>>, vector<1264x128xf32>
    %add3A_30 = arith.addf %dot_general3A_26, %get3A_29 : vector<1264x128xf32>
    %reduce_max3A = arith.constant dense<0xFF800000> : vector<1264xf32>
    %reduce_max3A_31 = vector.multi_reduction <maximumf>, %add3A_30, %reduce_max3A [1] : vector<1264x128xf32> to vector<1264xf32>
    %broadcast_in_dim3A = vector.shape_cast %reduce_max3A_31 : vector<1264xf32> to vector<1264x1xf32>
    %sub3A = vector.broadcast %broadcast_in_dim3A : vector<1264x1xf32> to vector<1264x128xf32>
    %sub3A_32 = arith.subf %add3A_30, %sub3A : vector<1264x128xf32>
    %exp3A = math.exp %sub3A_32 : vector<1264x128xf32>
    %reduce_sum3A = arith.constant dense<0.000000e+00> : vector<1264xf32>
    %reduce_sum3A_33 = vector.multi_reduction <add>, %exp3A, %reduce_sum3A [1] : vector<1264x128xf32> to vector<1264xf32>
    %broadcast_in_dim3A_34 = vector.shape_cast %reduce_sum3A_33 : vector<1264xf32> to vector<1264x1xf32>
    %log3A = math.log %broadcast_in_dim3A_34 : vector<1264x1xf32>
    %add3A_35 = arith.addf %log3A, %broadcast_in_dim3A : vector<1264x1xf32>
    %sub3A_36 = vector.broadcast %add3A_35 : vector<1264x1xf32> to vector<1264x128xf32>
    %sub3A_37 = arith.subf %add3A_30, %sub3A_36 : vector<1264x128xf32>
    %swap3A = arith.constant 0 : index
    %swap3A_38 = arith.constant 0 : index
    %swap3A_39 = vector.load %arg5[%swap3A, %swap3A_38] : memref<1264x128xf32, #tpu.memory_space<vmem>>, vector<1264x128xf32>
    tpu.vector_store %arg5[%swap3A, %swap3A_38], %sub3A_37 {strides = array<i32>} : memref<1264x128xf32, #tpu.memory_space<vmem>>, vector<1264x128xf32>,
    return
  }
  func.func @transform_0(%arg0: i32) -> (i32, i32, i32) {
    %c0_i32 = arith.constant 0 : i32
    %c0_i32_0 = arith.constant 0 : i32
    %c0_i32_1 = arith.constant 0 : i32
    return %c0_i32, %arg0, %c0_i32_0 : i32, i32, i32
  }
  func.func @transform_1(%arg0: i32) -> (i32, i32, i32) {
    %c0_i32 = arith.constant 0 : i32
    %c0_i32_0 = arith.constant 0 : i32
    %c0_i32_1 = arith.constant 0 : i32
    return %c0_i32, %arg0, %c0_i32_0 : i32, i32, i32
  }
  func.func @transform_2(%arg0: i32) -> (i32, i32) {
    %c0_i32 = arith.constant 0 : i32
    %c0_i32_0 = arith.constant 0 : i32
    return %arg0, %c0_i32 : i32, i32
  }
  func.func @transform_3(%arg0: i32) -> (i32, i32) {
    %c0_i32 = arith.constant 0 : i32
    %c0_i32_0 = arith.constant 0 : i32
    %c0_i32_1 = arith.constant 0 : i32
    return %c0_i32, %c0_i32_0 : i32, i32
  }
  func.func @transform_4(%arg0: i32) -> (i32, i32) {
    %c0_i32 = arith.constant 0 : i32
    %c0_i32_0 = arith.constant 0 : i32
    return %arg0, %c0_i32 : i32, i32
  }
}

</mosaic_0001>

<sc_bundles>
// kernel: seg_sum.3.cloned.1.call-start
scs
__scs_entry_jumppad:
0x0: {  	(pc) =	sbr.rel $0x88, $3  }
0x1: {  	(tag) =	ssettag $0x0;
	lr =	simm.s32 $0x1  }
0x2: {  	[smem:$0x3F99] =	sst lr;
	_ =	strace $0xD0000000  }
0x3: {  	_ = 	snop  }
0x4: {  	_ = 	snop  }
0x5: {  	_ = 	snop  }
0x6: {  	_ = 	snop  }
0x7: {  	_ = 	snop  }
__scs_overlays_trampoline_lowered:
0x8: {  	[smem:$0x3FA8] =	sst s0  }
0x9: {  	[smem:$0x3FA9] =	sst s1  }
0xa: {  	[smem:$0x3FAA] =	sst s2  }
0xb: {  	[smem:$0x3FAB] =	sst s3  }
0xc: {  	[smem:$0x3FAC] =	sst s4  }
0xd: {  	[smem:$0x3FAD] =	sst s5  }
0xe: {  	[smem:$0x3FAE] =	sst s6  }
0xf: {  	[smem:$0x3FAF] =	sst s7  }
0x10: {  	[smem:$0x3FB0] =	sst s8  }
0x11: {  	[smem:$0x3FB1] =	sst s9;
	s0 =	simm.s32 @!p0 $0x0  }
0x12: {  	s1 =	sld [smem:$0x3F97];
	s0 =	simm.s32 @p0 $0x1  }
0x13: {  	[smem:$0x3FB2] =	sst s0;
	s0 =	simm.s32 @!p1 $0x0  }
0x14: {  	s2 =	sld [smem:$0x3F96];
	s0 =	simm.s32 @p1 $0x1  }
0x15: {  	[smem:$0x3FB3] =	sst s0;
	s0 =	simm.s32 @!p2 $0x0  }
0x16: {  	s3 =	sld [smem:$0x3FDB];
	s0 =	simm.s32 @p2 $0x1  }
0x17: {  	s4 =	simm.s32 $0x1BF5;
	[smem:$0x3FB5] =	sst s0  }
0x18: {  	s0 =	sld [smem:$0x3F98];
	_ =	swait.ge [sflag:s4], $0x0  }
0x19: {  	s7 =	sld [smem:$0x3F99]  }
0x1a: {  	s8 =	sadd.s32 $0xFFFFE003, lr  }
0x1b: {  	s9 =	sadd.s32 $0xFFFFFEF7, lr;
	s5 =	simm.s32 $0xFFFFFFFF;
	p2 =	slt.u32 s8, $0xFFFFF086  }
0x1c: {  	p1 =	slt.u32 s9, $0xF7A;
	s5 =	simm.s32 @!p2 $0x0  }
0x1d: {  	s5 =	simm.s32 @p1 $0x1;
	p0 =	seq.s32 s7, s2  }
0x1e: {  	s7 =	smul.u32 @!p0 $0xF7A, s2;
	p2 =	seq.s32 @!p0 s5, $0x0  }
0x1f: {  	s9 =	smul.u32 $0xF7A, s1;
	s8 =	simm.s32 @!p0 $0x1BF5;
	p2 =	por !p2, p0  }
0x20: {  	[sflag:s8] =	ssyncset.s32 @!p0 $0xFFFFF086;
	s6 =	sadd.s32 @!p0 s3, s7;
	s7 =	simm.s32 @!p0 $0x108  }
0x21: {  	s3 =	sadd.s32 s3, s9;
	s6 =	sadd.s32 @!p0 $0x88, s6;
	s7 =	simm.s32 @p2 $0x1082  }
0x22: {  	[simem:s7], [sflag:s8] =	dma.local @!p0 [hbm:s6], $0xF7A  }
0x23: {  	s9 =	sor.u32 $0xD0000000, s2;
	s6 =	simm.s32 $0x108;
	_ =	swait.ge @!p0 [sflag:s8], $0x0  }
0x24: {  	s3 =	sadd.s32 $0x88, s3;
	s6 =	simm.s32 @!p1 $0x1082;
	[sflag:s4] =	ssyncset.s32 $0xFFFFF086  }
0x25: {  	[simem:s6], [sflag:s4] =	dma.local [hbm:s3], $0xF7A  }
0x26: {  	[smem:$0x3F99] =	sst s1;
	(tag) =	ssettag s2;
	_ =	strace s9  }
0x27: {  	s1 =	sld [smem:$0x3FA9]  }
0x28: {  	s2 =	sld [smem:$0x3FAA]  }
0x29: {  	s4 =	sld [smem:$0x3FAC]  }
0x2a: {  	p0 =	seq.s32 s5, $0x0;
	s5 =	sld [smem:$0x3FAD]  }
0x2b: {  	s6 =	sld [smem:$0x3FAE]  }
0x2c: {  	s7 =	sld [smem:$0x3FAF]  }
0x2d: {  	s3 =	simm.s32 $0x108;
	s8 =	sld [smem:$0x3FB0]  }
0x2e: {  	s3 =	simm.s32 @!p0 $0x1082;
	s9 =	sld [smem:$0x3FB1]  }
0x2f: {  	lr =	sadd.s32 s0, s3;
	s0 =	sld [smem:$0x3FA8]  }
0x30: {  	s3 =	sld [smem:$0x3FAB]  }
0x31: {  	[smem:$0x3FB4] =	sst s10  }
0x32: {  	s10 =	sld [smem:$0x3FB2];
	_ =	sdelay $0x3  }
0x33: {  	p0 =	seq.s32 s10, $0x1;
	s10 =	sld [smem:$0x3FB4];
	_ =	sdelay $0x3  }
0x34: {  	[smem:$0x3FB4] =	sst s10  }
0x35: {  	s10 =	sld [smem:$0x3FB3];
	_ =	sdelay $0x3  }
0x36: {  	p1 =	seq.s32 s10, $0x1;
	s10 =	sld [smem:$0x3FB4];
	_ =	sdelay $0x3  }
0x37: {  	[smem:$0x3FB4] =	sst s10  }
0x38: {  	s10 =	sld [smem:$0x3FB5]  }
0x39: {  	_ = 	snop;
	(pc) =	sbr.ind lr, $3  }
0x3a: {  	_ = 	snop  }
0x3b: {  	_ = 	snop  }
0x3c: {  	p2 =	seq.s32 s10, $0x1;
	s10 =	sld [smem:$0x3FB4]  }
0x3d: {  	_ =	shalt  }
0x3e: {  	_ =	shalt  }
0x3f: {  	_ =	shalt  }
0x40: {  	_ =	shalt  }
0x41: {  	_ =	shalt  }
0x42: {  	_ =	shalt  }
0x43: {  	_ =	shalt  }
0x44: {  	_ =	shalt  }
0x45: {  	_ =	shalt  }
0x46: {  	_ =	shalt  }
0x47: {  	_ =	shalt  }
0x48: {  	_ =	shalt  }
0x49: {  	_ =	shalt  }
0x4a: {  	_ =	shalt  }
0x4b: {  	_ =	shalt  }
0x4c: {  	_ =	shalt  }
0x4d: {  	_ =	shalt  }
0x4e: {  	_ =	shalt  }
0x4f: {  	_ =	shalt  }
0x50: {  	_ =	shalt  }
0x51: {  	_ =	shalt  }
0x52: {  	_ =	shalt  }
0x53: {  	_ =	shalt  }
0x54: {  	_ =	shalt  }
0x55: {  	_ =	shalt  }
0x56: {  	_ =	shalt  }
0x57: {  	_ =	shalt  }
0x58: {  	_ =	shalt  }
0x59: {  	_ =	shalt  }
0x5a: {  	_ =	shalt  }
0x5b: {  	_ =	shalt  }
0x5c: {  	_ =	shalt  }
0x5d: {  	_ =	shalt  }
0x5e: {  	_ =	shalt  }
0x5f: {  	_ =	shalt  }
0x60: {  	_ =	shalt  }
0x61: {  	_ =	shalt  }
0x62: {  	_ =	shalt  }
0x63: {  	_ =	shalt  }
0x64: {  	_ =	shalt  }
0x65: {  	_ =	shalt  }
0x66: {  	_ =	shalt  }
0x67: {  	_ =	shalt  }
0x68: {  	_ =	shalt  }
0x69: {  	_ =	shalt  }
0x6a: {  	_ =	shalt  }
0x6b: {  	_ =	shalt  }
0x6c: {  	_ =	shalt  }
0x6d: {  	_ =	shalt  }
0x6e: {  	_ =	shalt  }
0x6f: {  	_ =	shalt  }
0x70: {  	_ =	shalt  }
0x71: {  	_ =	shalt  }
0x72: {  	_ =	shalt  }
0x73: {  	_ =	shalt  }
0x74: {  	_ =	shalt  }
0x75: {  	_ =	shalt  }
0x76: {  	_ =	shalt  }
0x77: {  	_ =	shalt  }
0x78: {  	_ =	shalt  }
0x79: {  	_ =	shalt  }
0x7a: {  	_ =	shalt  }
0x7b: {  	_ =	shalt  }
0x7c: {  	_ =	shalt  }
0x7d: {  	_ =	shalt  }
0x7e: {  	_ =	shalt  }
0x7f: {  	_ =	shalt  }
0x80: {  	_ =	shalt  }
0x81: {  	_ =	shalt  }
0x82: {  	_ =	shalt  }
0x83: {  	_ =	shalt  }
0x84: {  	_ =	shalt  }
0x85: {  	_ =	shalt  }
0x86: {  	_ =	shalt  }
0x87: {  	_ =	shalt  }
.Lfunc_end0:
.L_simem_size_0:
called_computation.1_lowered:
.L_overlay_start_0:
0x88: {  	s2 =	sld [smem:$0x3FD9]  }
0x89: {  	s3 =	sld [smem:$0x3FFE];
	_ =	sdelay $0x1  }
0x8a: {  	s1 =	srdreg.scid  }
0x8b: {  	s0 =	sand.u32 $0x1, s1  }
0x8c: {  	s17 =	sshll.u32 s0, $0xA;
	s2 =	sadd.s32 s3, s2  }
0x8d: {  	s2 =	sadd.s32 s2, s17  }
0x8e: {  	[smem:$0x3FC0] =	sst s2  }
0x8f: {  	_ = 	snop  }
0x90: {  	s2 =	sld [smem:$0x3FD0];
	(tm) =	ssettm $0x1  }
0x91: {  	s18 =	sld [smem:$0x3FFB];
	_ =	sdelay $0x3  }
0x92: {  	_ =	strace s18  }
0x93: {  	s3 =	sld [smem:$0x3FFC];
	_ =	sdelay $0x3  }
0x94: {  	_ =	strace s3  }
0x95: {  	s3 =	sld [smem:$0x3FFD];
	_ =	sdelay $0x3  }
0x96: {  	_ =	strace s3  }
0x97: {  	_ =	strace $0x8FFFFFFF  }
0x98: {  	s19 =	sld [smem:$0x3FDB];
	_ =	sdelay $0x1  }
0x99: {  	s4 =	simm.s32 $_scs_section_size  }
0x9a: {  	s5 =	simm.s32 $_size__tile_overlayer_lowered;
	s6 =	simm.s32 $_tile_overlayer_lowered  }
0x9b: {  	s22 =	simm.s32 $0x1BFF;
	s21 =	sshll.u32 s6, $0x1;
	s3 =	sadd.s32 s4, s19  }
0x9c: {  	s7 =	simm.s32 $0x0;
	s20 =	sshll.u32 s5, $0x1;
	s5 =	sadd.s32 s21, s3  }
0x9d: {  	[timem:s7], [sflag:s22] =	dma.local [hbm:s5], s20  }
0x9e: {  	_ =	swait.ge [sflag:s22], s20  }
0x9f: {  	s4 =	ssub.s32 $0x0, s20;
	[sflag:s22] =	ssyncset.done $0x0  }
0xa0: {  	[sflag:s22] =	ssyncadd.s32 s4;
	_ =	sdelay $0x1  }
0xa1: {  	s23 =	simm.s32 $0x1B8B  }
0xa2: {  	_ =	swait.ge [sflag:s23], $0x1  }
0xa3: {  	[sflag:s23] =	ssyncset.done $0x0  }
0xa4: {  	s25 =	simm.s32 $0x1B8E;
	s24 =	sld [smem:$0x3FFE];
	[sflag:s23] =	ssyncadd.s32 $0xFFFFFFFF  }
0xa5: {  	s26 =	simm.s32 $execute0_lowered;
	[smem:$0x3FD2] =	sst s25  }
0xa6: {  	s5 =	sshll.u32 s26, $0x1;
	_ =	strace $0x80000049;
	[dreg:$0x1] =	wrdreg $0xFFFFFFFF  }
0xa7: {  	s28 =	simm.s32 $_size_execute0_lowered;
	s3 =	sadd.s32 s3, s5;
	[dreg:$0x0] =	wrdreg $0x0  }
0xa8: {  	s5 =	sshll.u32 s28, $0x1;
	[dreg:$0x2] =	wrdreg s3  }
0xa9: {  	[dreg:$0x3] =	wrdreg s5  }
0xaa: {  	[dreg:$0x4] =	wrdreg $0xC0  }
0xab: {  	_ =	task [dreg:s7], $0x5FFFF  }
0xac: {  	[dreg:$0x1] =	wrdreg $0xFFFFFFFF  }
0xad: {  	[dreg:$0x0] =	wrdreg $0x60  }
0xae: {  	[dreg:$0x2] =	wrdreg s2  }
0xaf: {  	[dreg:$0x3] =	wrdreg s24  }
0xb0: {  	[dreg:$0x4] =	wrdreg $0x0  }
0xb1: {  	[dreg:$0x5] =	wrdreg $0x9  }
0xb2: {  	_ =	task.clear_ibuf [dreg:s7], $0x6FFFF;
	_ =	strace $0x90000049  }
0xb3: {  	s29 =	simm.s32 $0x9;
	_ =	strace $0x8000004B  }
0xb4: {  	_ =	swait.ge [sflag:s29], $0x1  }
0xb5: {  	[sflag:s29] =	ssyncadd.s32 $0xFFFFFFFF  }
0xb6: {  	_ =	strace $0x9000004B  }
0xb7: {  	_ =	sfence  }
0xb8: {  	s30 =	sld [smem:$0x0];
	_ =	sdelay $0x2  }
0xb9: {  	s31 =	sshll.u32 s1, $0xD;
	s1 =	sshrl.u32 s1, $0x2  }
0xba: {  	s3 =	sand.u32 $0x4000, s31;
	s1 =	sadd.s32 s1, s30  }
0xbb: {  	s0 =	sor.u32 s3, s0;
	s1 =	sshll.u32 s1, $0x11  }
0xbc: {  	s0 =	sor.u32 s1, s0  }
0xbd: {  	s0 =	sadd.s32 $0x8F2B, s0  }
0xbe: {  	[sflag:s0] =	ssyncadd.remote.s32 $0x1  }
0xbf: {  	_ =	sfence.sel $0xFFFF  }
0xc0: {  	[dreg:$0x0] =	wrdreg $0xFFFFFFFF;
	(pc) =	sbr.abs _section_cstart, $3  }
0xc1: {  	[dreg:$0x1] =	wrdreg $0xFFFFFFFF  }
0xc2: {  	_ =	task.clear_ibuf [dreg:s7], $0x2FFFF;
	_ =	strace $0x9FFFFFFF  }
0xc3: {  	(tm) =	ssettm $0x7FFFFFFF  }
tec
execute0_lowered:
.L_overlay_start_1:
0x0: {  	(tag) =	ssettag $0x1  }
0x1: {  	s1 =	rddreg [dreg:$0x0]  }
0x2: {  	s0 =	rddreg [dreg:$0x1]  }
0x3: {  	s2 =	rddreg [dreg:$0x2];
	s4 =	simm.s32 $0x0  }
0x4: {  	s3 =	srdreg.scid;
	s14 =	stileid.u32;
	s28 =	simm.s32 $0x80  }
0x5: {  	s29 =	simm.s32 $0x13E00;
	s30 =	simm.s32 $0x1BE80;
	s8 =	smul.u32 $0x13C00, s14  }
0x6: {  	s31 =	simm.s32 $0x13C80;
	[smem:$0x7FF] =	sst s4;
	s9 =	smul.u32 $0x2780, s14  }
0x7: {  	s3 =	sand.u32 $0x1, s3;
	s5 =	sadd.s32 $0x2A00, s0;
	s19 =	smul.u32 $0x4F000, s14  }
0x8: {  	s7 =	smul.u32 $0x13C000, s3;
	_ =	strace $0x8000004A;
	s6 =	sshll.u32 s3, $0x4  }
0x9: {  	s11 =	ssub.s32 $0x2, s3;
	s3 =	smul.u32 $0x27800, s3;
	s10 =	sor.u32 s14, s6  }
0xa: {  	s6 =	sadd.s32 $0xC800, s0;
	s17 =	sadd.s32 s9, s0;
	s18 =	sshrl.u32 s11, $0x1  }
0xb: {  	s7 =	sadd.s32 s8, s7;
	s16 =	smul.u32 $0x2780, s10;
	s3 =	sadd.s32 s9, s3  }
0xc: {  	s10 =	simm.s32 $0x1BF80;
	s7 =	sshrl.u32 s7, $0x3;
	s9 =	sadd.s32 $0x280, s3  }
0xd: {  	s0 =	sadd.s32 s7, s0;
	s12 =	sshrl.u32 s16, $0x3;
	s7 =	ssub.s32 s11, s18  }
0xe: {  	s22 =	smin.u32 s16, $0x4C800;
	s8 =	smin.u32 s16, $0x4C780;
	s16 =	sshrl.u32 s19, $0x2  }
0xf: {  	s18 =	sshrl.u32 s9, $0x3;
	s9 =	simm.s32 $0x1;
	s15 =	sadd.s32 s1, s12  }
0x10: {  	s11 =	simm.s32 $0x13D80;
	s20 =	sadd.s32 s5, s12;
	[dreg:$0xa] =	wrdreg s15  }
0x11: {  	s13 =	sadd.s32 $0x10, s12;
	s7 =	smax.u32 s7, $0x1;
	[dreg:$0xb] =	wrdreg s20  }
0x12: {  	s12 =	sadd.s32 $0x20, s12;
	s19 =	sadd.s32 s18, s5;
	[dreg:$0x14] =	wrdreg s7  }
0x13: {  	s8 =	sshrl.u32 s8, $0x3;
	s0 =	sadd.s32 $0x5B800, s0;
	[dreg:$0x6] =	wrdreg s19  }
0x14: {  	s21 =	sadd.s32 s1, s13;
	s13 =	sadd.s32 s5, s13;
	[dreg:$0x18] =	wrdreg s0  }
0x15: {  	s23 =	sadd.s32 s1, s12;
	s12 =	sadd.s32 s5, s12;
	[dreg:$0xc] =	wrdreg s21  }
0x16: {  	s8 =	sadd.s32 $0x500, s8;
	s15 =	sadd.s32 $0x34000, s17;
	[dreg:$0xd] =	wrdreg s13  }
0x17: {  	s20 =	sadd.s32 $0x180, s3;
	s0 =	simm.s32 $0x1BF00;
	[dreg:$0xe] =	wrdreg s23  }
0x18: {  	s13 =	sshrl.u32 s22, $0x3;
	[dreg:$0xf] =	wrdreg s12;
	s26 =	sadd.s32 s1, s8  }
0x19: {  	s8 =	sadd.s32 s5, s8;
	[dreg:$0x15] =	wrdreg s15;
	s21 =	sadd.s32 s18, s1  }
0x1a: {  	s22 =	sshrl.u32 s20, $0x3;
	s23 =	sshll.u32 s14, $0x6;
	s20 =	simm.s32 $0x9  }
0x1b: {  	s12 =	simm.s32 $0x5;
	s14 =	simm.s32 $0x2;
	[dreg:$0x12] =	wrdreg s26  }
0x1c: {  	s15 =	simm.s32 $0x6;
	s13 =	sadd.s32 $0x4F0, s13;
	[dreg:$0x13] =	wrdreg s8  }
0x1d: {  	s8 =	sadd.s32 s16, s2;
	[dreg:$0x7] =	wrdreg s21;
	s19 =	sor.u32 $0x1C09, s23  }
0x1e: {  	s26 =	sadd.s32 $0x200, s3;
	s16 =	simm.s32 $0x8;
	[dreg:$0x16] =	wrdreg s8  }
0x1f: {  	s24 =	sadd.s32 s1, s13;
	s25 =	sadd.s32 s5, s13;
	[dreg:$0x19] =	wrdreg s26  }
0x20: {  	s13 =	sadd.s32 $0x300, s3;
	s26 =	simm.s32 $0x3;
	[dreg:$0x17] =	wrdreg s19  }
0x21: {  	s3 =	simm.s32 $0x13D00;
	s8 =	simm.s32 $0x17E00;
	[dreg:$0x10] =	wrdreg s24  }
0x22: {  	[dreg:$0x11] =	wrdreg s25;
	s7 =	sshrl.u32 s13, $0x3;
	s24 =	sadd.s32 s22, s5  }
0x23: {  	s25 =	sadd.s32 s22, s1;
	s13 =	simm.s32 $0x7;
	[dreg:$0x8] =	wrdreg s24  }
0x24: {  	s17 =	sadd.s32 s7, s5;
	s7 =	sadd.s32 s7, s1;
	[dreg:$0x9] =	wrdreg s25  }
0x25: {  	s24 =	simm.s32 $0x1BE00;
	s25 =	simm.s32 $0x13C00;
	[dreg:$0x4] =	wrdreg s17  }
0x26: {  	[dreg:$0x5] =	wrdreg s7;
	s7 =	simm.s32 $0x4;
	s17 =	simm.s32 $0x0  }
.LBB2_1:
0x27: {  	s18 =	rddreg [dreg:$0x16]  }
0x28: {  	s23 =	rddreg [dreg:$0x15];
	s21 =	sshrl.u32 s18, $0x3  }
0x29: {  	[dreg:$0x1a] =	wrdreg s21  }
0x2a: {  	[spmem:s21], [sflag:s19] =	dma.local [hbm:s23], $0x2780  }
0x2b: {  	_ =	swait.ge [sflag:s20], $0x2780  }
0x2c: {  	[sflag:s20] =	ssyncset.done $0x0  }
0x2d: {  	[sflag:s20] =	ssyncadd.s32 $0xFFFFD880  }
0x2e: {  	[bflag:$0x0] =	sbarrier.arrive $0xFFFF  }
0x2f: {  	s19 =	rddreg [dreg:$0xa]  }
0x30: {  	[tilespmem:s24], [sflag:$0x3] =	stream.linear.gather [hbm4b:s19+s4], $0x80, $0x38;
	[tilespmem:$0x1C000] =	vst v63  }
0x31: {  	s20 =	rddreg [dreg:$0xb]  }
0x32: {  	[tilespmem:s25], [sflag:$0x3] =	stream.linear.gather [hbm4b:s20+s4], $0x80, $0x38;
	[tilespmem:$0x1C000] =	vst v63  }
0x33: {  	_ =	swait.ge [sflag:s26], $0x80  }
0x34: {  	[sflag:s26] =	ssyncset.done $0x0  }
0x35: {  	[sflag:s26] =	ssyncadd.s32 $0xFFFFFF80  }
0x36: {  	_ =	swait.ge [sflag:s26], $0x80  }
0x37: {  	[sflag:s26] =	ssyncset.done $0x0  }
0x38: {  	[sflag:s26] =	ssyncadd.s32 $0xFFFFFF80  }
0x39: {  	[tilespmem:s29], [sflag:$0x1] =	stream.indirect.gather [hbm4b:s6+s28], $0x80, s24, s28, $0xb8;
	[tilespmem:$0x1C000] =	vst v63  }
0x3a: {  	s21 =	rddreg [dreg:$0xc]  }
0x3b: {  	[tilespmem:s30], [sflag:$0x4] =	stream.linear.gather [hbm4b:s21+s4], $0x80, $0x38;
	[tilespmem:$0x1C000] =	vst v63  }
0x3c: {  	s22 =	rddreg [dreg:$0xd]  }
0x3d: {  	[tilespmem:s31], [sflag:$0x4] =	stream.linear.gather [hbm4b:s22+s4], $0x80, $0x38;
	[tilespmem:$0x1C000] =	vst v63  }
0x3e: {  	s23 =	rddreg [dreg:$0xe]  }
0x3f: {  	[tilespmem:s0], [sflag:$0x5] =	stream.linear.gather [hbm4b:s23+s4], $0x80, $0x38;
	[tilespmem:$0x1C000] =	vst v63  }
0x40: {  	s19 =	rddreg [dreg:$0xf]  }
0x41: {  	[tilespmem:s3], [sflag:$0x5] =	stream.linear.gather [hbm4b:s19+s4], $0x80, $0x38;
	[tilespmem:$0x1C000] =	vst v63  }
0x42: {  	_ =	swait.ge [sflag:s7], $0x80  }
0x43: {  	[sflag:s7] =	ssyncset.done $0x0  }
0x44: {  	[sflag:s7] =	ssyncadd.s32 $0xFFFFFF80  }
0x45: {  	_ =	swait.ge [sflag:s7], $0x80  }
0x46: {  	[sflag:s7] =	ssyncset.done $0x0  }
0x47: {  	[sflag:s7] =	ssyncadd.s32 $0xFFFFFF80  }
0x48: {  	[tilespmem:s8], [sflag:$0x2] =	stream.indirect.gather [hbm4b:s6+s28], $0x80, s30, s28, $0xb8;
	[tilespmem:$0x1C000] =	vst v63  }
0x49: {  	_ =	swait.ge [sflag:s9], $0x4000  }
0x4a: {  	[sflag:s9] =	ssyncset.done $0x0  }
0x4b: {  	s20 =	rddreg [dreg:$0x9];
	[sflag:s9] =	ssyncadd.s32 $0xFFFFC000  }
0x4c: {  	[spmem:s2] =	stream.indirect.scatter.add.f32 [tilespmem:s29], [sflag:$0x7], $0x80, s25, s28, $0xb8;
	[tilespmem:$0x1C000] =	vst v63  }
0x4d: {  	s21 =	rddreg [dreg:$0x8];
	s18 =	sadd.s32 $0x0, s20  }
0x4e: {  	[tilespmem:s10], [sflag:$0x6] =	stream.linear.gather [hbm4b:s18+s4], $0x80, $0x38;
	[tilespmem:$0x1C000] =	vst v63  }
0x4f: {  	s22 =	sadd.s32 $0x0, s21  }
0x50: {  	[tilespmem:s11], [sflag:$0x6] =	stream.linear.gather [hbm4b:s22+s4], $0x80, $0x38;
	[tilespmem:$0x1C000] =	vst v63  }
0x51: {  	_ =	swait.ge [sflag:s12], $0x80  }
0x52: {  	[sflag:s12] =	ssyncset.done $0x0  }
0x53: {  	[sflag:s12] =	ssyncadd.s32 $0xFFFFFF80  }
0x54: {  	_ =	swait.ge [sflag:s12], $0x80  }
0x55: {  	[sflag:s12] =	ssyncset.done $0x0  }
0x56: {  	[sflag:s12] =	ssyncadd.s32 $0xFFFFFF80  }
0x57: {  	_ =	swait.ge [sflag:s13], $0x4000  }
0x58: {  	[sflag:s13] =	ssyncset.done $0x0  }
0x59: {  	[sflag:s13] =	ssyncadd.s32 $0xFFFFC000  }
0x5a: {  	[tilespmem:s29], [sflag:$0x1] =	stream.indirect.gather [hbm4b:s6+s28], $0x80, s0, s28, $0xb8;
	[tilespmem:$0x1C000] =	vst v63  }
0x5b: {  	_ =	swait.ge [sflag:s14], $0x4000  }
0x5c: {  	[sflag:s14] =	ssyncset.done $0x0;
	s21 =	rddreg [dreg:$0x19]  }
0x5d: {  	[sflag:s14] =	ssyncadd.s32 $0xFFFFC000;
	s23 =	sshrl.u32 s21, $0x3  }
0x5e: {  	[spmem:s2] =	stream.indirect.scatter.add.f32 [tilespmem:s8], [sflag:$0x8], $0x80, s31, s28, $0xb8;
	[tilespmem:$0x1C000] =	vst v63  }
0x5f: {  	s20 =	sadd.s32 s1, s23  }
0x60: {  	[tilespmem:s24], [sflag:$0x3] =	stream.linear.gather [hbm4b:s20+s4], $0x80, $0x38;
	[tilespmem:$0x1C000] =	vst v63  }
0x61: {  	s18 =	sadd.s32 s5, s23  }
0x62: {  	[tilespmem:s25], [sflag:$0x3] =	stream.linear.gather [hbm4b:s18+s4], $0x80, $0x38;
	[tilespmem:$0x1C000] =	vst v63  }
0x63: {  	_ =	swait.ge [sflag:s15], $0x80  }
0x64: {  	[sflag:s15] =	ssyncset.done $0x0  }
0x65: {  	[sflag:s15] =	ssyncadd.s32 $0xFFFFFF80  }
0x66: {  	_ =	swait.ge [sflag:s15], $0x80  }
0x67: {  	[sflag:s15] =	ssyncset.done $0x0  }
0x68: {  	[sflag:s15] =	ssyncadd.s32 $0xFFFFFF80  }
0x69: {  	_ =	swait.ge [sflag:s16], $0x4000  }
0x6a: {  	[sflag:s16] =	ssyncset.done $0x0  }
0x6b: {  	[sflag:s16] =	ssyncadd.s32 $0xFFFFC000  }
0x6c: {  	[tilespmem:s8], [sflag:$0x2] =	stream.indirect.gather [hbm4b:s6+s28], $0x80, s10, s28, $0xb8;
	[tilespmem:$0x1C000] =	vst v63  }
0x6d: {  	_ =	swait.ge [sflag:s9], $0x4000  }
0x6e: {  	[sflag:s9] =	ssyncset.done $0x0  }
0x6f: {  	s22 =	rddreg [dreg:$0x7];
	[sflag:s9] =	ssyncadd.s32 $0xFFFFC000  }
0x70: {  	[spmem:s2] =	stream.indirect.scatter.add.f32 [tilespmem:s29], [sflag:$0x7], $0x80, s3, s28, $0xb8;
	[tilespmem:$0x1C000] =	vst v63  }
0x71: {  	s23 =	rddreg [dreg:$0x6];
	s18 =	sadd.s32 $0x0, s22  }
0x72: {  	[tilespmem:s30], [sflag:$0x4] =	stream.linear.gather [hbm4b:s18+s4], $0x80, $0x38;
	[tilespmem:$0x1C000] =	vst v63  }
0x73: {  	s19 =	sadd.s32 $0x0, s23  }
0x74: {  	[tilespmem:s31], [sflag:$0x4] =	stream.linear.gather [hbm4b:s19+s4], $0x80, $0x38;
	[tilespmem:$0x1C000] =	vst v63  }
0x75: {  	_ =	swait.ge [sflag:s26], $0x80  }
0x76: {  	[sflag:s26] =	ssyncset.done $0x0  }
0x77: {  	[sflag:s26] =	ssyncadd.s32 $0xFFFFFF80  }
0x78: {  	_ =	swait.ge [sflag:s26], $0x80  }
0x79: {  	[sflag:s26] =	ssyncset.done $0x0  }
0x7a: {  	[sflag:s26] =	ssyncadd.s32 $0xFFFFFF80  }
0x7b: {  	_ =	swait.ge [sflag:s13], $0x4000  }
0x7c: {  	[sflag:s13] =	ssyncset.done $0x0  }
0x7d: {  	[sflag:s13] =	ssyncadd.s32 $0xFFFFC000  }
0x7e: {  	[tilespmem:s29], [sflag:$0x1] =	stream.indirect.gather [hbm4b:s6+s28], $0x80, s24, s28, $0xb8;
	[tilespmem:$0x1C000] =	vst v63  }
0x7f: {  	_ =	swait.ge [sflag:s14], $0x4000  }
0x80: {  	[sflag:s14] =	ssyncset.done $0x0  }
0x81: {  	s20 =	rddreg [dreg:$0x5];
	[sflag:s14] =	ssyncadd.s32 $0xFFFFC000  }
0x82: {  	[spmem:s2] =	stream.indirect.scatter.add.f32 [tilespmem:s8], [sflag:$0x8], $0x80, s11, s28, $0xb8;
	[tilespmem:$0x1C000] =	vst v63  }
0x83: {  	s22 =	rddreg [dreg:$0x4];
	s18 =	sadd.s32 $0x0, s20  }
0x84: {  	[tilespmem:s0], [sflag:$0x5] =	stream.linear.gather [hbm4b:s18+s4], $0x80, $0x38;
	[tilespmem:$0x1C000] =	vst v63  }
0x85: {  	s23 =	sadd.s32 $0x0, s22  }
0x86: {  	[tilespmem:s3], [sflag:$0x5] =	stream.linear.gather [hbm4b:s23+s4], $0x80, $0x38;
	[tilespmem:$0x1C000] =	vst v63  }
0x87: {  	_ =	swait.ge [sflag:s7], $0x80  }
0x88: {  	[sflag:s7] =	ssyncset.done $0x0  }
0x89: {  	[sflag:s7] =	ssyncadd.s32 $0xFFFFFF80  }
0x8a: {  	_ =	swait.ge [sflag:s7], $0x80  }
0x8b: {  	[sflag:s7] =	ssyncset.done $0x0  }
0x8c: {  	[sflag:s7] =	ssyncadd.s32 $0xFFFFFF80  }
0x8d: {  	_ =	swait.ge [sflag:s16], $0x4000  }
0x8e: {  	[sflag:s16] =	ssyncset.done $0x0  }
0x8f: {  	[sflag:s16] =	ssyncadd.s32 $0xFFFFC000  }
0x90: {  	[tilespmem:s8], [sflag:$0x2] =	stream.indirect.gather [hbm4b:s6+s28], $0x80, s30, s28, $0xb8;
	[tilespmem:$0x1C000] =	vst v63  }
0x91: {  	s21 =	sadd.s32 $0x200, s21;
	_ =	swait.ge [sflag:s9], $0x4000  }
0x92: {  	s19 =	simm.s32 $0x40;
	s18 =	rddreg [dreg:$0x9];
	[sflag:s9] =	ssyncset.done $0x0  }
0x93: {  	s20 =	simm.s32 $0x80;
	s23 =	rddreg [dreg:$0x8];
	[sflag:s9] =	ssyncadd.s32 $0xFFFFC000  }
.LBB2_2:
0x94: {  	[spmem:s2] =	stream.indirect.scatter.add.f32 [tilespmem:s29], [sflag:$0x7], $0x80, s25, s28, $0xb8;
	[tilespmem:$0x1C000] =	vst v63  }
0x95: {  	s18 =	sadd.s32 s19, s18  }
0x96: {  	[tilespmem:s10], [sflag:$0x6] =	stream.linear.gather [hbm4b:s18+s4], $0x80, $0x38;
	[tilespmem:$0x1C000] =	vst v63  }
0x97: {  	s23 =	sadd.s32 s19, s23  }
0x98: {  	[tilespmem:s11], [sflag:$0x6] =	stream.linear.gather [hbm4b:s23+s4], $0x80, $0x38;
	[tilespmem:$0x1C000] =	vst v63  }
0x99: {  	_ =	swait.ge [sflag:s12], $0x80  }
0x9a: {  	[sflag:s12] =	ssyncset.done $0x0  }
0x9b: {  	[sflag:s12] =	ssyncadd.s32 $0xFFFFFF80  }
0x9c: {  	_ =	swait.ge [sflag:s12], $0x80  }
0x9d: {  	[sflag:s12] =	ssyncset.done $0x0  }
0x9e: {  	[sflag:s12] =	ssyncadd.s32 $0xFFFFFF80  }
0x9f: {  	_ =	swait.ge [sflag:s13], $0x4000  }
0xa0: {  	[sflag:s13] =	ssyncset.done $0x0  }
0xa1: {  	[sflag:s13] =	ssyncadd.s32 $0xFFFFC000  }
0xa2: {  	[tilespmem:s29], [sflag:$0x1] =	stream.indirect.gather [hbm4b:s6+s28], $0x80, s0, s28, $0xb8;
	[tilespmem:$0x1C000] =	vst v63  }
0xa3: {  	_ =	swait.ge [sflag:s14], $0x4000  }
0xa4: {  	[sflag:s14] =	ssyncset.done $0x0  }
0xa5: {  	s18 =	sshrl.u32 s21, $0x3;
	[sflag:s14] =	ssyncadd.s32 $0xFFFFC000  }
0xa6: {  	[spmem:s2] =	stream.indirect.scatter.add.f32 [tilespmem:s8], [sflag:$0x8], $0x80, s31, s28, $0xb8;
	[tilespmem:$0x1C000] =	vst v63  }
0xa7: {  	s23 =	sadd.s32 s1, s18  }
0xa8: {  	[tilespmem:s24], [sflag:$0x3] =	stream.linear.gather [hbm4b:s23+s4], $0x80, $0x38;
	[tilespmem:$0x1C000] =	vst v63  }
0xa9: {  	s18 =	sadd.s32 s5, s18  }
0xaa: {  	[tilespmem:s25], [sflag:$0x3] =	stream.linear.gather [hbm4b:s18+s4], $0x80, $0x38;
	[tilespmem:$0x1C000] =	vst v63  }
0xab: {  	_ =	swait.ge [sflag:s15], $0x80  }
0xac: {  	[sflag:s15] =	ssyncset.done $0x0  }
0xad: {  	[sflag:s15] =	ssyncadd.s32 $0xFFFFFF80  }
0xae: {  	_ =	swait.ge [sflag:s15], $0x80  }
0xaf: {  	[sflag:s15] =	ssyncset.done $0x0  }
0xb0: {  	[sflag:s15] =	ssyncadd.s32 $0xFFFFFF80  }
0xb1: {  	_ =	swait.ge [sflag:s16], $0x4000  }
0xb2: {  	[sflag:s16] =	ssyncset.done $0x0  }
0xb3: {  	[sflag:s16] =	ssyncadd.s32 $0xFFFFC000  }
0xb4: {  	[tilespmem:s8], [sflag:$0x2] =	stream.indirect.gather [hbm4b:s6+s28], $0x80, s10, s28, $0xb8;
	[tilespmem:$0x1C000] =	vst v63  }
0xb5: {  	_ =	swait.ge [sflag:s9], $0x4000  }
0xb6: {  	[sflag:s9] =	ssyncset.done $0x0  }
0xb7: {  	s18 =	rddreg [dreg:$0x7];
	[sflag:s9] =	ssyncadd.s32 $0xFFFFC000  }
0xb8: {  	[spmem:s2] =	stream.indirect.scatter.add.f32 [tilespmem:s29], [sflag:$0x7], $0x80, s3, s28, $0xb8;
	[tilespmem:$0x1C000] =	vst v63  }
0xb9: {  	s23 =	rddreg [dreg:$0x6];
	s18 =	sadd.s32 s19, s18  }
0xba: {  	[tilespmem:s30], [sflag:$0x4] =	stream.linear.gather [hbm4b:s18+s4], $0x80, $0x38;
	[tilespmem:$0x1C000] =	vst v63  }
0xbb: {  	s23 =	sadd.s32 s19, s23  }
0xbc: {  	[tilespmem:s31], [sflag:$0x4] =	stream.linear.gather [hbm4b:s23+s4], $0x80, $0x38;
	[tilespmem:$0x1C000] =	vst v63  }
0xbd: {  	_ =	swait.ge [sflag:s26], $0x80  }
0xbe: {  	[sflag:s26] =	ssyncset.done $0x0  }
0xbf: {  	[sflag:s26] =	ssyncadd.s32 $0xFFFFFF80  }
0xc0: {  	_ =	swait.ge [sflag:s26], $0x80  }
0xc1: {  	[sflag:s26] =	ssyncset.done $0x0  }
0xc2: {  	[sflag:s26] =	ssyncadd.s32 $0xFFFFFF80  }
0xc3: {  	_ =	swait.ge [sflag:s13], $0x4000  }
0xc4: {  	[sflag:s13] =	ssyncset.done $0x0  }
0xc5: {  	[sflag:s13] =	ssyncadd.s32 $0xFFFFC000  }
0xc6: {  	[tilespmem:s29], [sflag:$0x1] =	stream.indirect.gather [hbm4b:s6+s28], $0x80, s24, s28, $0xb8;
	[tilespmem:$0x1C000] =	vst v63  }
0xc7: {  	_ =	swait.ge [sflag:s14], $0x4000  }
0xc8: {  	[sflag:s14] =	ssyncset.done $0x0  }
0xc9: {  	s18 =	rddreg [dreg:$0x5];
	[sflag:s14] =	ssyncadd.s32 $0xFFFFC000  }
0xca: {  	[spmem:s2] =	stream.indirect.scatter.add.f32 [tilespmem:s8], [sflag:$0x8], $0x80, s11, s28, $0xb8;
	[tilespmem:$0x1C000] =	vst v63  }
0xcb: {  	s23 =	rddreg [dreg:$0x4];
	s18 =	sadd.s32 s19, s18  }
0xcc: {  	[tilespmem:s0], [sflag:$0x5] =	stream.linear.gather [hbm4b:s18+s4], $0x80, $0x38;
	[tilespmem:$0x1C000] =	vst v63  }
0xcd: {  	s23 =	sadd.s32 s19, s23  }
0xce: {  	[tilespmem:s3], [sflag:$0x5] =	stream.linear.gather [hbm4b:s23+s4], $0x80, $0x38;
	[tilespmem:$0x1C000] =	vst v63  }
0xcf: {  	_ =	swait.ge [sflag:s7], $0x80  }
0xd0: {  	[sflag:s7] =	ssyncset.done $0x0  }
0xd1: {  	[sflag:s7] =	ssyncadd.s32 $0xFFFFFF80  }
0xd2: {  	_ =	swait.ge [sflag:s7], $0x80  }
0xd3: {  	[sflag:s7] =	ssyncset.done $0x0  }
0xd4: {  	[sflag:s7] =	ssyncadd.s32 $0xFFFFFF80  }
0xd5: {  	_ =	swait.ge [sflag:s16], $0x4000  }
0xd6: {  	p0 =	sne.s32 s20, $0x480;
	[sflag:s16] =	ssyncset.done $0x0  }
.Ltmp0:
0xd7: {  	[sflag:s16] =	ssyncadd.s32 $0xFFFFC000;
	(pc) =	sbr.rel @p0 .LBB2_2-.Ltmp0, $4  }
0xd8: {  	[tilespmem:s8], [sflag:$0x2] =	stream.indirect.gather [hbm4b:s6+s28], $0x80, s30, s28, $0xb8;
	[tilespmem:$0x1C000] =	vst v63  }
0xd9: {  	s22 =	smov.u32 s20;
	s20 =	sadd.s32 $0x40, s20;
	_ =	swait.ge [sflag:s9], $0x4000  }
0xda: {  	s21 =	sadd.s32 $0x200, s21;
	s18 =	rddreg [dreg:$0x9];
	[sflag:s9] =	ssyncset.done $0x0  }
0xdb: {  	s19 =	smov.u32 s22;
	s23 =	rddreg [dreg:$0x8];
	[sflag:s9] =	ssyncadd.s32 $0xFFFFC000  }
0xdc: {  	[spmem:s2] =	stream.indirect.scatter.add.f32 [tilespmem:s29], [sflag:$0x7], $0x80, s25, s28, $0xb8;
	[tilespmem:$0x1C000] =	vst v63  }
0xdd: {  	s18 =	sadd.s32 s19, s18  }
0xde: {  	[tilespmem:s10], [sflag:$0x6] =	stream.linear.gather [hbm4b:s18+s4], $0x80, $0x38;
	[tilespmem:$0x1C000] =	vst v63  }
0xdf: {  	s20 =	sadd.s32 s19, s23  }
0xe0: {  	[tilespmem:s11], [sflag:$0x6] =	stream.linear.gather [hbm4b:s20+s4], $0x80, $0x38;
	[tilespmem:$0x1C000] =	vst v63  }
0xe1: {  	_ =	swait.ge [sflag:s12], $0x80  }
0xe2: {  	[sflag:s12] =	ssyncset.done $0x0  }
0xe3: {  	[sflag:s12] =	ssyncadd.s32 $0xFFFFFF80  }
0xe4: {  	_ =	swait.ge [sflag:s12], $0x80  }
0xe5: {  	[sflag:s12] =	ssyncset.done $0x0  }
0xe6: {  	[sflag:s12] =	ssyncadd.s32 $0xFFFFFF80  }
0xe7: {  	_ =	swait.ge [sflag:s13], $0x4000  }
0xe8: {  	[sflag:s13] =	ssyncset.done $0x0  }
0xe9: {  	[sflag:s13] =	ssyncadd.s32 $0xFFFFC000  }
0xea: {  	[tilespmem:s29], [sflag:$0x1] =	stream.indirect.gather [hbm4b:s6+s28], $0x80, s0, s28, $0xb8;
	[tilespmem:$0x1C000] =	vst v63  }
0xeb: {  	_ =	swait.ge [sflag:s14], $0x4000  }
0xec: {  	[sflag:s14] =	ssyncset.done $0x0  }
0xed: {  	s21 =	sshrl.u32 s21, $0x3;
	[sflag:s14] =	ssyncadd.s32 $0xFFFFC000  }
0xee: {  	[spmem:s2] =	stream.indirect.scatter.add.f32 [tilespmem:s8], [sflag:$0x8], $0x80, s31, s28, $0xb8;
	[tilespmem:$0x1C000] =	vst v63  }
0xef: {  	s20 =	sadd.s32 s1, s21  }
0xf0: {  	[tilespmem:s24], [sflag:$0x3] =	stream.linear.gather [hbm4b:s20+s4], $0x80, $0x38;
	[tilespmem:$0x1C000] =	vst v63  }
0xf1: {  	s18 =	sadd.s32 s5, s21  }
0xf2: {  	[tilespmem:s25], [sflag:$0x3] =	stream.linear.gather [hbm4b:s18+s4], $0x80, $0x38;
	[tilespmem:$0x1C000] =	vst v63  }
0xf3: {  	_ =	swait.ge [sflag:s15], $0x80  }
0xf4: {  	[sflag:s15] =	ssyncset.done $0x0  }
0xf5: {  	[sflag:s15] =	ssyncadd.s32 $0xFFFFFF80  }
0xf6: {  	_ =	swait.ge [sflag:s15], $0x80  }
0xf7: {  	[sflag:s15] =	ssyncset.done $0x0  }
0xf8: {  	[sflag:s15] =	ssyncadd.s32 $0xFFFFFF80  }
0xf9: {  	_ =	swait.ge [sflag:s16], $0x4000  }
0xfa: {  	[sflag:s16] =	ssyncset.done $0x0  }
0xfb: {  	[sflag:s16] =	ssyncadd.s32 $0xFFFFC000  }
0xfc: {  	[tilespmem:s8], [sflag:$0x2] =	stream.indirect.gather [hbm4b:s6+s28], $0x80, s10, s28, $0xb8;
	[tilespmem:$0x1C000] =	vst v63  }
0xfd: {  	_ =	swait.ge [sflag:s9], $0x4000  }
0xfe: {  	[sflag:s9] =	ssyncset.done $0x0  }
0xff: {  	s22 =	rddreg [dreg:$0x7];
	[sflag:s9] =	ssyncadd.s32 $0xFFFFC000  }
0x100: {  	[spmem:s2] =	stream.indirect.scatter.add.f32 [tilespmem:s29], [sflag:$0x7], $0x80, s3, s28, $0xb8;
	[tilespmem:$0x1C000] =	vst v63  }
0x101: {  	s23 =	rddreg [dreg:$0x6];
	s18 =	sadd.s32 s19, s22  }
0x102: {  	[tilespmem:s30], [sflag:$0x4] =	stream.linear.gather [hbm4b:s18+s4], $0x80, $0x38;
	[tilespmem:$0x1C000] =	vst v63  }
0x103: {  	s21 =	sadd.s32 s19, s23  }
0x104: {  	[tilespmem:s31], [sflag:$0x4] =	stream.linear.gather [hbm4b:s21+s4], $0x80, $0x38;
	[tilespmem:$0x1C000] =	vst v63  }
0x105: {  	_ =	swait.ge [sflag:s26], $0x80  }
0x106: {  	[sflag:s26] =	ssyncset.done $0x0  }
0x107: {  	[sflag:s26] =	ssyncadd.s32 $0xFFFFFF80  }
0x108: {  	_ =	swait.ge [sflag:s26], $0x80  }
0x109: {  	[sflag:s26] =	ssyncset.done $0x0  }
0x10a: {  	[sflag:s26] =	ssyncadd.s32 $0xFFFFFF80  }
0x10b: {  	_ =	swait.ge [sflag:s13], $0x4000  }
0x10c: {  	[sflag:s13] =	ssyncset.done $0x0  }
0x10d: {  	[sflag:s13] =	ssyncadd.s32 $0xFFFFC000  }
0x10e: {  	[tilespmem:s29], [sflag:$0x1] =	stream.indirect.gather [hbm4b:s6+s28], $0x80, s24, s28, $0xb8;
	[tilespmem:$0x1C000] =	vst v63  }
0x10f: {  	_ =	swait.ge [sflag:s14], $0x4000  }
0x110: {  	[sflag:s14] =	ssyncset.done $0x0  }
0x111: {  	s22 =	rddreg [dreg:$0x5];
	[sflag:s14] =	ssyncadd.s32 $0xFFFFC000  }
0x112: {  	[spmem:s2] =	stream.indirect.scatter.add.f32 [tilespmem:s8], [sflag:$0x8], $0x80, s11, s28, $0xb8;
	[tilespmem:$0x1C000] =	vst v63  }
0x113: {  	s23 =	rddreg [dreg:$0x4];
	s18 =	sadd.s32 s19, s22  }
0x114: {  	[tilespmem:s0], [sflag:$0x5] =	stream.linear.gather [hbm4b:s18+s4], $0x80, $0x38;
	[tilespmem:$0x1C000] =	vst v63  }
0x115: {  	s21 =	sadd.s32 s19, s23  }
0x116: {  	[tilespmem:s3], [sflag:$0x5] =	stream.linear.gather [hbm4b:s21+s4], $0x80, $0x38;
	[tilespmem:$0x1C000] =	vst v63  }
0x117: {  	_ =	swait.ge [sflag:s7], $0x80  }
0x118: {  	[sflag:s7] =	ssyncset.done $0x0  }
0x119: {  	[sflag:s7] =	ssyncadd.s32 $0xFFFFFF80  }
0x11a: {  	_ =	swait.ge [sflag:s7], $0x80  }
0x11b: {  	[sflag:s7] =	ssyncset.done $0x0  }
0x11c: {  	[sflag:s7] =	ssyncadd.s32 $0xFFFFFF80  }
0x11d: {  	_ =	swait.ge [sflag:s16], $0x4000  }
0x11e: {  	[sflag:s16] =	ssyncset.done $0x0  }
0x11f: {  	[sflag:s16] =	ssyncadd.s32 $0xFFFFC000  }
0x120: {  	[tilespmem:s8], [sflag:$0x2] =	stream.indirect.gather [hbm4b:s6+s28], $0x80, s30, s28, $0xb8;
	[tilespmem:$0x1C000] =	vst v63  }
0x121: {  	_ =	swait.ge [sflag:s9], $0x4000  }
0x122: {  	[sflag:s9] =	ssyncset.done $0x0  }
0x123: {  	[sflag:s9] =	ssyncadd.s32 $0xFFFFC000  }
0x124: {  	[spmem:s2] =	stream.indirect.scatter.add.f32 [tilespmem:s29], [sflag:$0x7], $0x80, s25, s28, $0xb8;
	[tilespmem:$0x1C000] =	vst v63  }
0x125: {  	s22 =	rddreg [dreg:$0x10]  }
0x126: {  	[tilespmem:s10], [sflag:$0x6] =	stream.linear.gather [hbm4b:s22+s4], $0x80, $0x38;
	[tilespmem:$0x1C000] =	vst v63  }
0x127: {  	s23 =	rddreg [dreg:$0x11]  }
0x128: {  	[tilespmem:s11], [sflag:$0x6] =	stream.linear.gather [hbm4b:s23+s4], $0x80, $0x38;
	[tilespmem:$0x1C000] =	vst v63  }
0x129: {  	_ =	swait.ge [sflag:s12], $0x80  }
0x12a: {  	[sflag:s12] =	ssyncset.done $0x0  }
0x12b: {  	[sflag:s12] =	ssyncadd.s32 $0xFFFFFF80  }
0x12c: {  	_ =	swait.ge [sflag:s12], $0x80  }
0x12d: {  	[sflag:s12] =	ssyncset.done $0x0  }
0x12e: {  	[sflag:s12] =	ssyncadd.s32 $0xFFFFFF80  }
0x12f: {  	_ =	swait.ge [sflag:s13], $0x4000  }
0x130: {  	[sflag:s13] =	ssyncset.done $0x0  }
0x131: {  	[sflag:s13] =	ssyncadd.s32 $0xFFFFC000  }
0x132: {  	[tilespmem:s29], [sflag:$0x1] =	stream.indirect.gather [hbm4b:s6+s28], $0x80, s0, s28, $0xb8;
	[tilespmem:$0x1C000] =	vst v63  }
0x133: {  	_ =	swait.ge [sflag:s14], $0x4000  }
0x134: {  	[sflag:s14] =	ssyncset.done $0x0  }
0x135: {  	[sflag:s14] =	ssyncadd.s32 $0xFFFFC000  }
0x136: {  	[spmem:s2] =	stream.indirect.scatter.add.f32 [tilespmem:s8], [sflag:$0x8], $0x80, s31, s28, $0xb8;
	[tilespmem:$0x1C000] =	vst v63  }
0x137: {  	s19 =	rddreg [dreg:$0x12]  }
0x138: {  	[tilespmem:s24], [sflag:$0x3] =	stream.linear.gather [hbm4b:s19+s4], $0x80, $0x38;
	[tilespmem:$0x1C000] =	vst v63  }
0x139: {  	s20 =	rddreg [dreg:$0x13]  }
0x13a: {  	[tilespmem:s25], [sflag:$0x3] =	stream.linear.gather [hbm4b:s20+s4], $0x80, $0x38;
	[tilespmem:$0x1C000] =	vst v63  }
0x13b: {  	_ =	swait.ge [sflag:s15], $0x80  }
0x13c: {  	[sflag:s15] =	ssyncset.done $0x0  }
0x13d: {  	[sflag:s15] =	ssyncadd.s32 $0xFFFFFF80  }
0x13e: {  	_ =	swait.ge [sflag:s15], $0x80  }
0x13f: {  	[sflag:s15] =	ssyncset.done $0x0  }
0x140: {  	[sflag:s15] =	ssyncadd.s32 $0xFFFFFF80  }
0x141: {  	_ =	swait.ge [sflag:s16], $0x4000  }
0x142: {  	[sflag:s16] =	ssyncset.done $0x0  }
0x143: {  	[sflag:s16] =	ssyncadd.s32 $0xFFFFC000  }
0x144: {  	[tilespmem:s8], [sflag:$0x2] =	stream.indirect.gather [hbm4b:s6+s28], $0x80, s10, s28, $0xb8;
	[tilespmem:$0x1C000] =	vst v63  }
0x145: {  	_ =	swait.ge [sflag:s9], $0x4000  }
0x146: {  	[sflag:s9] =	ssyncset.done $0x0  }
0x147: {  	[sflag:s9] =	ssyncadd.s32 $0xFFFFC000  }
0x148: {  	[spmem:s2] =	stream.indirect.scatter.add.f32 [tilespmem:s29], [sflag:$0x7], $0x80, s3, s28, $0xb8;
	[tilespmem:$0x1C000] =	vst v63  }
0x149: {  	_ =	swait.ge [sflag:s13], $0x4000  }
0x14a: {  	[sflag:s13] =	ssyncset.done $0x0  }
0x14b: {  	[sflag:s13] =	ssyncadd.s32 $0xFFFFC000  }
0x14c: {  	_ =	swait.ge [sflag:s14], $0x4000  }
0x14d: {  	[sflag:s14] =	ssyncset.done $0x0  }
0x14e: {  	[sflag:s14] =	ssyncadd.s32 $0xFFFFC000  }
0x14f: {  	_ =	swait.ge [sflag:s26], $0x80  }
0x150: {  	[sflag:s26] =	ssyncset.done $0x0  }
0x151: {  	[sflag:s26] =	ssyncadd.s32 $0xFFFFFF80  }
0x152: {  	_ =	swait.ge [sflag:s26], $0x80  }
0x153: {  	[sflag:s26] =	ssyncset.done $0x0  }
0x154: {  	[sflag:s26] =	ssyncadd.s32 $0xFFFFFF80  }
0x155: {  	[bflag:$0x0] =	sbarrier.arrive $0xFFFF  }
0x156: {  	s19 =	rddreg [dreg:$0x17]  }
0x157: {  	s21 =	rddreg [dreg:$0x18]  }
0x158: {  	s20 =	simm.s32 $0x9;
	s22 =	rddreg [dreg:$0x1a]  }
0x159: {  	[hbm:s21], [sflag:s19] =	dma.local [spmem:s22], $0x2780  }
0x15a: {  	_ =	swait.ge [sflag:s20], $0x2780  }
0x15b: {  	s17 =	sadd.s32 $0x1, s17;
	s23 =	rddreg [dreg:$0x14]  }
0x15c: {  	p0 =	sne.s32 s17, s23  }
.Ltmp1:
0x15d: {  	_ = 	snop;
	(pc) =	sbr.rel @p0 .LBB2_1-.Ltmp1, $3  }
0x15e: {  	_ =	sdelay $0x1  }
0x15f: {  	[sflag:s20] =	ssyncset.done $0x0  }
0x160: {  	[sflag:s20] =	ssyncadd.s32 $0xFFFFD880  }
0x161: {  	_ =	sfence.sel $0x180000  }
0x162: {  	[bflag:$0x0] =	sbarrier.arrive $0xFFFF  }
0x163: {  	_ =	strace $0x9000004A  }
0x164: {  	s0 =	stileid.u32;
	[bflag:$0x2] =	sbarrier.arrive $0xFFFF  }
0x165: {  	p0 =	sne.s32 s0, $0x0;
	s0 =	rddreg [dreg:$0x3]  }
0x166: {  	s0 =	sadd.s32 @!p0 $0x100000, s0  }
0x167: {  	[sflag:s0] =	ssyncadd.tile.s32 @!p0 $0x1;
	_ =	shalt  }
.Lfunc_end2:
_tile_overlayer_lowered:
.L_overlay_start_2:
0x168: {  	(tag) =	ssettag $0x2  }
0x169: {  	s0 =	rddreg [dreg:$0x0];
	s2 =	stileid.u32  }
0x16a: {  	s1 =	rddreg [dreg:$0x1];
	p0 =	sne.s32 s2, $0x0  }
0x16b: {  	s3 =	rddreg [dreg:$0x2];
	[bflag:$0x3] =	sbarrier.arrive $0xFFFF;
	s2 =	simm.s32 @!p0 $0x1C09  }
0x16c: {  	[timem:s3], [sflag:s2] =	dma.local @!p0 [hbm:s0], s1  }
0x16d: {  	s0 =	simm.s32 @!p0 $0x9  }
0x16e: {  	_ =	swait.ge @!p0 [sflag:s0], s1  }
0x16f: {  	s1 =	ssub.s32 @!p0 $0x0, s1;
	[sflag:s0] =	ssyncset.done @!p0 $0x0  }
0x170: {  	[sflag:s0] =	ssyncadd.s32 @!p0 s1  }
0x171: {  	[bflag:$0x3] =	sbarrier.arrive $0xFFFF  }
0x172: {  	_ =	shalt  }

// kernel: seg_sum_cnt.3.cloned.1.call-start
scs
__scs_entry_jumppad:
0x0: {  	(pc) =	sbr.rel $0x88, $3  }
0x1: {  	(tag) =	ssettag $0x0;
	lr =	simm.s32 $0x1  }
0x2: {  	[smem:$0x3F99] =	sst lr;
	_ =	strace $0xD0000000  }
0x3: {  	_ = 	snop  }
0x4: {  	_ = 	snop  }
0x5: {  	_ = 	snop  }
0x6: {  	_ = 	snop  }
0x7: {  	_ = 	snop  }
__scs_overlays_trampoline_lowered:
0x8: {  	[smem:$0x3FA8] =	sst s0  }
0x9: {  	[smem:$0x3FA9] =	sst s1  }
0xa: {  	[smem:$0x3FAA] =	sst s2  }
0xb: {  	[smem:$0x3FAB] =	sst s3  }
0xc: {  	[smem:$0x3FAC] =	sst s4  }
0xd: {  	[smem:$0x3FAD] =	sst s5  }
0xe: {  	[smem:$0x3FAE] =	sst s6  }
0xf: {  	[smem:$0x3FAF] =	sst s7  }
0x10: {  	[smem:$0x3FB0] =	sst s8  }
0x11: {  	[smem:$0x3FB1] =	sst s9;
	s0 =	simm.s32 @!p0 $0x0  }
0x12: {  	s1 =	sld [smem:$0x3F97];
	s0 =	simm.s32 @p0 $0x1  }
0x13: {  	[smem:$0x3FB2] =	sst s0;
	s0 =	simm.s32 @!p1 $0x0  }
0x14: {  	s2 =	sld [smem:$0x3F96];
	s0 =	simm.s32 @p1 $0x1  }
0x15: {  	[smem:$0x3FB3] =	sst s0;
	s0 =	simm.s32 @!p2 $0x0  }
0x16: {  	s3 =	sld [smem:$0x3FDB];
	s0 =	simm.s32 @p2 $0x1  }
0x17: {  	s4 =	simm.s32 $0x1BF5;
	[smem:$0x3FB5] =	sst s0  }
0x18: {  	s0 =	sld [smem:$0x3F98];
	_ =	swait.ge [sflag:s4], $0x0  }
0x19: {  	s7 =	sld [smem:$0x3F99]  }
0x1a: {  	s8 =	sadd.s32 $0xFFFFE003, lr  }
0x1b: {  	s9 =	sadd.s32 $0xFFFFFEF7, lr;
	s5 =	simm.s32 $0xFFFFFFFF;
	p2 =	slt.u32 s8, $0xFFFFF086  }
0x1c: {  	p1 =	slt.u32 s9, $0xF7A;
	s5 =	simm.s32 @!p2 $0x0  }
0x1d: {  	s5 =	simm.s32 @p1 $0x1;
	p0 =	seq.s32 s7, s2  }
0x1e: {  	s7 =	smul.u32 @!p0 $0xF7A, s2;
	p2 =	seq.s32 @!p0 s5, $0x0  }
0x1f: {  	s9 =	smul.u32 $0xF7A, s1;
	s8 =	simm.s32 @!p0 $0x1BF5;
	p2 =	por !p2, p0  }
0x20: {  	[sflag:s8] =	ssyncset.s32 @!p0 $0xFFFFF086;
	s6 =	sadd.s32 @!p0 s3, s7;
	s7 =	simm.s32 @!p0 $0x108  }
0x21: {  	s3 =	sadd.s32 s3, s9;
	s6 =	sadd.s32 @!p0 $0x88, s6;
	s7 =	simm.s32 @p2 $0x1082  }
0x22: {  	[simem:s7], [sflag:s8] =	dma.local @!p0 [hbm:s6], $0xF7A  }
0x23: {  	s9 =	sor.u32 $0xD0000000, s2;
	s6 =	simm.s32 $0x108;
	_ =	swait.ge @!p0 [sflag:s8], $0x0  }
0x24: {  	s3 =	sadd.s32 $0x88, s3;
	s6 =	simm.s32 @!p1 $0x1082;
	[sflag:s4] =	ssyncset.s32 $0xFFFFF086  }
0x25: {  	[simem:s6], [sflag:s4] =	dma.local [hbm:s3], $0xF7A  }
0x26: {  	[smem:$0x3F99] =	sst s1;
	(tag) =	ssettag s2;
	_ =	strace s9  }
0x27: {  	s1 =	sld [smem:$0x3FA9]  }
0x28: {  	s2 =	sld [smem:$0x3FAA]  }
0x29: {  	s4 =	sld [smem:$0x3FAC]  }
0x2a: {  	p0 =	seq.s32 s5, $0x0;
	s5 =	sld [smem:$0x3FAD]  }
0x2b: {  	s6 =	sld [smem:$0x3FAE]  }
0x2c: {  	s7 =	sld [smem:$0x3FAF]  }
0x2d: {  	s3 =	simm.s32 $0x108;
	s8 =	sld [smem:$0x3FB0]  }
0x2e: {  	s3 =	simm.s32 @!p0 $0x1082;
	s9 =	sld [smem:$0x3FB1]  }
0x2f: {  	lr =	sadd.s32 s0, s3;
	s0 =	sld [smem:$0x3FA8]  }
0x30: {  	s3 =	sld [smem:$0x3FAB]  }
0x31: {  	[smem:$0x3FB4] =	sst s10  }
0x32: {  	s10 =	sld [smem:$0x3FB2];
	_ =	sdelay $0x3  }
0x33: {  	p0 =	seq.s32 s10, $0x1;
	s10 =	sld [smem:$0x3FB4];
	_ =	sdelay $0x3  }
0x34: {  	[smem:$0x3FB4] =	sst s10  }
0x35: {  	s10 =	sld [smem:$0x3FB3];
	_ =	sdelay $0x3  }
0x36: {  	p1 =	seq.s32 s10, $0x1;
	s10 =	sld [smem:$0x3FB4];
	_ =	sdelay $0x3  }
0x37: {  	[smem:$0x3FB4] =	sst s10  }
0x38: {  	s10 =	sld [smem:$0x3FB5]  }
0x39: {  	_ = 	snop;
	(pc) =	sbr.ind lr, $3  }
0x3a: {  	_ = 	snop  }
0x3b: {  	_ = 	snop  }
0x3c: {  	p2 =	seq.s32 s10, $0x1;
	s10 =	sld [smem:$0x3FB4]  }
0x3d: {  	_ =	shalt  }
0x3e: {  	_ =	shalt  }
0x3f: {  	_ =	shalt  }
0x40: {  	_ =	shalt  }
0x41: {  	_ =	shalt  }
0x42: {  	_ =	shalt  }
0x43: {  	_ =	shalt  }
0x44: {  	_ =	shalt  }
0x45: {  	_ =	shalt  }
0x46: {  	_ =	shalt  }
0x47: {  	_ =	shalt  }
0x48: {  	_ =	shalt  }
0x49: {  	_ =	shalt  }
0x4a: {  	_ =	shalt  }
0x4b: {  	_ =	shalt  }
0x4c: {  	_ =	shalt  }
0x4d: {  	_ =	shalt  }
0x4e: {  	_ =	shalt  }
0x4f: {  	_ =	shalt  }
0x50: {  	_ =	shalt  }
0x51: {  	_ =	shalt  }
0x52: {  	_ =	shalt  }
0x53: {  	_ =	shalt  }
0x54: {  	_ =	shalt  }
0x55: {  	_ =	shalt  }
0x56: {  	_ =	shalt  }
0x57: {  	_ =	shalt  }
0x58: {  	_ =	shalt  }
0x59: {  	_ =	shalt  }
0x5a: {  	_ =	shalt  }
0x5b: {  	_ =	shalt  }
0x5c: {  	_ =	shalt  }
0x5d: {  	_ =	shalt  }
0x5e: {  	_ =	shalt  }
0x5f: {  	_ =	shalt  }
0x60: {  	_ =	shalt  }
0x61: {  	_ =	shalt  }
0x62: {  	_ =	shalt  }
0x63: {  	_ =	shalt  }
0x64: {  	_ =	shalt  }
0x65: {  	_ =	shalt  }
0x66: {  	_ =	shalt  }
0x67: {  	_ =	shalt  }
0x68: {  	_ =	shalt  }
0x69: {  	_ =	shalt  }
0x6a: {  	_ =	shalt  }
0x6b: {  	_ =	shalt  }
0x6c: {  	_ =	shalt  }
0x6d: {  	_ =	shalt  }
0x6e: {  	_ =	shalt  }
0x6f: {  	_ =	shalt  }
0x70: {  	_ =	shalt  }
0x71: {  	_ =	shalt  }
0x72: {  	_ =	shalt  }
0x73: {  	_ =	shalt  }
0x74: {  	_ =	shalt  }
0x75: {  	_ =	shalt  }
0x76: {  	_ =	shalt  }
0x77: {  	_ =	shalt  }
0x78: {  	_ =	shalt  }
0x79: {  	_ =	shalt  }
0x7a: {  	_ =	shalt  }
0x7b: {  	_ =	shalt  }
0x7c: {  	_ =	shalt  }
0x7d: {  	_ =	shalt  }
0x7e: {  	_ =	shalt  }
0x7f: {  	_ =	shalt  }
0x80: {  	_ =	shalt  }
0x81: {  	_ =	shalt  }
0x82: {  	_ =	shalt  }
0x83: {  	_ =	shalt  }
0x84: {  	_ =	shalt  }
0x85: {  	_ =	shalt  }
0x86: {  	_ =	shalt  }
0x87: {  	_ =	shalt  }
.Lfunc_end0:
.L_simem_size_0:
called_computation_lowered:
.L_overlay_start_0:
0x88: {  	s2 =	sld [smem:$0x3FD9]  }
0x89: {  	s3 =	sld [smem:$0x3FFE];
	_ =	sdelay $0x1  }
0x8a: {  	s1 =	srdreg.scid  }
0x8b: {  	s0 =	sand.u32 $0x1, s1  }
0x8c: {  	s17 =	sshll.u32 s0, $0xA;
	s2 =	sadd.s32 s3, s2  }
0x8d: {  	s2 =	sadd.s32 s2, s17  }
0x8e: {  	[smem:$0x3FC0] =	sst s2  }
0x8f: {  	_ = 	snop  }
0x90: {  	s2 =	sld [smem:$0x3FD0];
	(tm) =	ssettm $0x1  }
0x91: {  	s18 =	sld [smem:$0x3FFB];
	_ =	sdelay $0x3  }
0x92: {  	_ =	strace s18  }
0x93: {  	s3 =	sld [smem:$0x3FFC];
	_ =	sdelay $0x3  }
0x94: {  	_ =	strace s3  }
0x95: {  	s3 =	sld [smem:$0x3FFD];
	_ =	sdelay $0x3  }
0x96: {  	_ =	strace s3  }
0x97: {  	_ =	strace $0x8FFFFFFF  }
0x98: {  	s19 =	sld [smem:$0x3FDB];
	_ =	sdelay $0x1  }
0x99: {  	s4 =	simm.s32 $_scs_section_size  }
0x9a: {  	s5 =	simm.s32 $_size__tile_overlayer_lowered;
	s6 =	simm.s32 $_tile_overlayer_lowered  }
0x9b: {  	s22 =	simm.s32 $0x1BFF;
	s21 =	sshll.u32 s6, $0x1;
	s3 =	sadd.s32 s4, s19  }
0x9c: {  	s7 =	simm.s32 $0x0;
	s20 =	sshll.u32 s5, $0x1;
	s5 =	sadd.s32 s21, s3  }
0x9d: {  	[timem:s7], [sflag:s22] =	dma.local [hbm:s5], s20  }
0x9e: {  	_ =	swait.ge [sflag:s22], s20  }
0x9f: {  	s4 =	ssub.s32 $0x0, s20;
	[sflag:s22] =	ssyncset.done $0x0  }
0xa0: {  	[sflag:s22] =	ssyncadd.s32 s4;
	_ =	sdelay $0x1  }
0xa1: {  	s23 =	simm.s32 $0x1B8B  }
0xa2: {  	_ =	swait.ge [sflag:s23], $0x1  }
0xa3: {  	[sflag:s23] =	ssyncset.done $0x0  }
0xa4: {  	s25 =	simm.s32 $0x1B8E;
	s24 =	sld [smem:$0x3FFE];
	[sflag:s23] =	ssyncadd.s32 $0xFFFFFFFF  }
0xa5: {  	s26 =	simm.s32 $execute0_lowered;
	[smem:$0x3FD2] =	sst s25  }
0xa6: {  	s5 =	sshll.u32 s26, $0x1;
	_ =	strace $0x80000046;
	[dreg:$0x1] =	wrdreg $0xFFFFFFFF  }
0xa7: {  	s28 =	simm.s32 $_size_execute0_lowered;
	s3 =	sadd.s32 s3, s5;
	[dreg:$0x0] =	wrdreg $0x0  }
0xa8: {  	s5 =	sshll.u32 s28, $0x1;
	[dreg:$0x2] =	wrdreg s3  }
0xa9: {  	[dreg:$0x3] =	wrdreg s5  }
0xaa: {  	[dreg:$0x4] =	wrdreg $0xC0  }
0xab: {  	_ =	task [dreg:s7], $0x5FFFF  }
0xac: {  	[dreg:$0x1] =	wrdreg $0xFFFFFFFF  }
0xad: {  	[dreg:$0x0] =	wrdreg $0x60  }
0xae: {  	[dreg:$0x2] =	wrdreg s2  }
0xaf: {  	[dreg:$0x3] =	wrdreg s24  }
0xb0: {  	[dreg:$0x4] =	wrdreg $0x0  }
0xb1: {  	[dreg:$0x5] =	wrdreg $0x13E800  }
0xb2: {  	[dreg:$0x6] =	wrdreg $0x9  }
0xb3: {  	_ =	task.clear_ibuf [dreg:s7], $0x7FFFF;
	_ =	strace $0x90000046  }
0xb4: {  	s29 =	simm.s32 $0x9;
	_ =	strace $0x80000048  }
0xb5: {  	_ =	swait.ge [sflag:s29], $0x1  }
0xb6: {  	[sflag:s29] =	ssyncadd.s32 $0xFFFFFFFF  }
0xb7: {  	_ =	strace $0x90000048  }
0xb8: {  	_ =	sfence  }
0xb9: {  	s30 =	sld [smem:$0x0];
	_ =	sdelay $0x2  }
0xba: {  	s31 =	sshll.u32 s1, $0xD;
	s1 =	sshrl.u32 s1, $0x2  }
0xbb: {  	s3 =	sand.u32 $0x4000, s31;
	s1 =	sadd.s32 s1, s30  }
0xbc: {  	s0 =	sor.u32 s3, s0;
	s1 =	sshll.u32 s1, $0x11  }
0xbd: {  	s0 =	sor.u32 s1, s0  }
0xbe: {  	s0 =	sadd.s32 $0x8F2B, s0  }
0xbf: {  	[sflag:s0] =	ssyncadd.remote.s32 $0x1  }
0xc0: {  	_ =	sfence.sel $0xFFFF  }
0xc1: {  	[dreg:$0x0] =	wrdreg $0xFFFFFFFF;
	(pc) =	sbr.abs _section_cstart, $3  }
0xc2: {  	[dreg:$0x1] =	wrdreg $0xFFFFFFFF  }
0xc3: {  	_ =	task.clear_ibuf [dreg:s7], $0x2FFFF;
	_ =	strace $0x9FFFFFFF  }
0xc4: {  	(tm) =	ssettm $0x7FFFFFFF  }
0xc5: {  	_ =	shalt  }
tec
execute0_lowered:
.L_overlay_start_1:
0x0: {  	(tag) =	ssettag $0x1  }
0x1: {  	s17 =	rddreg [dreg:$0x0]  }
0x2: {  	s1 =	rddreg [dreg:$0x1]  }
0x3: {  	s16 =	stileid.u32;
	s0 =	srdreg.scid  }
0x4: {  	s3 =	rddreg [dreg:$0x2];
	s2 =	smul.u32 $0x2780, s16  }
0x5: {  	s4 =	rddreg [dreg:$0x3];
	s7 =	smul.u32 $0x13C00, s16  }
0x6: {  	s5 =	simm.s32 $0x0;
	s31 =	simm.s32 $0x140F8;
	s8 =	smul.u32 $0x278, s16  }
0x7: {  	s29 =	simm.s32 $0x2;
	s6 =	sand.u32 $0x1, s0;
	s14 =	smul.u32 $0x9E0, s16  }
0x8: {  	[smem:$0x7FF] =	sst s5;
	s18 =	sadd.s32 $0x2A00, s1;
	s0 =	smul.u32 $0x13C000, s6  }
0x9: {  	p0 =	seq.s32 s16, $0xF;
	_ =	strace $0x80000047;
	s9 =	smul.u32 $0x2780, s6  }
0xa: {  	s11 =	ssub.s32 $0x2, s6;
	s12 =	sshll.u32 s6, $0x4;
	s6 =	smul.u32 $0x27800, s6  }
0xb: {  	[dreg:$0xb] =	wrdreg s18;
	s10 =	sadd.s32 s2, s1;
	s13 =	sshrl.u32 s11, $0x1  }
0xc: {  	s12 =	sor.u32 s16, s12;
	s28 =	sshrl.u32 s14, $0x2;
	s14 =	sadd.s32 $0x2508, s4  }
0xd: {  	s0 =	sadd.s32 s7, s0;
	s7 =	sadd.s32 $0xC800, s1;
	s9 =	sadd.s32 s8, s9  }
0xe: {  	s19 =	sadd.s32 s28, s4;
	s2 =	sadd.s32 s2, s6;
	s0 =	sshrl.u32 s0, $0x3  }
0xf: {  	s9 =	sshrl.u32 s9, $0x3;
	s23 =	sadd.s32 $0x300, s2;
	s0 =	sadd.s32 s0, s1  }
0x10: {  	s1 =	sadd.s32 s9, s1;
	s9 =	ssub.s32 s11, s13;
	s11 =	smul.u32 $0x2780, s12  }
0x11: {  	s26 =	sadd.s32 $0x280, s2;
	s19 =	smov.u32 @p0 s14;
	s13 =	smul.u32 $0x4F000, s16  }
0x12: {  	[dreg:$0xc] =	wrdreg s19;
	s0 =	sadd.s32 $0x5C200, s0;
	s30 =	sshrl.u32 s11, $0x3  }
0x13: {  	[dreg:$0x1c] =	wrdreg s0;
	s0 =	simm.s32 $0x80;
	s15 =	sadd.s32 s17, s30  }
0x14: {  	s21 =	sadd.s32 s18, s30;
	s22 =	sadd.s32 $0x10, s30;
	[dreg:$0xd] =	wrdreg s15  }
0x15: {  	s12 =	sadd.s32 $0x20, s30;
	[dreg:$0xe] =	wrdreg s21;
	s20 =	sadd.s32 s17, s22  }
0x16: {  	s15 =	sshrl.u32 s23, $0x3;
	s6 =	sadd.s32 s18, s22;
	[dreg:$0xf] =	wrdreg s20  }
0x17: {  	s24 =	sadd.s32 s17, s12;
	s12 =	sadd.s32 s18, s12;
	[dreg:$0x10] =	wrdreg s6  }
0x18: {  	s23 =	smax.u32 s9, $0x1;
	s9 =	simm.s32 $0x14378;
	[dreg:$0x11] =	wrdreg s24  }
0x19: {  	s25 =	sadd.s32 s15, s18;
	[dreg:$0x12] =	wrdreg s12;
	s12 =	sadd.s32 s8, s4  }
0x1a: {  	s28 =	sadd.s32 s15, s17;
	s6 =	sshrl.u32 s26, $0x3;
	[dreg:$0x18] =	wrdreg s23  }
0x1b: {  	s24 =	sadd.s32 $0x34000, s10;
	s26 =	sshll.u32 s16, $0x6;
	s23 =	simm.s32 $0xB  }
0x1c: {  	s16 =	simm.s32 $0x18378;
	s10 =	simm.s32 $0x0;
	[dreg:$0x5] =	wrdreg s25  }
0x1d: {  	[dreg:$0x6] =	wrdreg s28;
	s30 =	sadd.s32 s6, s18;
	s12 =	smov.u32 @p0 s14  }
0x1e: {  	s14 =	smin.u32 s11, $0x4C800;
	s6 =	sadd.s32 s6, s17;
	[dreg:$0x19] =	wrdreg s24  }
0x1f: {  	s11 =	smin.u32 s11, $0x4C780;
	s25 =	sshrl.u32 s13, $0x2;
	[dreg:$0x13] =	wrdreg s12  }
0x20: {  	s28 =	sadd.s32 $0x5B800, s1;
	s13 =	simm.s32 $0x141F8;
	[dreg:$0x7] =	wrdreg s30  }
0x21: {  	s24 =	simm.s32 $0x4;
	s12 =	sadd.s32 $0x180, s2;
	[dreg:$0x8] =	wrdreg s6  }
0x22: {  	s20 =	sshrl.u32 s11, $0x3;
	[dreg:$0x1d] =	wrdreg s28;
	s30 =	sadd.s32 $0x200, s2  }
0x23: {  	s2 =	simm.s32 $0x5;
	s11 =	simm.s32 $0x14178;
	s8 =	sshrl.u32 s12, $0x3  }
0x24: {  	s12 =	sshrl.u32 s14, $0x3;
	s6 =	sadd.s32 $0x500, s20;
	[dreg:$0x1e] =	wrdreg s30  }
0x25: {  	s14 =	simm.s32 $0x6;
	s20 =	simm.s32 $0x7;
	s15 =	sadd.s32 s8, s18  }
0x26: {  	s12 =	sadd.s32 $0x4F0, s12;
	s8 =	sadd.s32 s8, s17;
	[dreg:$0x9] =	wrdreg s15  }
0x27: {  	s22 =	sadd.s32 s17, s6;
	s6 =	sadd.s32 s18, s6;
	[dreg:$0xa] =	wrdreg s8  }
0x28: {  	s19 =	sadd.s32 s17, s12;
	s21 =	sadd.s32 s18, s12;
	[dreg:$0x16] =	wrdreg s22  }
0x29: {  	[dreg:$0x17] =	wrdreg s6;
	s6 =	sadd.s32 s25, s3;
	s8 =	simm.s32 $0x3  }
0x2a: {  	s17 =	simm.s32 $0x142F8;
	s22 =	simm.s32 $0x1;
	[dreg:$0x14] =	wrdreg s19  }
0x2b: {  	s25 =	simm.s32 $0x8;
	s15 =	simm.s32 $0xA;
	[dreg:$0x15] =	wrdreg s21  }
0x2c: {  	[dreg:$0x1a] =	wrdreg s6;
	s6 =	sor.u32 $0x1C0B, s26;
	s26 =	simm.s32 $0x13C00  }
0x2d: {  	v0 =	vimm.f32 $1.000000000e+00;
	v1 =	vimm.f32 $0.0e+00;
	s19 =	simm.s32 $0x14278;
	s21 =	simm.s32 $0x9;
	[dreg:$0x1b] =	wrdreg s6  }
.LBB2_1:
0x2e: {  	[dreg:$0x1f] =	wrdreg s10  }
0x2f: {  	s1 =	rddreg [dreg:$0x1a]  }
0x30: {  	s12 =	rddreg [dreg:$0x19];
	s1 =	sshrl.u32 s1, $0x3  }
0x31: {  	[smem:$0x7FD] =	sst s1  }
0x32: {  	[spmem:s1], [sflag:s6] =	dma.local [hbm:s12], $0x2780  }
0x33: {  	_ =	swait.ge [sflag:s23], $0x2780  }
0x34: {  	[sflag:s23] =	ssyncset.done $0x0  }
0x35: {  	[sflag:s23] =	ssyncadd.s32 $0xFFFFD880  }
0x36: {  	[tilespmem:$0x142F8] =	vst v0  }
0x37: {  	[tilespmem:$0x14308] =	vst v0  }
0x38: {  	[tilespmem:$0x14318] =	vst v0  }
0x39: {  	[tilespmem:$0x14328] =	vst v0  }
0x3a: {  	[tilespmem:$0x14338] =	vst v0  }
0x3b: {  	[tilespmem:$0x14348] =	vst v0  }
0x3c: {  	[tilespmem:$0x14358] =	vst v0  }
0x3d: {  	[tilespmem:$0x14368] =	vst v0  }
0x3e: {  	[tilespmem:$0x13C00] =	vst v1  }
0x3f: {  	[tilespmem:$0x13C10] =	vst v1  }
0x40: {  	[tilespmem:$0x13C20] =	vst v1  }
0x41: {  	[tilespmem:$0x13C30] =	vst v1  }
0x42: {  	[tilespmem:$0x13C40] =	vst v1  }
0x43: {  	[tilespmem:$0x13C50] =	vst v1  }
0x44: {  	[tilespmem:$0x13C60] =	vst v1  }
0x45: {  	[tilespmem:$0x13C70] =	vst v1  }
0x46: {  	[tilespmem:$0x13C80] =	vst v1  }
0x47: {  	[tilespmem:$0x13C90] =	vst v1  }
0x48: {  	[tilespmem:$0x13CA0] =	vst v1  }
0x49: {  	[tilespmem:$0x13CB0] =	vst v1  }
0x4a: {  	[tilespmem:$0x13CC0] =	vst v1  }
0x4b: {  	[tilespmem:$0x13CD0] =	vst v1  }
0x4c: {  	[tilespmem:$0x13CE0] =	vst v1  }
0x4d: {  	[tilespmem:$0x13CF0] =	vst v1  }
0x4e: {  	[tilespmem:$0x13D00] =	vst v1  }
0x4f: {  	[tilespmem:$0x13D10] =	vst v1  }
0x50: {  	[tilespmem:$0x13D20] =	vst v1  }
0x51: {  	[tilespmem:$0x13D30] =	vst v1  }
0x52: {  	[tilespmem:$0x13D40] =	vst v1  }
0x53: {  	[tilespmem:$0x13D50] =	vst v1  }
0x54: {  	[tilespmem:$0x13D60] =	vst v1  }
0x55: {  	[tilespmem:$0x13D70] =	vst v1  }
0x56: {  	[tilespmem:$0x13D80] =	vst v1  }
0x57: {  	[tilespmem:$0x13D90] =	vst v1  }
0x58: {  	[tilespmem:$0x13DA0] =	vst v1  }
0x59: {  	[tilespmem:$0x13DB0] =	vst v1  }
0x5a: {  	[tilespmem:$0x13DC0] =	vst v1  }
0x5b: {  	[tilespmem:$0x13DD0] =	vst v1  }
0x5c: {  	[tilespmem:$0x13DE0] =	vst v1  }
0x5d: {  	[tilespmem:$0x13DF0] =	vst v1  }
0x5e: {  	[tilespmem:$0x13E00] =	vst v1  }
0x5f: {  	[tilespmem:$0x13E10] =	vst v1  }
0x60: {  	[tilespmem:$0x13E20] =	vst v1  }
0x61: {  	[tilespmem:$0x13E30] =	vst v1  }
0x62: {  	[tilespmem:$0x13E40] =	vst v1  }
0x63: {  	[tilespmem:$0x13E50] =	vst v1  }
0x64: {  	[tilespmem:$0x13E60] =	vst v1  }
0x65: {  	s18 =	rddreg [dreg:$0xc];
	[tilespmem:$0x13E70] =	vst v1  }
0x66: {  	[spmem:s18] =	stream.linear.scatter [tilespmem:s26], [sflag:$0xB], $0x278, $0x38;
	[tilespmem:$0x1C578] =	vst v63  }
0x67: {  	_ =	swait.ge [sflag:s23], $0x278  }
0x68: {  	[sflag:s23] =	ssyncset.done $0x0  }
0x69: {  	[sflag:s23] =	ssyncadd.s32 $0xFFFFFD88  }
0x6a: {  	[bflag:$0x0] =	sbarrier.arrive $0xFFFF  }
0x6b: {  	s26 =	simm.s32 $0x1C378;
	s6 =	rddreg [dreg:$0xd]  }
0x6c: {  	[tilespmem:s26], [sflag:$0x5] =	stream.linear.gather [hbm4b:s6+s5], $0x80, $0x38;
	[tilespmem:$0x1C578] =	vst v63  }
0x6d: {  	s10 =	rddreg [dreg:$0xe]  }
0x6e: {  	[tilespmem:s31], [sflag:$0x5] =	stream.linear.gather [hbm4b:s10+s5], $0x80, $0x38;
	[tilespmem:$0x1C578] =	vst v63  }
0x6f: {  	_ =	swait.ge [sflag:s2], $0x80  }
0x70: {  	[sflag:s2] =	ssyncset.done $0x0  }
0x71: {  	[sflag:s2] =	ssyncadd.s32 $0xFFFFFF80  }
0x72: {  	_ =	swait.ge [sflag:s2], $0x80  }
0x73: {  	[sflag:s2] =	ssyncset.done $0x0  }
0x74: {  	[sflag:s2] =	ssyncadd.s32 $0xFFFFFF80  }
0x75: {  	[tilespmem:s9], [sflag:$0x3] =	stream.indirect.gather [hbm4b:s7+s0], $0x80, s26, s0, $0xb8;
	[tilespmem:$0x1C578] =	vst v63  }
0x76: {  	s10 =	simm.s32 $0x1C3F8;
	s12 =	rddreg [dreg:$0xf]  }
0x77: {  	[tilespmem:s10], [sflag:$0x6] =	stream.linear.gather [hbm4b:s12+s5], $0x80, $0x38;
	[tilespmem:$0x1C578] =	vst v63  }
0x78: {  	s18 =	rddreg [dreg:$0x10]  }
0x79: {  	[tilespmem:s11], [sflag:$0x6] =	stream.linear.gather [hbm4b:s18+s5], $0x80, $0x38;
	[tilespmem:$0x1C578] =	vst v63  }
0x7a: {  	s23 =	rddreg [dreg:$0x11];
	s12 =	simm.s32 $0x1C478  }
0x7b: {  	[tilespmem:s12], [sflag:$0x7] =	stream.linear.gather [hbm4b:s23+s5], $0x80, $0x38;
	[tilespmem:$0x1C578] =	vst v63  }
0x7c: {  	s6 =	rddreg [dreg:$0x12]  }
0x7d: {  	[tilespmem:s13], [sflag:$0x7] =	stream.linear.gather [hbm4b:s6+s5], $0x80, $0x38;
	[tilespmem:$0x1C578] =	vst v63  }
0x7e: {  	_ =	swait.ge [sflag:s14], $0x80  }
0x7f: {  	[sflag:s14] =	ssyncset.done $0x0  }
0x80: {  	[sflag:s14] =	ssyncadd.s32 $0xFFFFFF80  }
0x81: {  	_ =	swait.ge [sflag:s14], $0x80  }
0x82: {  	[sflag:s14] =	ssyncset.done $0x0  }
0x83: {  	[sflag:s14] =	ssyncadd.s32 $0xFFFFFF80  }
0x84: {  	[tilespmem:s16], [sflag:$0x4] =	stream.indirect.gather [hbm4b:s7+s0], $0x80, s10, s0, $0xb8;
	[tilespmem:$0x1C578] =	vst v63  }
0x85: {  	_ =	swait.ge [sflag:s8], $0x4000  }
0x86: {  	[sflag:s8] =	ssyncset.done $0x0  }
0x87: {  	[sflag:s8] =	ssyncadd.s32 $0xFFFFC000  }
0x88: {  	[spmem:s3] =	stream.indirect.scatter.add.f32 [tilespmem:s9], [sflag:$0x9], $0x80, s31, s0, $0xb8;
	[tilespmem:$0x1C578] =	vst v63  }
0x89: {  	s18 =	rddreg [dreg:$0xa]  }
0x8a: {  	[spmem:s4] =	stream.indirect.scatter.add.f32 [tilespmem:s17], [sflag:$0x1], $0x1, s31, s0, $0xb8;
	[tilespmem:$0x1C578] =	vst v63  }
0x8b: {  	s23 =	rddreg [dreg:$0x9];
	s1 =	sadd.s32 $0x0, s18;
	s18 =	simm.s32 $0x1C4F8  }
0x8c: {  	[tilespmem:s18], [sflag:$0x8] =	stream.linear.gather [hbm4b:s1+s5], $0x80, $0x38;
	[tilespmem:$0x1C578] =	vst v63  }
0x8d: {  	s23 =	sadd.s32 $0x0, s23  }
0x8e: {  	[tilespmem:s19], [sflag:$0x8] =	stream.linear.gather [hbm4b:s23+s5], $0x80, $0x38;
	[tilespmem:$0x1C578] =	vst v63  }
0x8f: {  	_ =	swait.ge [sflag:s20], $0x80  }
0x90: {  	[sflag:s20] =	ssyncset.done $0x0  }
0x91: {  	[sflag:s20] =	ssyncadd.s32 $0xFFFFFF80  }
0x92: {  	_ =	swait.ge [sflag:s20], $0x80  }
0x93: {  	[sflag:s20] =	ssyncset.done $0x0  }
0x94: {  	[sflag:s20] =	ssyncadd.s32 $0xFFFFFF80  }
0x95: {  	_ =	swait.ge [sflag:s21], $0x4000  }
0x96: {  	[sflag:s21] =	ssyncset.done $0x0  }
0x97: {  	[sflag:s21] =	ssyncadd.s32 $0xFFFFC000  }
0x98: {  	_ =	swait.ge [sflag:s22], $0x80  }
0x99: {  	[sflag:s22] =	ssyncset.done $0x0  }
0x9a: {  	[sflag:s22] =	ssyncadd.s32 $0xFFFFFF80  }
0x9b: {  	[tilespmem:s9], [sflag:$0x3] =	stream.indirect.gather [hbm4b:s7+s0], $0x80, s12, s0, $0xb8;
	[tilespmem:$0x1C578] =	vst v63  }
0x9c: {  	_ =	swait.ge [sflag:s24], $0x4000  }
0x9d: {  	[sflag:s24] =	ssyncset.done $0x0  }
0x9e: {  	s23 =	rddreg [dreg:$0x1e];
	[sflag:s24] =	ssyncadd.s32 $0xFFFFC000  }
0x9f: {  	[spmem:s3] =	stream.indirect.scatter.add.f32 [tilespmem:s16], [sflag:$0xA], $0x80, s11, s0, $0xb8;
	[tilespmem:$0x1C578] =	vst v63  }
0xa0: {  	s1 =	sshrl.u32 s23, $0x3;
	s6 =	rddreg [dreg:$0x0]  }
0xa1: {  	[spmem:s4] =	stream.indirect.scatter.add.f32 [tilespmem:s17], [sflag:$0x2], $0x1, s11, s0, $0xb8;
	[tilespmem:$0x1C578] =	vst v63  }
0xa2: {  	s6 =	sadd.s32 s6, s1  }
0xa3: {  	[tilespmem:s26], [sflag:$0x5] =	stream.linear.gather [hbm4b:s6+s5], $0x80, $0x38;
	[tilespmem:$0x1C578] =	vst v63  }
0xa4: {  	s6 =	rddreg [dreg:$0xb]  }
0xa5: {  	s1 =	sadd.s32 s6, s1  }
0xa6: {  	[tilespmem:s31], [sflag:$0x5] =	stream.linear.gather [hbm4b:s1+s5], $0x80, $0x38;
	[tilespmem:$0x1C578] =	vst v63  }
0xa7: {  	_ =	swait.ge [sflag:s25], $0x80  }
0xa8: {  	[sflag:s25] =	ssyncset.done $0x0  }
0xa9: {  	[sflag:s25] =	ssyncadd.s32 $0xFFFFFF80  }
0xaa: {  	_ =	swait.ge [sflag:s25], $0x80  }
0xab: {  	[sflag:s25] =	ssyncset.done $0x0  }
0xac: {  	[sflag:s25] =	ssyncadd.s32 $0xFFFFFF80  }
0xad: {  	_ =	swait.ge [sflag:s15], $0x4000  }
0xae: {  	[sflag:s15] =	ssyncset.done $0x0  }
0xaf: {  	[sflag:s15] =	ssyncadd.s32 $0xFFFFC000  }
0xb0: {  	_ =	swait.ge [sflag:s29], $0x80  }
0xb1: {  	[sflag:s29] =	ssyncset.done $0x0  }
0xb2: {  	[sflag:s29] =	ssyncadd.s32 $0xFFFFFF80  }
0xb3: {  	[tilespmem:s16], [sflag:$0x4] =	stream.indirect.gather [hbm4b:s7+s0], $0x80, s18, s0, $0xb8;
	[tilespmem:$0x1C578] =	vst v63  }
0xb4: {  	_ =	swait.ge [sflag:s8], $0x4000  }
0xb5: {  	[sflag:s8] =	ssyncset.done $0x0  }
0xb6: {  	[sflag:s8] =	ssyncadd.s32 $0xFFFFC000  }
0xb7: {  	[spmem:s3] =	stream.indirect.scatter.add.f32 [tilespmem:s9], [sflag:$0x9], $0x80, s13, s0, $0xb8;
	[tilespmem:$0x1C578] =	vst v63  }
0xb8: {  	s6 =	rddreg [dreg:$0x8]  }
0xb9: {  	[spmem:s4] =	stream.indirect.scatter.add.f32 [tilespmem:s17], [sflag:$0x1], $0x1, s13, s0, $0xb8;
	[tilespmem:$0x1C578] =	vst v63  }
0xba: {  	s18 =	rddreg [dreg:$0x7];
	s1 =	sadd.s32 $0x0, s6  }
0xbb: {  	[tilespmem:s10], [sflag:$0x6] =	stream.linear.gather [hbm4b:s1+s5], $0x80, $0x38;
	[tilespmem:$0x1C578] =	vst v63  }
0xbc: {  	s18 =	sadd.s32 $0x0, s18  }
0xbd: {  	[tilespmem:s11], [sflag:$0x6] =	stream.linear.gather [hbm4b:s18+s5], $0x80, $0x38;
	[tilespmem:$0x1C578] =	vst v63  }
0xbe: {  	_ =	swait.ge [sflag:s2], $0x80  }
0xbf: {  	[sflag:s2] =	ssyncset.done $0x0  }
0xc0: {  	[sflag:s2] =	ssyncadd.s32 $0xFFFFFF80  }
0xc1: {  	_ =	swait.ge [sflag:s2], $0x80  }
0xc2: {  	[sflag:s2] =	ssyncset.done $0x0  }
0xc3: {  	[sflag:s2] =	ssyncadd.s32 $0xFFFFFF80  }
0xc4: {  	_ =	swait.ge [sflag:s21], $0x4000  }
0xc5: {  	[sflag:s21] =	ssyncset.done $0x0  }
0xc6: {  	[sflag:s21] =	ssyncadd.s32 $0xFFFFC000  }
0xc7: {  	_ =	swait.ge [sflag:s22], $0x80  }
0xc8: {  	[sflag:s22] =	ssyncset.done $0x0  }
0xc9: {  	[sflag:s22] =	ssyncadd.s32 $0xFFFFFF80  }
0xca: {  	[tilespmem:s9], [sflag:$0x3] =	stream.indirect.gather [hbm4b:s7+s0], $0x80, s26, s0, $0xb8;
	[tilespmem:$0x1C578] =	vst v63  }
0xcb: {  	_ =	swait.ge [sflag:s24], $0x4000  }
0xcc: {  	[sflag:s24] =	ssyncset.done $0x0  }
0xcd: {  	[sflag:s24] =	ssyncadd.s32 $0xFFFFC000  }
0xce: {  	[spmem:s3] =	stream.indirect.scatter.add.f32 [tilespmem:s16], [sflag:$0xA], $0x80, s19, s0, $0xb8;
	[tilespmem:$0x1C578] =	vst v63  }
0xcf: {  	s6 =	rddreg [dreg:$0x6]  }
0xd0: {  	[spmem:s4] =	stream.indirect.scatter.add.f32 [tilespmem:s17], [sflag:$0x2], $0x1, s19, s0, $0xb8;
	[tilespmem:$0x1C578] =	vst v63  }
0xd1: {  	s18 =	rddreg [dreg:$0x5];
	s1 =	sadd.s32 $0x0, s6  }
0xd2: {  	[tilespmem:s12], [sflag:$0x7] =	stream.linear.gather [hbm4b:s1+s5], $0x80, $0x38;
	[tilespmem:$0x1C578] =	vst v63  }
0xd3: {  	s26 =	sadd.s32 $0x0, s18  }
0xd4: {  	[tilespmem:s13], [sflag:$0x7] =	stream.linear.gather [hbm4b:s26+s5], $0x80, $0x38;
	[tilespmem:$0x1C578] =	vst v63  }
0xd5: {  	_ =	swait.ge [sflag:s14], $0x80  }
0xd6: {  	[sflag:s14] =	ssyncset.done $0x0  }
0xd7: {  	[sflag:s14] =	ssyncadd.s32 $0xFFFFFF80  }
0xd8: {  	_ =	swait.ge [sflag:s14], $0x80  }
0xd9: {  	[sflag:s14] =	ssyncset.done $0x0  }
0xda: {  	[sflag:s14] =	ssyncadd.s32 $0xFFFFFF80  }
0xdb: {  	_ =	swait.ge [sflag:s15], $0x4000  }
0xdc: {  	[sflag:s15] =	ssyncset.done $0x0  }
0xdd: {  	[sflag:s15] =	ssyncadd.s32 $0xFFFFC000  }
0xde: {  	_ =	swait.ge [sflag:s29], $0x80  }
0xdf: {  	[sflag:s29] =	ssyncset.done $0x0  }
0xe0: {  	[sflag:s29] =	ssyncadd.s32 $0xFFFFFF80  }
0xe1: {  	[tilespmem:s16], [sflag:$0x4] =	stream.indirect.gather [hbm4b:s7+s0], $0x80, s10, s0, $0xb8;
	[tilespmem:$0x1C578] =	vst v63  }
0xe2: {  	s28 =	simm.s32 $0x80;
	_ =	swait.ge [sflag:s8], $0x4000  }
0xe3: {  	s23 =	sadd.s32 $0x200, s23;
	[sflag:s8] =	ssyncset.done $0x0;
	s6 =	rddreg [dreg:$0x9]  }
0xe4: {  	s26 =	simm.s32 $0x40;
	s30 =	rddreg [dreg:$0xa];
	[sflag:s8] =	ssyncadd.s32 $0xFFFFC000  }
0xe5: {  	[spmem:s3] =	stream.indirect.scatter.add.f32 [tilespmem:s9], [sflag:$0x9], $0x80, s31, s0, $0xb8;
	[tilespmem:$0x1C578] =	vst v63  }
.LBB2_2:
0xe6: {  	[spmem:s4] =	stream.indirect.scatter.add.f32 [tilespmem:s17], [sflag:$0x1], $0x1, s31, s0, $0xb8;
	[tilespmem:$0x1C578] =	vst v63  }
0xe7: {  	s30 =	sadd.s32 s26, s30;
	s12 =	simm.s32 $0x1C4F8  }
0xe8: {  	[tilespmem:s12], [sflag:$0x8] =	stream.linear.gather [hbm4b:s30+s5], $0x80, $0x38;
	[tilespmem:$0x1C578] =	vst v63  }
0xe9: {  	s6 =	sadd.s32 s26, s6  }
0xea: {  	[tilespmem:s19], [sflag:$0x8] =	stream.linear.gather [hbm4b:s6+s5], $0x80, $0x38;
	[tilespmem:$0x1C578] =	vst v63  }
0xeb: {  	_ =	swait.ge [sflag:s20], $0x80  }
0xec: {  	[sflag:s20] =	ssyncset.done $0x0  }
0xed: {  	[sflag:s20] =	ssyncadd.s32 $0xFFFFFF80  }
0xee: {  	_ =	swait.ge [sflag:s20], $0x80  }
0xef: {  	[sflag:s20] =	ssyncset.done $0x0  }
0xf0: {  	[sflag:s20] =	ssyncadd.s32 $0xFFFFFF80  }
0xf1: {  	_ =	swait.ge [sflag:s21], $0x4000  }
0xf2: {  	[sflag:s21] =	ssyncset.done $0x0  }
0xf3: {  	[sflag:s21] =	ssyncadd.s32 $0xFFFFC000  }
0xf4: {  	_ =	swait.ge [sflag:s22], $0x80  }
0xf5: {  	[sflag:s22] =	ssyncset.done $0x0  }
0xf6: {  	s18 =	simm.s32 $0x1C478;
	[sflag:s22] =	ssyncadd.s32 $0xFFFFFF80  }
0xf7: {  	[tilespmem:s9], [sflag:$0x3] =	stream.indirect.gather [hbm4b:s7+s0], $0x80, s18, s0, $0xb8;
	[tilespmem:$0x1C578] =	vst v63  }
0xf8: {  	_ =	swait.ge [sflag:s24], $0x4000  }
0xf9: {  	[sflag:s24] =	ssyncset.done $0x0  }
0xfa: {  	[sflag:s24] =	ssyncadd.s32 $0xFFFFC000  }
0xfb: {  	[spmem:s3] =	stream.indirect.scatter.add.f32 [tilespmem:s16], [sflag:$0xA], $0x80, s11, s0, $0xb8;
	[tilespmem:$0x1C578] =	vst v63  }
0xfc: {  	s6 =	sshrl.u32 s23, $0x3;
	s30 =	rddreg [dreg:$0x0]  }
0xfd: {  	[spmem:s4] =	stream.indirect.scatter.add.f32 [tilespmem:s17], [sflag:$0x2], $0x1, s11, s0, $0xb8;
	[tilespmem:$0x1C578] =	vst v63  }
0xfe: {  	s10 =	simm.s32 $0x1C378;
	s30 =	sadd.s32 s30, s6  }
0xff: {  	[tilespmem:s10], [sflag:$0x5] =	stream.linear.gather [hbm4b:s30+s5], $0x80, $0x38;
	[tilespmem:$0x1C578] =	vst v63  }
0x100: {  	s30 =	rddreg [dreg:$0xb]  }
0x101: {  	s6 =	sadd.s32 s30, s6  }
0x102: {  	[tilespmem:s31], [sflag:$0x5] =	stream.linear.gather [hbm4b:s6+s5], $0x80, $0x38;
	[tilespmem:$0x1C578] =	vst v63  }
0x103: {  	_ =	swait.ge [sflag:s25], $0x80  }
0x104: {  	[sflag:s25] =	ssyncset.done $0x0  }
0x105: {  	[sflag:s25] =	ssyncadd.s32 $0xFFFFFF80  }
0x106: {  	_ =	swait.ge [sflag:s25], $0x80  }
0x107: {  	[sflag:s25] =	ssyncset.done $0x0  }
0x108: {  	[sflag:s25] =	ssyncadd.s32 $0xFFFFFF80  }
0x109: {  	_ =	swait.ge [sflag:s15], $0x4000  }
0x10a: {  	[sflag:s15] =	ssyncset.done $0x0  }
0x10b: {  	[sflag:s15] =	ssyncadd.s32 $0xFFFFC000  }
0x10c: {  	_ =	swait.ge [sflag:s29], $0x80  }
0x10d: {  	[sflag:s29] =	ssyncset.done $0x0  }
0x10e: {  	[sflag:s29] =	ssyncadd.s32 $0xFFFFFF80  }
0x10f: {  	[tilespmem:s16], [sflag:$0x4] =	stream.indirect.gather [hbm4b:s7+s0], $0x80, s12, s0, $0xb8;
	[tilespmem:$0x1C578] =	vst v63  }
0x110: {  	_ =	swait.ge [sflag:s8], $0x4000  }
0x111: {  	[sflag:s8] =	ssyncset.done $0x0  }
0x112: {  	[sflag:s8] =	ssyncadd.s32 $0xFFFFC000  }
0x113: {  	[spmem:s3] =	stream.indirect.scatter.add.f32 [tilespmem:s9], [sflag:$0x9], $0x80, s13, s0, $0xb8;
	[tilespmem:$0x1C578] =	vst v63  }
0x114: {  	s12 =	rddreg [dreg:$0x8]  }
0x115: {  	[spmem:s4] =	stream.indirect.scatter.add.f32 [tilespmem:s17], [sflag:$0x1], $0x1, s13, s0, $0xb8;
	[tilespmem:$0x1C578] =	vst v63  }
0x116: {  	s30 =	rddreg [dreg:$0x7];
	s6 =	sadd.s32 s26, s12;
	s12 =	simm.s32 $0x1C3F8  }
0x117: {  	[tilespmem:s12], [sflag:$0x6] =	stream.linear.gather [hbm4b:s6+s5], $0x80, $0x38;
	[tilespmem:$0x1C578] =	vst v63  }
0x118: {  	s6 =	sadd.s32 s26, s30  }
0x119: {  	[tilespmem:s11], [sflag:$0x6] =	stream.linear.gather [hbm4b:s6+s5], $0x80, $0x38;
	[tilespmem:$0x1C578] =	vst v63  }
0x11a: {  	_ =	swait.ge [sflag:s2], $0x80  }
0x11b: {  	[sflag:s2] =	ssyncset.done $0x0  }
0x11c: {  	[sflag:s2] =	ssyncadd.s32 $0xFFFFFF80  }
0x11d: {  	_ =	swait.ge [sflag:s2], $0x80  }
0x11e: {  	[sflag:s2] =	ssyncset.done $0x0  }
0x11f: {  	[sflag:s2] =	ssyncadd.s32 $0xFFFFFF80  }
0x120: {  	_ =	swait.ge [sflag:s21], $0x4000  }
0x121: {  	[sflag:s21] =	ssyncset.done $0x0  }
0x122: {  	[sflag:s21] =	ssyncadd.s32 $0xFFFFC000  }
0x123: {  	_ =	swait.ge [sflag:s22], $0x80  }
0x124: {  	[sflag:s22] =	ssyncset.done $0x0  }
0x125: {  	[sflag:s22] =	ssyncadd.s32 $0xFFFFFF80  }
0x126: {  	[tilespmem:s9], [sflag:$0x3] =	stream.indirect.gather [hbm4b:s7+s0], $0x80, s10, s0, $0xb8;
	[tilespmem:$0x1C578] =	vst v63  }
0x127: {  	_ =	swait.ge [sflag:s24], $0x4000  }
0x128: {  	[sflag:s24] =	ssyncset.done $0x0  }
0x129: {  	[sflag:s24] =	ssyncadd.s32 $0xFFFFC000  }
0x12a: {  	[spmem:s3] =	stream.indirect.scatter.add.f32 [tilespmem:s16], [sflag:$0xA], $0x80, s19, s0, $0xb8;
	[tilespmem:$0x1C578] =	vst v63  }
0x12b: {  	s10 =	rddreg [dreg:$0x6]  }
0x12c: {  	[spmem:s4] =	stream.indirect.scatter.add.f32 [tilespmem:s17], [sflag:$0x2], $0x1, s19, s0, $0xb8;
	[tilespmem:$0x1C578] =	vst v63  }
0x12d: {  	s30 =	rddreg [dreg:$0x5];
	s6 =	sadd.s32 s26, s10  }
0x12e: {  	[tilespmem:s18], [sflag:$0x7] =	stream.linear.gather [hbm4b:s6+s5], $0x80, $0x38;
	[tilespmem:$0x1C578] =	vst v63  }
0x12f: {  	s18 =	sadd.s32 s26, s30  }
0x130: {  	[tilespmem:s13], [sflag:$0x7] =	stream.linear.gather [hbm4b:s18+s5], $0x80, $0x38;
	[tilespmem:$0x1C578] =	vst v63  }
0x131: {  	_ =	swait.ge [sflag:s14], $0x80  }
0x132: {  	[sflag:s14] =	ssyncset.done $0x0  }
0x133: {  	[sflag:s14] =	ssyncadd.s32 $0xFFFFFF80  }
0x134: {  	_ =	swait.ge [sflag:s14], $0x80  }
0x135: {  	[sflag:s14] =	ssyncset.done $0x0  }
0x136: {  	[sflag:s14] =	ssyncadd.s32 $0xFFFFFF80  }
0x137: {  	_ =	swait.ge [sflag:s15], $0x4000  }
0x138: {  	[sflag:s15] =	ssyncset.done $0x0  }
0x139: {  	[sflag:s15] =	ssyncadd.s32 $0xFFFFC000  }
0x13a: {  	_ =	swait.ge [sflag:s29], $0x80  }
0x13b: {  	[sflag:s29] =	ssyncset.done $0x0  }
0x13c: {  	p0 =	sne.s32 s28, $0x480;
	[sflag:s29] =	ssyncadd.s32 $0xFFFFFF80  }
0x13d: {  	[tilespmem:s16], [sflag:$0x4] =	stream.indirect.gather [hbm4b:s7+s0], $0x80, s12, s0, $0xb8;
	[tilespmem:$0x1C578] =	vst v63  }
.Ltmp0:
0x13e: {  	_ = 	snop;
	(pc) =	sbr.rel @p0 .LBB2_2-.Ltmp0, $4  }
0x13f: {  	s1 =	smov.u32 s28;
	s28 =	sadd.s32 $0x40, s28;
	_ =	swait.ge [sflag:s8], $0x4000  }
0x140: {  	s23 =	sadd.s32 $0x200, s23;
	s6 =	rddreg [dreg:$0x9];
	[sflag:s8] =	ssyncset.done $0x0  }
0x141: {  	s26 =	smov.u32 s1;
	s30 =	rddreg [dreg:$0xa];
	[sflag:s8] =	ssyncadd.s32 $0xFFFFC000  }
0x142: {  	[spmem:s3] =	stream.indirect.scatter.add.f32 [tilespmem:s9], [sflag:$0x9], $0x80, s31, s0, $0xb8;
	[tilespmem:$0x1C578] =	vst v63  }
0x143: {  	[spmem:s4] =	stream.indirect.scatter.add.f32 [tilespmem:s17], [sflag:$0x1], $0x1, s31, s0, $0xb8;
	[tilespmem:$0x1C578] =	vst v63  }
0x144: {  	s1 =	sadd.s32 s26, s30;
	s18 =	simm.s32 $0x1C4F8  }
0x145: {  	[tilespmem:s18], [sflag:$0x8] =	stream.linear.gather [hbm4b:s1+s5], $0x80, $0x38;
	[tilespmem:$0x1C578] =	vst v63  }
0x146: {  	s6 =	sadd.s32 s26, s6  }
0x147: {  	[tilespmem:s19], [sflag:$0x8] =	stream.linear.gather [hbm4b:s6+s5], $0x80, $0x38;
	[tilespmem:$0x1C578] =	vst v63  }
0x148: {  	_ =	swait.ge [sflag:s20], $0x80  }
0x149: {  	[sflag:s20] =	ssyncset.done $0x0  }
0x14a: {  	[sflag:s20] =	ssyncadd.s32 $0xFFFFFF80  }
0x14b: {  	_ =	swait.ge [sflag:s20], $0x80  }
0x14c: {  	[sflag:s20] =	ssyncset.done $0x0  }
0x14d: {  	[sflag:s20] =	ssyncadd.s32 $0xFFFFFF80  }
0x14e: {  	_ =	swait.ge [sflag:s21], $0x4000  }
0x14f: {  	[sflag:s21] =	ssyncset.done $0x0  }
0x150: {  	[sflag:s21] =	ssyncadd.s32 $0xFFFFC000  }
0x151: {  	_ =	swait.ge [sflag:s22], $0x80  }
0x152: {  	[sflag:s22] =	ssyncset.done $0x0  }
0x153: {  	s12 =	simm.s32 $0x1C478;
	[sflag:s22] =	ssyncadd.s32 $0xFFFFFF80  }
0x154: {  	[tilespmem:s9], [sflag:$0x3] =	stream.indirect.gather [hbm4b:s7+s0], $0x80, s12, s0, $0xb8;
	[tilespmem:$0x1C578] =	vst v63  }
0x155: {  	_ =	swait.ge [sflag:s24], $0x4000  }
0x156: {  	[sflag:s24] =	ssyncset.done $0x0  }
0x157: {  	[sflag:s24] =	ssyncadd.s32 $0xFFFFC000  }
0x158: {  	[spmem:s3] =	stream.indirect.scatter.add.f32 [tilespmem:s16], [sflag:$0xA], $0x80, s11, s0, $0xb8;
	[tilespmem:$0x1C578] =	vst v63  }
0x159: {  	s10 =	sshrl.u32 s23, $0x3;
	s28 =	rddreg [dreg:$0x0]  }
0x15a: {  	[spmem:s4] =	stream.indirect.scatter.add.f32 [tilespmem:s17], [sflag:$0x2], $0x1, s11, s0, $0xb8;
	[tilespmem:$0x1C578] =	vst v63  }
0x15b: {  	s23 =	simm.s32 $0x1C378;
	s30 =	rddreg [dreg:$0xb];
	s6 =	sadd.s32 s28, s10  }
0x15c: {  	[tilespmem:s23], [sflag:$0x5] =	stream.linear.gather [hbm4b:s6+s5], $0x80, $0x38;
	[tilespmem:$0x1C578] =	vst v63  }
0x15d: {  	s1 =	sadd.s32 s30, s10  }
0x15e: {  	[tilespmem:s31], [sflag:$0x5] =	stream.linear.gather [hbm4b:s1+s5], $0x80, $0x38;
	[tilespmem:$0x1C578] =	vst v63  }
0x15f: {  	_ =	swait.ge [sflag:s25], $0x80  }
0x160: {  	[sflag:s25] =	ssyncset.done $0x0  }
0x161: {  	[sflag:s25] =	ssyncadd.s32 $0xFFFFFF80  }
0x162: {  	_ =	swait.ge [sflag:s25], $0x80  }
0x163: {  	[sflag:s25] =	ssyncset.done $0x0  }
0x164: {  	[sflag:s25] =	ssyncadd.s32 $0xFFFFFF80  }
0x165: {  	_ =	swait.ge [sflag:s15], $0x4000  }
0x166: {  	[sflag:s15] =	ssyncset.done $0x0  }
0x167: {  	[sflag:s15] =	ssyncadd.s32 $0xFFFFC000  }
0x168: {  	_ =	swait.ge [sflag:s29], $0x80  }
0x169: {  	[sflag:s29] =	ssyncset.done $0x0  }
0x16a: {  	[sflag:s29] =	ssyncadd.s32 $0xFFFFFF80  }
0x16b: {  	[tilespmem:s16], [sflag:$0x4] =	stream.indirect.gather [hbm4b:s7+s0], $0x80, s18, s0, $0xb8;
	[tilespmem:$0x1C578] =	vst v63  }
0x16c: {  	_ =	swait.ge [sflag:s8], $0x4000  }
0x16d: {  	[sflag:s8] =	ssyncset.done $0x0  }
0x16e: {  	[sflag:s8] =	ssyncadd.s32 $0xFFFFC000  }
0x16f: {  	[spmem:s3] =	stream.indirect.scatter.add.f32 [tilespmem:s9], [sflag:$0x9], $0x80, s13, s0, $0xb8;
	[tilespmem:$0x1C578] =	vst v63  }
0x170: {  	s10 =	rddreg [dreg:$0x8]  }
0x171: {  	[spmem:s4] =	stream.indirect.scatter.add.f32 [tilespmem:s17], [sflag:$0x1], $0x1, s13, s0, $0xb8;
	[tilespmem:$0x1C578] =	vst v63  }
0x172: {  	s28 =	rddreg [dreg:$0x7];
	s1 =	sadd.s32 s26, s10;
	s10 =	simm.s32 $0x1C3F8  }
0x173: {  	[tilespmem:s10], [sflag:$0x6] =	stream.linear.gather [hbm4b:s1+s5], $0x80, $0x38;
	[tilespmem:$0x1C578] =	vst v63  }
0x174: {  	s30 =	sadd.s32 s26, s28  }
0x175: {  	[tilespmem:s11], [sflag:$0x6] =	stream.linear.gather [hbm4b:s30+s5], $0x80, $0x38;
	[tilespmem:$0x1C578] =	vst v63  }
0x176: {  	_ =	swait.ge [sflag:s2], $0x80  }
0x177: {  	[sflag:s2] =	ssyncset.done $0x0  }
0x178: {  	[sflag:s2] =	ssyncadd.s32 $0xFFFFFF80  }
0x179: {  	_ =	swait.ge [sflag:s2], $0x80  }
0x17a: {  	[sflag:s2] =	ssyncset.done $0x0  }
0x17b: {  	[sflag:s2] =	ssyncadd.s32 $0xFFFFFF80  }
0x17c: {  	_ =	swait.ge [sflag:s21], $0x4000  }
0x17d: {  	[sflag:s21] =	ssyncset.done $0x0  }
0x17e: {  	[sflag:s21] =	ssyncadd.s32 $0xFFFFC000  }
0x17f: {  	_ =	swait.ge [sflag:s22], $0x80  }
0x180: {  	[sflag:s22] =	ssyncset.done $0x0  }
0x181: {  	[sflag:s22] =	ssyncadd.s32 $0xFFFFFF80  }
0x182: {  	[tilespmem:s9], [sflag:$0x3] =	stream.indirect.gather [hbm4b:s7+s0], $0x80, s23, s0, $0xb8;
	[tilespmem:$0x1C578] =	vst v63  }
0x183: {  	_ =	swait.ge [sflag:s24], $0x4000  }
0x184: {  	[sflag:s24] =	ssyncset.done $0x0  }
0x185: {  	[sflag:s24] =	ssyncadd.s32 $0xFFFFC000  }
0x186: {  	[spmem:s3] =	stream.indirect.scatter.add.f32 [tilespmem:s16], [sflag:$0xA], $0x80, s19, s0, $0xb8;
	[tilespmem:$0x1C578] =	vst v63  }
0x187: {  	s6 =	rddreg [dreg:$0x6]  }
0x188: {  	[spmem:s4] =	stream.indirect.scatter.add.f32 [tilespmem:s17], [sflag:$0x2], $0x1, s19, s0, $0xb8;
	[tilespmem:$0x1C578] =	vst v63  }
0x189: {  	s28 =	rddreg [dreg:$0x5];
	s1 =	sadd.s32 s26, s6  }
0x18a: {  	[tilespmem:s12], [sflag:$0x7] =	stream.linear.gather [hbm4b:s1+s5], $0x80, $0x38;
	[tilespmem:$0x1C578] =	vst v63  }
0x18b: {  	s30 =	sadd.s32 s26, s28  }
0x18c: {  	[tilespmem:s13], [sflag:$0x7] =	stream.linear.gather [hbm4b:s30+s5], $0x80, $0x38;
	[tilespmem:$0x1C578] =	vst v63  }
0x18d: {  	_ =	swait.ge [sflag:s14], $0x80  }
0x18e: {  	[sflag:s14] =	ssyncset.done $0x0  }
0x18f: {  	[sflag:s14] =	ssyncadd.s32 $0xFFFFFF80  }
0x190: {  	_ =	swait.ge [sflag:s14], $0x80  }
0x191: {  	[sflag:s14] =	ssyncset.done $0x0  }
0x192: {  	[sflag:s14] =	ssyncadd.s32 $0xFFFFFF80  }
0x193: {  	_ =	swait.ge [sflag:s15], $0x4000  }
0x194: {  	[sflag:s15] =	ssyncset.done $0x0  }
0x195: {  	[sflag:s15] =	ssyncadd.s32 $0xFFFFC000  }
0x196: {  	_ =	swait.ge [sflag:s29], $0x80  }
0x197: {  	[sflag:s29] =	ssyncset.done $0x0  }
0x198: {  	[sflag:s29] =	ssyncadd.s32 $0xFFFFFF80  }
0x199: {  	[tilespmem:s16], [sflag:$0x4] =	stream.indirect.gather [hbm4b:s7+s0], $0x80, s10, s0, $0xb8;
	[tilespmem:$0x1C578] =	vst v63  }
0x19a: {  	_ =	swait.ge [sflag:s8], $0x4000  }
0x19b: {  	[sflag:s8] =	ssyncset.done $0x0  }
0x19c: {  	[sflag:s8] =	ssyncadd.s32 $0xFFFFC000  }
0x19d: {  	[spmem:s3] =	stream.indirect.scatter.add.f32 [tilespmem:s9], [sflag:$0x9], $0x80, s31, s0, $0xb8;
	[tilespmem:$0x1C578] =	vst v63  }
0x19e: {  	_ = 	snop  }
0x19f: {  	[spmem:s4] =	stream.indirect.scatter.add.f32 [tilespmem:s17], [sflag:$0x1], $0x1, s31, s0, $0xb8;
	[tilespmem:$0x1C578] =	vst v63  }
0x1a0: {  	s6 =	rddreg [dreg:$0x14]  }
0x1a1: {  	[tilespmem:s18], [sflag:$0x8] =	stream.linear.gather [hbm4b:s6+s5], $0x80, $0x38;
	[tilespmem:$0x1C578] =	vst v63  }
0x1a2: {  	s10 =	rddreg [dreg:$0x15]  }
0x1a3: {  	[tilespmem:s19], [sflag:$0x8] =	stream.linear.gather [hbm4b:s10+s5], $0x80, $0x38;
	[tilespmem:$0x1C578] =	vst v63  }
0x1a4: {  	_ =	swait.ge [sflag:s20], $0x80  }
0x1a5: {  	[sflag:s20] =	ssyncset.done $0x0  }
0x1a6: {  	[sflag:s20] =	ssyncadd.s32 $0xFFFFFF80  }
0x1a7: {  	_ =	swait.ge [sflag:s20], $0x80  }
0x1a8: {  	[sflag:s20] =	ssyncset.done $0x0  }
0x1a9: {  	[sflag:s20] =	ssyncadd.s32 $0xFFFFFF80  }
0x1aa: {  	_ =	swait.ge [sflag:s21], $0x4000  }
0x1ab: {  	[sflag:s21] =	ssyncset.done $0x0  }
0x1ac: {  	[sflag:s21] =	ssyncadd.s32 $0xFFFFC000  }
0x1ad: {  	_ =	swait.ge [sflag:s22], $0x80  }
0x1ae: {  	[sflag:s22] =	ssyncset.done $0x0  }
0x1af: {  	[sflag:s22] =	ssyncadd.s32 $0xFFFFFF80  }
0x1b0: {  	[tilespmem:s9], [sflag:$0x3] =	stream.indirect.gather [hbm4b:s7+s0], $0x80, s12, s0, $0xb8;
	[tilespmem:$0x1C578] =	vst v63  }
0x1b1: {  	_ =	swait.ge [sflag:s24], $0x4000  }
0x1b2: {  	[sflag:s24] =	ssyncset.done $0x0  }
0x1b3: {  	[sflag:s24] =	ssyncadd.s32 $0xFFFFC000  }
0x1b4: {  	[spmem:s3] =	stream.indirect.scatter.add.f32 [tilespmem:s16], [sflag:$0xA], $0x80, s11, s0, $0xb8;
	[tilespmem:$0x1C578] =	vst v63  }
0x1b5: {  	_ = 	snop  }
0x1b6: {  	[spmem:s4] =	stream.indirect.scatter.add.f32 [tilespmem:s17], [sflag:$0x2], $0x1, s11, s0, $0xb8;
	[tilespmem:$0x1C578] =	vst v63  }
0x1b7: {  	s12 =	rddreg [dreg:$0x16]  }
0x1b8: {  	[tilespmem:s23], [sflag:$0x5] =	stream.linear.gather [hbm4b:s12+s5], $0x80, $0x38;
	[tilespmem:$0x1C578] =	vst v63  }
0x1b9: {  	s26 =	rddreg [dreg:$0x17]  }
0x1ba: {  	[tilespmem:s31], [sflag:$0x5] =	stream.linear.gather [hbm4b:s26+s5], $0x80, $0x38;
	[tilespmem:$0x1C578] =	vst v63  }
0x1bb: {  	_ =	swait.ge [sflag:s25], $0x80  }
0x1bc: {  	[sflag:s25] =	ssyncset.done $0x0  }
0x1bd: {  	[sflag:s25] =	ssyncadd.s32 $0xFFFFFF80  }
0x1be: {  	_ =	swait.ge [sflag:s25], $0x80  }
0x1bf: {  	[sflag:s25] =	ssyncset.done $0x0  }
0x1c0: {  	[sflag:s25] =	ssyncadd.s32 $0xFFFFFF80  }
0x1c1: {  	_ =	swait.ge [sflag:s15], $0x4000  }
0x1c2: {  	[sflag:s15] =	ssyncset.done $0x0  }
0x1c3: {  	[sflag:s15] =	ssyncadd.s32 $0xFFFFC000  }
0x1c4: {  	_ =	swait.ge [sflag:s29], $0x80  }
0x1c5: {  	[sflag:s29] =	ssyncset.done $0x0  }
0x1c6: {  	[sflag:s29] =	ssyncadd.s32 $0xFFFFFF80  }
0x1c7: {  	[tilespmem:s16], [sflag:$0x4] =	stream.indirect.gather [hbm4b:s7+s0], $0x80, s18, s0, $0xb8;
	[tilespmem:$0x1C578] =	vst v63  }
0x1c8: {  	_ =	swait.ge [sflag:s8], $0x4000  }
0x1c9: {  	[sflag:s8] =	ssyncset.done $0x0  }
0x1ca: {  	[sflag:s8] =	ssyncadd.s32 $0xFFFFC000  }
0x1cb: {  	[spmem:s3] =	stream.indirect.scatter.add.f32 [tilespmem:s9], [sflag:$0x9], $0x80, s13, s0, $0xb8;
	[tilespmem:$0x1C578] =	vst v63  }
0x1cc: {  	_ = 	snop  }
0x1cd: {  	[spmem:s4] =	stream.indirect.scatter.add.f32 [tilespmem:s17], [sflag:$0x1], $0x1, s13, s0, $0xb8;
	[tilespmem:$0x1C578] =	vst v63  }
0x1ce: {  	_ =	swait.ge [sflag:s21], $0x4000  }
0x1cf: {  	[sflag:s21] =	ssyncset.done $0x0  }
0x1d0: {  	[sflag:s21] =	ssyncadd.s32 $0xFFFFC000  }
0x1d1: {  	_ =	swait.ge [sflag:s22], $0x80  }
0x1d2: {  	[sflag:s22] =	ssyncset.done $0x0  }
0x1d3: {  	[sflag:s22] =	ssyncadd.s32 $0xFFFFFF80  }
0x1d4: {  	_ =	swait.ge [sflag:s24], $0x4000  }
0x1d5: {  	[sflag:s24] =	ssyncset.done $0x0  }
0x1d6: {  	[sflag:s24] =	ssyncadd.s32 $0xFFFFC000  }
0x1d7: {  	_ =	swait.ge [sflag:s2], $0x80  }
0x1d8: {  	[sflag:s2] =	ssyncset.done $0x0  }
0x1d9: {  	[sflag:s2] =	ssyncadd.s32 $0xFFFFFF80  }
0x1da: {  	_ =	swait.ge [sflag:s2], $0x80  }
0x1db: {  	[sflag:s2] =	ssyncset.done $0x0  }
0x1dc: {  	[sflag:s2] =	ssyncadd.s32 $0xFFFFFF80  }
0x1dd: {  	[bflag:$0x0] =	sbarrier.arrive $0xFFFF  }
0x1de: {  	s30 =	sld [smem:$0x7FD]  }
0x1df: {  	s6 =	rddreg [dreg:$0x1b]  }
0x1e0: {  	s23 =	simm.s32 $0xB;
	s28 =	rddreg [dreg:$0x1c]  }
0x1e1: {  	[hbm:s28], [sflag:s6] =	dma.local [spmem:s30], $0x2780  }
0x1e2: {  	_ =	swait.ge [sflag:s23], $0x2780  }
0x1e3: {  	[sflag:s23] =	ssyncset.done $0x0  }
0x1e4: {  	s26 =	simm.s32 $0x13C00;
	s12 =	rddreg [dreg:$0x13];
	[sflag:s23] =	ssyncadd.s32 $0xFFFFD880  }
0x1e5: {  	[tilespmem:s26], [sflag:$0xB] =	stream.linear.gather [spmem:s12], $0x278, $0x38;
	[tilespmem:$0x1C578] =	vst v63  }
0x1e6: {  	_ =	swait.ge [sflag:s23], $0x278  }
0x1e7: {  	[sflag:s23] =	ssyncset.done $0x0  }
0x1e8: {  	s18 =	rddreg [dreg:$0x1d];
	[sflag:s23] =	ssyncadd.s32 $0xFFFFFD88  }
0x1e9: {  	[hbm4b:s18+s5] =	stream.linear.scatter [tilespmem:s26], [sflag:$0xB], $0x278, $0x38;
	[tilespmem:$0x1C578] =	vst v63  }
0x1ea: {  	_ =	swait.ge [sflag:s23], $0x278  }
0x1eb: {  	s28 =	rddreg [dreg:$0x1f]  }
0x1ec: {  	s30 =	rddreg [dreg:$0x18];
	s10 =	sadd.s32 $0x1, s28  }
0x1ed: {  	p0 =	sne.s32 s10, s30  }
.Ltmp1:
0x1ee: {  	_ = 	snop;
	(pc) =	sbr.rel @p0 .LBB2_1-.Ltmp1, $3  }
0x1ef: {  	_ =	sdelay $0x1  }
0x1f0: {  	[sflag:s23] =	ssyncset.done $0x0  }
0x1f1: {  	[sflag:s23] =	ssyncadd.s32 $0xFFFFFD88  }
0x1f2: {  	_ =	sfence.sel $0x180000  }
0x1f3: {  	[bflag:$0x0] =	sbarrier.arrive $0xFFFF  }
0x1f4: {  	_ =	strace $0x90000047  }
0x1f5: {  	s0 =	stileid.u32;
	[bflag:$0x2] =	sbarrier.arrive $0xFFFF  }
0x1f6: {  	p0 =	sne.s32 s0, $0x0;
	s0 =	rddreg [dreg:$0x4]  }
0x1f7: {  	s0 =	sadd.s32 @!p0 $0x100000, s0  }
0x1f8: {  	[sflag:s0] =	ssyncadd.tile.s32 @!p0 $0x1;
	_ =	shalt  }
.Lfunc_end2:
_tile_overlayer_lowered:
.L_overlay_start_2:
0x1f9: {  	(tag) =	ssettag $0x2  }
0x1fa: {  	s0 =	rddreg [dreg:$0x0];
	s2 =	stileid.u32  }
0x1fb: {  	s1 =	rddreg [dreg:$0x1];
	p0 =	sne.s32 s2, $0x0  }
0x1fc: {  	s3 =	rddreg [dreg:$0x2];
	[bflag:$0x3] =	sbarrier.arrive $0xFFFF;
	s2 =	simm.s32 @!p0 $0x1C0B  }
0x1fd: {  	[timem:s3], [sflag:s2] =	dma.local @!p0 [hbm:s0], s1  }
0x1fe: {  	s0 =	simm.s32 @!p0 $0xB  }
0x1ff: {  	_ =	swait.ge @!p0 [sflag:s0], s1  }
0x200: {  	s1 =	ssub.s32 @!p0 $0x0, s1;
	[sflag:s0] =	ssyncset.done @!p0 $0x0  }
0x201: {  	[sflag:s0] =	ssyncadd.s32 @!p0 s1  }
0x202: {  	[bflag:$0x3] =	sbarrier.arrive $0xFFFF  }
0x203: {  	_ =	shalt  }

</sc_bundles>
